<compile_context>
chip_gen: v7x
topology: tpu7x:2x2x1
jax: 0.10.2.dev20260603
libtpu: 0.0.44.dev20260713+nightly
codegen_flags: <defaults>
</compile_context>

<pallas_src>
import functools

import jax
import jax.numpy as jnp
from jax import lax
from jax.experimental import pallas as pl
from jax.experimental.pallas import tpu as pltpu
from jax.experimental.pallas import tpu_sc as plsc

N_NODES = 10000
N_EDGES = 320000
CLUS = 128
FOU1 = 64

NC = 2
NS = 16
NW = NC * NS
EW = N_EDGES // NW
CH = 80
NCH = EW // CH
NZT = 10
ROWS_PER_TILE = N_NODES // NZT

def _sc_pass1_body(xflat_hbm, src_hbm, dst_hbm, w_hbm, z8_hbm, z4_hbm,
                   stag0_hbm,
                   agg_out, deg_out,
                   src_v, dst_v, wvec_v, wbuf0_v, wbuf1_v, x_v,
                   stag0_v, stag1_v, zb8_v, zb4_v,
                   agg_sh, deg_sh, sem_a0, sem_d0, sem_a1, sem_d1):
    cid = lax.axis_index("c")
    sid = lax.axis_index("s")
    wid = cid * NS + sid

    @pl.when(sid < NZT)
    def _zero():
        zrows = pl.ds(sid * ROWS_PER_TILE, ROWS_PER_TILE)
        pltpu.sync_copy(z8_hbm, zb8_v)
        pltpu.sync_copy(zb8_v, agg_sh.at[zrows])
        pltpu.sync_copy(z4_hbm, zb4_v)
        pltpu.sync_copy(zb4_v, deg_sh.at[zrows])
    pltpu.sync_copy(z4_hbm.at[pl.ds(0, CH)], wbuf0_v)
    pltpu.sync_copy(z4_hbm.at[pl.ds(0, CH)], wbuf1_v)

    pltpu.sync_copy(xflat_hbm, x_v)
    pltpu.sync_copy(src_hbm.at[wid], src_v)
    pltpu.sync_copy(dst_hbm.at[wid], dst_v)
    pltpu.sync_copy(stag0_hbm, stag0_v)
    pltpu.sync_copy(stag0_hbm, stag1_v)
    plsc.subcore_barrier()

    lanes = lax.iota(jnp.int32, 16)
    zeros16 = jnp.zeros((16,), jnp.int32)
    bufs = ((stag0_v, wbuf0_v, sem_a0, sem_d0), (stag1_v, wbuf1_v, sem_a1, sem_d1))

    def fill(k, b):
        stag, wbuf, _, _ = bufs[b]
        pltpu.sync_copy(w_hbm.at[wid, pl.ds(k * CH, CH)], wvec_v)

        def group(g, carry):
            s16 = src_v[k, pl.ds(g * 16, 16)]
            rows = g * 16 + lanes
            for c in range(5):
                xc = plsc.load_gather(x_v, [s16 * 5 + c])
                plsc.store_scatter(stag, [rows, jnp.full((16,), c, jnp.int32)], xc)
            wv = wvec_v[pl.ds(g * 16, 16)]
            plsc.store_scatter(wbuf, [rows, zeros16], wv)
            return carry

        lax.fori_loop(0, CH // 16, group, 0, unroll=False)

    def start(k, b):
        stag, wbuf, sa, sd = bufs[b]
        pltpu.async_copy(stag, agg_sh.at[dst_v.at[k]], sa, add=True)
        pltpu.async_copy(wbuf, deg_sh.at[src_v.at[k]], sd, add=True)

    def wait(k, b):
        stag, wbuf, sa, sd = bufs[b]
        pltpu.make_async_copy(stag, agg_sh.at[dst_v.at[k]], sa).wait()
        pltpu.make_async_copy(wbuf, deg_sh.at[src_v.at[k]], sd).wait()

    fill(0, 0)
    start(0, 0)

    def pair(j, carry):
        k0 = 2 * j
        fill(k0 + 1, 1)
        start(k0 + 1, 1)
        wait(k0, 0)

        @pl.when(j + 1 < NCH // 2)
        def _next():
            fill(k0 + 2, 0)
            start(k0 + 2, 0)

        wait(k0 + 1, 1)
        return carry

    lax.fori_loop(0, NCH // 2, pair, 0, unroll=False)
    if NCH % 2:
        fill(NCH - 1, 0)
        start(NCH - 1, 0)
        wait(NCH - 1, 0)
    plsc.subcore_barrier()

    @pl.when(sid < NZT)
    def _writeout():
        rows = pl.ds(sid * ROWS_PER_TILE, ROWS_PER_TILE)
        pltpu.sync_copy(agg_sh.at[rows], zb8_v)
        pltpu.sync_copy(zb8_v, agg_out.at[cid, rows])
        pltpu.sync_copy(deg_sh.at[rows], zb4_v)
        pltpu.sync_copy(zb4_v, deg_out.at[cid, rows])


def _sc_pass2_body(q_hbm, src_hbm, dst_hbm, w_hbm, part_out,
                   src_v, dst_v, w_v,
                   qa0_v, qb0_v, qa1_v, qb1_v, acc_v,
                   sem_a0, sem_b0, sem_a1, sem_b1):
    cid = lax.axis_index("c")
    sid = lax.axis_index("s")
    wid = cid * NS + sid

    pltpu.sync_copy(src_hbm.at[wid], src_v)
    pltpu.sync_copy(dst_hbm.at[wid], dst_v)
    pltpu.sync_copy(w_hbm.at[wid], w_v)

    bufs = ((qa0_v, qb0_v, sem_a0, sem_b0), (qa1_v, qb1_v, sem_a1, sem_b1))

    def start(k, b):
        qa, qb, sa, sb = bufs[b]
        pltpu.async_copy(q_hbm.at[src_v.at[k]], qa, sa)
        pltpu.async_copy(q_hbm.at[dst_v.at[k]], qb, sb)

    def compute(k, b, acc):
        qa, qb, sa, sb = bufs[b]
        pltpu.make_async_copy(q_hbm.at[src_v.at[k]], qa, sa).wait()
        pltpu.make_async_copy(q_hbm.at[dst_v.at[k]], qb, sb).wait()

        def row(r, acc):
            wbc = plsc.load_gather(w_v, [jnp.full((16,), k * CH + r, jnp.int32)])
            d = qa[r, pl.ds(0, 16)] * qb[r, pl.ds(0, 16)]
            for u in range(1, CLUS // 16):
                d = d + qa[r, pl.ds(u * 16, 16)] * qb[r, pl.ds(u * 16, 16)]
            return acc + wbc * d

        return lax.fori_loop(0, CH, row, acc, unroll=2)

    start(0, 0)

    def pair(j, acc):
        k0 = 2 * j
        start(k0 + 1, 1)
        acc = compute(k0, 0, acc)

        @pl.when(j + 1 < NCH // 2)
        def _next():
            start(k0 + 2, 0)

        return compute(k0 + 1, 1, acc)

    acc = lax.fori_loop(0, NCH // 2, pair, jnp.zeros((16,), jnp.float32),
                        unroll=False)
    if NCH % 2:
        start(NCH - 1, 0)
        acc = compute(NCH - 1, 0, acc)
    acc_v[...] = acc
    pltpu.sync_copy(acc_v, part_out.at[pl.ds(wid * 16, 16)])


@functools.cache
def _sc_kernels():
    mesh = plsc.VectorSubcoreMesh(core_axis_name="c", subcore_axis_name="s")
    params = pltpu.CompilerParams(needs_layout_passes=False, use_tc_tiling_on_sc=False)
    pass1 = pl.kernel(
        _sc_pass1_body,
        mesh=mesh,
        compiler_params=params,
        out_type=[
            jax.ShapeDtypeStruct((NC, N_NODES, 16), jnp.float32),
            jax.ShapeDtypeStruct((NC, N_NODES, 16), jnp.float32),
        ],
        scratch_types=[
            pltpu.VMEM((NCH, CH), jnp.int32),
            pltpu.VMEM((NCH, CH), jnp.int32),
            pltpu.VMEM((CH,), jnp.float32),
            pltpu.VMEM((CH, 16), jnp.float32),
            pltpu.VMEM((CH, 16), jnp.float32),
            pltpu.VMEM((N_NODES * 5,), jnp.float32),
            pltpu.VMEM((CH, 16), jnp.float32),
            pltpu.VMEM((CH, 16), jnp.float32),
            pltpu.VMEM((ROWS_PER_TILE, 16), jnp.float32),
            pltpu.VMEM((ROWS_PER_TILE, 16), jnp.float32),
            pltpu.VMEM_SHARED((N_NODES, 16), jnp.float32),
            pltpu.VMEM_SHARED((N_NODES, 16), jnp.float32),
            pltpu.SemaphoreType.DMA,
            pltpu.SemaphoreType.DMA,
            pltpu.SemaphoreType.DMA,
            pltpu.SemaphoreType.DMA,
        ],
    )
    pass2 = pl.kernel(
        _sc_pass2_body,
        mesh=mesh,
        compiler_params=params,
        out_type=jax.ShapeDtypeStruct((NW * 16,), jnp.float32),
        scratch_types=[
            pltpu.VMEM((NCH, CH), jnp.int32),
            pltpu.VMEM((NCH, CH), jnp.int32),
            pltpu.VMEM((EW,), jnp.float32),
            pltpu.VMEM((CH, CLUS), jnp.float32),
            pltpu.VMEM((CH, CLUS), jnp.float32),
            pltpu.VMEM((CH, CLUS), jnp.float32),
            pltpu.VMEM((CH, CLUS), jnp.float32),
            pltpu.VMEM((16,), jnp.float32),
            pltpu.SemaphoreType.DMA,
            pltpu.SemaphoreType.DMA,
            pltpu.SemaphoreType.DMA,
            pltpu.SemaphoreType.DMA,
        ],
    )
    return pass1, pass2


_RB = 2000
_NB = N_NODES // _RB


def _tc_body(agg_ref, deg_ref, x_ref, wa_ref, wx_ref, bcat_ref,
             w2e_w_ref, w2e_root_ref, w2e_b_ref,
             lin1_w_ref, lin1_b_ref, lin2_w_ref, lin2_b_ref,
             q_ref, sums2_ref, logp_ref,
             out_acc, s2_acc):
    i = pl.program_id(0)

    @pl.when(i == 0)
    def _init():
        out_acc[...] = jnp.zeros_like(out_acc)
        s2_acc[0] = 0.0

    ag = agg_ref[0] + agg_ref[1]
    cnt = jnp.maximum(ag[:, 5:6], 1.0)
    aggm = ag[:, 0:8] / cnt
    x = x_ref[...]
    z = (jnp.dot(aggm, wa_ref[...], preferred_element_type=jnp.float32)
         + jnp.dot(x, wx_ref[...], preferred_element_type=jnp.float32)
         + bcat_ref[...])
    mat_s = z[:, :CLUS]
    mat_y = jnp.maximum(z[:, CLUS:], 0.0)
    m = jnp.max(mat_s, axis=1, keepdims=True)
    e = jnp.exp(mat_s - m)
    s = jnp.sum(e, axis=1, keepdims=True)
    S = e / s
    deg = deg_ref[0][:, 0:1] + deg_ref[1][:, 0:1]
    dinv = jnp.where(deg > 0, lax.rsqrt(jnp.maximum(deg, 1e-12)), 0.0)
    q_ref[...] = dinv * S
    s2_acc[0] += jnp.sum(S * S)
    out_acc[...] += lax.dot_general(S, mat_y, (((0,), (0,)), ((), ())),
                                    preferred_element_type=jnp.float32)

    @pl.when(i == _NB - 1)
    def _head():
        out = out_acc[...]
        agg2 = jnp.dot(jnp.sum(out, axis=0, keepdims=True) / CLUS,
                       w2e_w_ref[...], preferred_element_type=jnp.float32)
        mat_y2 = jnp.maximum(
            agg2 + jnp.dot(out, w2e_root_ref[...],
                           preferred_element_type=jnp.float32)
            + w2e_b_ref[...], 0.0)
        out2 = jnp.sum(mat_y2, axis=0, keepdims=True)
        h = jnp.maximum(
            jnp.dot(out2, lin1_w_ref[...], preferred_element_type=jnp.float32)
            + lin1_b_ref[...], 0.0)
        h2 = (jnp.dot(h, lin2_w_ref[...], preferred_element_type=jnp.float32)
              + lin2_b_ref[...])
        mh = jnp.max(h2, axis=1, keepdims=True)
        lse = mh + jnp.log(jnp.sum(jnp.exp(h2 - mh), axis=1, keepdims=True))
        logp_ref[...] = h2 - lse
        sums2_ref[0, 0] = s2_acc[0]


def _tc_main(agg, deg, x, wa, wx, bcat, w2e_w, w2e_root, w2e_b,
             lin1_w, lin1_b, lin2_w, lin2_b):
    full = lambda *shape: pl.BlockSpec(shape, lambda i: (0,) * len(shape))
    return pl.pallas_call(
        _tc_body,
        grid=(_NB,),
        in_specs=[
            pl.BlockSpec((NC, _RB, 16), lambda i: (0, i, 0)),
            pl.BlockSpec((NC, _RB, 16), lambda i: (0, i, 0)),
            pl.BlockSpec((_RB, 5), lambda i: (i, 0)),
            full(8, 192), full(5, 192), full(1, 192),
            full(FOU1, FOU1), full(FOU1, FOU1), full(1, FOU1),
            full(FOU1, 256), full(1, 256), full(256, 8), full(1, 8),
        ],
        out_specs=[
            pl.BlockSpec((_RB, CLUS), lambda i: (i, 0)),
            pl.BlockSpec(memory_space=pltpu.SMEM),
            pl.BlockSpec((1, 8), lambda i: (0, 0)),
        ],
        out_shape=[
            jax.ShapeDtypeStruct((N_NODES, CLUS), jnp.float32),
            jax.ShapeDtypeStruct((1, 1), jnp.float32),
            jax.ShapeDtypeStruct((1, 8), jnp.float32),
        ],
        scratch_shapes=[
            pltpu.VMEM((CLUS, FOU1), jnp.float32),
            pltpu.SMEM((1,), jnp.float32),
        ],
    )(agg, deg, x, wa, wx, bcat, w2e_w, w2e_root, w2e_b,
      lin1_w, lin1_b, lin2_w, lin2_b)


def kernel(x, edge_index, edge_wht,
           w1p_w, w1p_root, w1p_b, w1e_w, w1e_root, w1e_b,
           w2p_w, w2p_root, w2p_b, w2e_w, w2e_root, w2e_b,
           lin1_w, lin1_b, lin2_w, lin2_b):
    f32 = jnp.float32
    src = edge_index[0].astype(jnp.int32)
    dst = edge_index[1].astype(jnp.int32)
    w = edge_wht.reshape(-1).astype(f32)

    src_r = src.reshape(NW, NCH, CH)
    dst_r = dst.reshape(NW, NCH, CH)
    w_r = w.reshape(NW, EW)
    xflat = x.reshape(-1).astype(f32)
    z8 = jnp.zeros((ROWS_PER_TILE, 16), f32)
    z4 = jnp.zeros((ROWS_PER_TILE, 16), f32)
    stag0 = jnp.zeros((CH, 16), f32).at[:, 5].set(1.0)

    wa = jnp.zeros((8, 192), f32).at[0:5, 0:128].set(w1p_w).at[0:5, 128:].set(w1e_w)
    wx = jnp.concatenate([w1p_root, w1e_root], axis=1)
    bcat = jnp.concatenate([w1p_b, w1e_b]).reshape(1, 192)

    sc_pass1, sc_pass2 = _sc_kernels()
    agg, deg = sc_pass1(xflat, src_r, dst_r, w_r, z8, z4, stag0)
    q, sums2, logp = _tc_main(
        agg, deg, x, wa, wx, bcat,
        w2e_w, w2e_root, w2e_b.reshape(1, FOU1),
        lin1_w, lin1_b.reshape(1, 256), lin2_w, lin2_b.reshape(1, 8))
    parts = sc_pass2(q, src_r, dst_r, w_r)
    reg1 = (sums2[0, 0] - jnp.sum(parts)) / f32(N_NODES)
    return logp, reg1

# --- scband reference (transcript-rebuilt; emitter-appended) ---
"""Pipeline reference for scband-gcnet-18030272709117 (READ-ONLY COPY).

The authoritative reference and input builder live on the scoring server;
editing this copy changes nothing except your own understanding.
"""

import jax, jax.numpy as jnp
import numpy as np

N = 10000
E = 320000
FIN = 5
FOU1 = 64
CLUS = 128
FOU2 = 64
HLIN = 256
OUTP = 8


def _glorot(k, shape):
    s = (6.0 / (shape[0] + shape[-1])) ** 0.5
    return jax.random.uniform(k, shape, minval=-s, maxval=s, dtype=jnp.float32)


def setup_inputs(seed: int = 0):
    key = jax.random.key(seed)
    ks = jax.random.split(key, 16)
    inp = {}
    inp['x'] = jax.random.normal(ks[0], (N, FIN), dtype=jnp.float32)
    inp['edge_index'] = jax.random.randint(ks[1], (2, E), 0, N)
    inp['edge_wht'] = jax.random.uniform(ks[2], (E, 1), minval=0.1, maxval=1.0, dtype=jnp.float32)
    inp['w1p_w'] = _glorot(ks[3], (FIN, CLUS)); inp['w1p_root'] = _glorot(ks[4], (FIN, CLUS)); inp['w1p_b'] = jnp.zeros((CLUS,), jnp.float32)
    inp['w1e_w'] = _glorot(ks[5], (FIN, FOU1)); inp['w1e_root'] = _glorot(ks[6], (FIN, FOU1)); inp['w1e_b'] = jnp.zeros((FOU1,), jnp.float32)
    inp['w2p_w'] = _glorot(ks[7], (FOU1, 1)); inp['w2p_root'] = _glorot(ks[8], (FOU1, 1)); inp['w2p_b'] = jnp.zeros((1,), jnp.float32)
    inp['w2e_w'] = _glorot(ks[9], (FOU1, FOU2)); inp['w2e_root'] = _glorot(ks[10], (FOU1, FOU2)); inp['w2e_b'] = jnp.zeros((FOU2,), jnp.float32)
    inp['lin1_w'] = _glorot(ks[11], (FOU2, HLIN)); inp['lin1_b'] = jnp.zeros((HLIN,), jnp.float32)
    inp['lin2_w'] = _glorot(ks[12], (HLIN, OUTP)); inp['lin2_b'] = jnp.zeros((OUTP,), jnp.float32)
    return inp


def _spline_conv_k1(x, src, dst, W, Wroot, b, n):
    # SplineConv with kernel_size=1: B-spline basis is identically 1 for the single
    # kernel weight, so message = x_j @ W[0]; default aggr='mean'; root weight + bias.
    msg = (x @ W)[src]
    agg = jax.ops.segment_sum(msg, dst, num_segments=n)
    cnt = jax.ops.segment_sum(jnp.ones((src.shape[0],), msg.dtype), dst, num_segments=n)
    agg = agg / jnp.maximum(cnt, 1.0)[:, None]
    return agg + x @ Wroot + b


def _forward(edge_index, x, edge_wht,
             w1p_w, w1p_root, w1p_b, w1e_w, w1e_root, w1e_b,
             w2p_w, w2p_root, w2p_b, w2e_w, w2e_root, w2e_b,
             lin1_w, lin1_b, lin2_w, lin2_b):
    src = edge_index[0]
    dst = edge_index[1]
    w = edge_wht.reshape(-1)
    n = x.shape[0]
    # pros_data: pseudo coords from spectral domain (first 3 feature columns)
    domain = x[:, :3]
    pc = domain[src] - domain[dst]
    pc = pc / (2.0 * jnp.max(jnp.abs(pc))) + 0.5  # unused by kernel_size=1 basis but computed faithfully
    # normalized-laplacian degree terms (scipy csgraph.laplacian, normed=True)
    deg = jax.ops.segment_sum(w, src, num_segments=n)
    dinv = jnp.where(deg > 0, 1.0 / jnp.sqrt(jnp.maximum(deg, 1e-12)), 0.0)
    # first GC block
    mat_s = _spline_conv_k1(x, src, dst, w1p_w, w1p_root, w1p_b, n)
    mat_y = jax.nn.relu(_spline_conv_k1(x, src, dst, w1e_w, w1e_root, w1e_b, n))
    # learn_pool (notlast=1)
    S = jax.nn.softmax(mat_s, axis=-1)
    out = S.T @ mat_y
    AS = jax.ops.segment_sum(w[:, None] * S[dst], src, num_segments=n)   # sparse A @ S
    out_adj = S.T @ AS
    DS = dinv[:, None] * S
    LS = S - dinv[:, None] * jax.ops.segment_sum(w[:, None] * DS[dst], src, num_segments=n)  # L @ S
    reg1 = jnp.sum(S * LS) / n  # trace(S^T L S) / nds
    out_domain = S.T @ domain
    c = out_adj.shape[0]
    # dense_to_sparse of the (fully dense after softmax) pooled adjacency -> all pairs
    ii, jj = jnp.meshgrid(jnp.arange(c), jnp.arange(c), indexing='ij')
    idx0 = ii.reshape(-1)
    idx1 = jj.reshape(-1)
    val = out_adj.reshape(-1)
    opc = out_domain[idx0] - out_domain[idx1]
    opc = opc / (2.0 * jnp.max(jnp.abs(opc))) + 0.5
    # second GC block on pooled graph
    mat_s2 = _spline_conv_k1(out, idx0, idx1, w2p_w, w2p_root, w2p_b, c)
    mat_y2 = jax.nn.relu(_spline_conv_k1(out, idx0, idx1, w2e_w, w2e_root, w2e_b, c))
    # learn_pool (notlast=0)
    S2 = jax.nn.softmax(mat_s2, axis=-1)  # softmax over dim of size 1 -> ones (faithful)
    out2 = S2.T @ mat_y2  # [1, FOU2]
    h = jax.nn.relu(out2 @ lin1_w + lin1_b)
    h = h @ lin2_w + lin2_b
    logp = jax.nn.log_softmax(h[0], axis=-1)[None, :]
    return (logp, reg1)


def reference(x, edge_index, edge_wht,
              w1p_w, w1p_root, w1p_b, w1e_w, w1e_root, w1e_b,
              w2p_w, w2p_root, w2p_b, w2e_w, w2e_root, w2e_b,
              lin1_w, lin1_b, lin2_w, lin2_b):
    return _forward(edge_index, x, edge_wht,
                    w1p_w, w1p_root, w1p_b, w1e_w, w1e_root, w1e_b,
                    w2p_w, w2p_root, w2p_b, w2e_w, w2e_root, w2e_b,
                    lin1_w, lin1_b, lin2_w, lin2_b)

if __name__ == "__main__":
    import jax
    _d = setup_inputs()
    print(jax.jit(kernel)(*tuple(_d.values())))

</pallas_src>

<mosaic_0001>
#map = affine_map<(d0, d1) -> (0, 0)>
#map1 = affine_map<(d0, d1) -> (0, 0, 0)>
#map2 = affine_map<(d0, d1) -> (0)>
module attributes {stable_mosaic.version = 14 : i64} {
  func.func @_sc_pass2_body(%arg0: i32, %arg1: i32, %arg2: memref<10000x128xf32, #tpu.memory_space<hbm>>, %arg3: memref<32x125x80xi32, #tpu.memory_space<hbm>>, %arg4: memref<32x125x80xi32, #tpu.memory_space<hbm>>, %arg5: memref<32x10000xf32, #tpu.memory_space<hbm>>, %arg6: memref<512xf32, #tpu.memory_space<hbm>>, %arg7: memref<125x80xi32, #tpu.memory_space<vmem>>, %arg8: memref<125x80xi32, #tpu.memory_space<vmem>>, %arg9: memref<10000xf32, #tpu.memory_space<vmem>>, %arg10: memref<80x128xf32, #tpu.memory_space<vmem>>, %arg11: memref<80x128xf32, #tpu.memory_space<vmem>>, %arg12: memref<80x128xf32, #tpu.memory_space<vmem>>, %arg13: memref<80x128xf32, #tpu.memory_space<vmem>>, %arg14: memref<16xf32, #tpu.memory_space<vmem>>, %arg15: memref<!tpu.dma_semaphore, #tpu.memory_space<semaphore_mem>>, %arg16: memref<!tpu.dma_semaphore, #tpu.memory_space<semaphore_mem>>, %arg17: memref<!tpu.dma_semaphore, #tpu.memory_space<semaphore_mem>>, %arg18: memref<!tpu.dma_semaphore, #tpu.memory_space<semaphore_mem>>) attributes {dimension_semantics = [#tpu.dimension_semantics<core_parallel>, #tpu.dimension_semantics<subcore_parallel>], iteration_bounds = array<i64: 2, 16>, scalar_prefetch = 0 : i64, scratch_operands = 12 : i64, tpu.core_type = #tpu.core_type<sc_vector_subcore>, window_params = [{transform_indices = #map}, {transform_indices = #map1}, {transform_indices = #map1}, {transform_indices = #map}, {transform_indices = #map2}]} {
    %mul3A = arith.constant 16 : i32
    %mul3A_0 = arith.muli %arg0, %mul3A : i32
    %add3A = arith.addi %mul3A_0, %arg1 : i32
    "tpu.region"() ({
      %run_scoped3A = tpu.sem_alloc : memref<!tpu.dma_semaphore, #tpu.memory_space<semaphore_mem>>
      %dma_start3A_56 = arith.constant 0 : i32
      %dma_start3A_57 = arith.constant 0 : i32
      %dma_start3A_58 = tpu.memref_slice %arg3[%add3A, %dma_start3A_56, %dma_start3A_57] : memref<32x125x80xi32, #tpu.memory_space<hbm>> -> memref<1x125x80xi32, #tpu.memory_space<hbm>>
      %dma_start3A_59 = tpu.memref_squeeze %dma_start3A_58 : memref<1x125x80xi32, #tpu.memory_space<hbm>> -> memref<125x80xi32, #tpu.memory_space<hbm>>
      %dma_start3A_60 = arith.constant 0 : i32
      %dma_start3A_61 = arith.constant 0 : i32
      %dma_start3A_62 = tpu.memref_slice %arg3[%add3A, %dma_start3A_60, %dma_start3A_61] : memref<32x125x80xi32, #tpu.memory_space<hbm>> -> memref<1x125x80xi32, #tpu.memory_space<hbm>>
      %dma_start3A_63 = tpu.memref_squeeze %dma_start3A_62 : memref<1x125x80xi32, #tpu.memory_space<hbm>> -> memref<125x80xi32, #tpu.memory_space<hbm>>
      tpu.enqueue_dma source(%dma_start3A_63 : memref<125x80xi32, #tpu.memory_space<hbm>>) target(%arg7 : memref<125x80xi32, #tpu.memory_space<vmem>>) target_semaphore(%run_scoped3A : memref<!tpu.dma_semaphore, #tpu.memory_space<semaphore_mem>>)
      %dma_wait3A_64 = arith.constant 0 : i32
      %dma_wait3A_65 = arith.constant 0 : i32
      %dma_wait3A_66 = tpu.memref_slice %arg3[%add3A, %dma_wait3A_64, %dma_wait3A_65] : memref<32x125x80xi32, #tpu.memory_space<hbm>> -> memref<1x125x80xi32, #tpu.memory_space<hbm>>
      %dma_wait3A_67 = tpu.memref_squeeze %dma_wait3A_66 : memref<1x125x80xi32, #tpu.memory_space<hbm>> -> memref<125x80xi32, #tpu.memory_space<hbm>>
      %dma_wait3A_68 = arith.constant 0 : i32
      %dma_wait3A_69 = arith.constant 0 : i32
      %dma_wait3A_70 = tpu.memref_slice %arg3[%add3A, %dma_wait3A_68, %dma_wait3A_69] : memref<32x125x80xi32, #tpu.memory_space<hbm>> -> memref<1x125x80xi32, #tpu.memory_space<hbm>>
      %dma_wait3A_71 = tpu.memref_squeeze %dma_wait3A_70 : memref<1x125x80xi32, #tpu.memory_space<hbm>> -> memref<125x80xi32, #tpu.memory_space<hbm>>
      tpu.wait_dma2 semaphore(%run_scoped3A : memref<!tpu.dma_semaphore, #tpu.memory_space<semaphore_mem>>) src(%dma_wait3A_71 : memref<125x80xi32, #tpu.memory_space<hbm>>) dst(%arg7 : memref<125x80xi32, #tpu.memory_space<vmem>>)
      tpu.yield
    }) : () -> ()
    "tpu.region"() ({
      %run_scoped3A = tpu.sem_alloc : memref<!tpu.dma_semaphore, #tpu.memory_space<semaphore_mem>>
      %dma_start3A_56 = arith.constant 0 : i32
      %dma_start3A_57 = arith.constant 0 : i32
      %dma_start3A_58 = tpu.memref_slice %arg4[%add3A, %dma_start3A_56, %dma_start3A_57] : memref<32x125x80xi32, #tpu.memory_space<hbm>> -> memref<1x125x80xi32, #tpu.memory_space<hbm>>
      %dma_start3A_59 = tpu.memref_squeeze %dma_start3A_58 : memref<1x125x80xi32, #tpu.memory_space<hbm>> -> memref<125x80xi32, #tpu.memory_space<hbm>>
      %dma_start3A_60 = arith.constant 0 : i32
      %dma_start3A_61 = arith.constant 0 : i32
      %dma_start3A_62 = tpu.memref_slice %arg4[%add3A, %dma_start3A_60, %dma_start3A_61] : memref<32x125x80xi32, #tpu.memory_space<hbm>> -> memref<1x125x80xi32, #tpu.memory_space<hbm>>
      %dma_start3A_63 = tpu.memref_squeeze %dma_start3A_62 : memref<1x125x80xi32, #tpu.memory_space<hbm>> -> memref<125x80xi32, #tpu.memory_space<hbm>>
      tpu.enqueue_dma source(%dma_start3A_63 : memref<125x80xi32, #tpu.memory_space<hbm>>) target(%arg8 : memref<125x80xi32, #tpu.memory_space<vmem>>) target_semaphore(%run_scoped3A : memref<!tpu.dma_semaphore, #tpu.memory_space<semaphore_mem>>)
      %dma_wait3A_64 = arith.constant 0 : i32
      %dma_wait3A_65 = arith.constant 0 : i32
      %dma_wait3A_66 = tpu.memref_slice %arg4[%add3A, %dma_wait3A_64, %dma_wait3A_65] : memref<32x125x80xi32, #tpu.memory_space<hbm>> -> memref<1x125x80xi32, #tpu.memory_space<hbm>>
      %dma_wait3A_67 = tpu.memref_squeeze %dma_wait3A_66 : memref<1x125x80xi32, #tpu.memory_space<hbm>> -> memref<125x80xi32, #tpu.memory_space<hbm>>
      %dma_wait3A_68 = arith.constant 0 : i32
      %dma_wait3A_69 = arith.constant 0 : i32
      %dma_wait3A_70 = tpu.memref_slice %arg4[%add3A, %dma_wait3A_68, %dma_wait3A_69] : memref<32x125x80xi32, #tpu.memory_space<hbm>> -> memref<1x125x80xi32, #tpu.memory_space<hbm>>
      %dma_wait3A_71 = tpu.memref_squeeze %dma_wait3A_70 : memref<1x125x80xi32, #tpu.memory_space<hbm>> -> memref<125x80xi32, #tpu.memory_space<hbm>>
      tpu.wait_dma2 semaphore(%run_scoped3A : memref<!tpu.dma_semaphore, #tpu.memory_space<semaphore_mem>>) src(%dma_wait3A_71 : memref<125x80xi32, #tpu.memory_space<hbm>>) dst(%arg8 : memref<125x80xi32, #tpu.memory_space<vmem>>)
      tpu.yield
    }) : () -> ()
    "tpu.region"() ({
      %run_scoped3A = tpu.sem_alloc : memref<!tpu.dma_semaphore, #tpu.memory_space<semaphore_mem>>
      %dma_start3A_56 = arith.constant 0 : i32
      %dma_start3A_57 = tpu.memref_slice %arg5[%add3A, %dma_start3A_56] : memref<32x10000xf32, #tpu.memory_space<hbm>> -> memref<1x10000xf32, #tpu.memory_space<hbm>>
      %dma_start3A_58 = tpu.memref_squeeze %dma_start3A_57 : memref<1x10000xf32, #tpu.memory_space<hbm>> -> memref<10000xf32, #tpu.memory_space<hbm>>
      %dma_start3A_59 = arith.constant 0 : i32
      %dma_start3A_60 = tpu.memref_slice %arg5[%add3A, %dma_start3A_59] : memref<32x10000xf32, #tpu.memory_space<hbm>> -> memref<1x10000xf32, #tpu.memory_space<hbm>>
      %dma_start3A_61 = tpu.memref_squeeze %dma_start3A_60 : memref<1x10000xf32, #tpu.memory_space<hbm>> -> memref<10000xf32, #tpu.memory_space<hbm>>
      tpu.enqueue_dma source(%dma_start3A_61 : memref<10000xf32, #tpu.memory_space<hbm>>) target(%arg9 : memref<10000xf32, #tpu.memory_space<vmem>>) target_semaphore(%run_scoped3A : memref<!tpu.dma_semaphore, #tpu.memory_space<semaphore_mem>>)
      %dma_wait3A_62 = arith.constant 0 : i32
      %dma_wait3A_63 = tpu.memref_slice %arg5[%add3A, %dma_wait3A_62] : memref<32x10000xf32, #tpu.memory_space<hbm>> -> memref<1x10000xf32, #tpu.memory_space<hbm>>
      %dma_wait3A_64 = tpu.memref_squeeze %dma_wait3A_63 : memref<1x10000xf32, #tpu.memory_space<hbm>> -> memref<10000xf32, #tpu.memory_space<hbm>>
      %dma_wait3A_65 = arith.constant 0 : i32
      %dma_wait3A_66 = tpu.memref_slice %arg5[%add3A, %dma_wait3A_65] : memref<32x10000xf32, #tpu.memory_space<hbm>> -> memref<1x10000xf32, #tpu.memory_space<hbm>>
      %dma_wait3A_67 = tpu.memref_squeeze %dma_wait3A_66 : memref<1x10000xf32, #tpu.memory_space<hbm>> -> memref<10000xf32, #tpu.memory_space<hbm>>
      tpu.wait_dma2 semaphore(%run_scoped3A : memref<!tpu.dma_semaphore, #tpu.memory_space<semaphore_mem>>) src(%dma_wait3A_67 : memref<10000xf32, #tpu.memory_space<hbm>>) dst(%arg9 : memref<10000xf32, #tpu.memory_space<vmem>>)
      tpu.yield
    }) : () -> ()
    %dma_start3A = arith.constant 0 : i32
    %dma_start3A_1 = arith.constant 0 : i32
    %dma_start3A_2 = tpu.memref_slice %arg7[%dma_start3A, %dma_start3A_1] : memref<125x80xi32, #tpu.memory_space<vmem>> -> memref<1x80xi32, #tpu.memory_space<vmem>>
    %dma_start3A_3 = tpu.memref_squeeze %dma_start3A_2 : memref<1x80xi32, #tpu.memory_space<vmem>> -> memref<80xi32, #tpu.memory_space<vmem>>
    %dma_start3A_4 = arith.constant 0 : i32
    %dma_start3A_5 = arith.constant 0 : i32
    %dma_start3A_6 = tpu.memref_slice %arg2[%dma_start3A_4, %dma_start3A_5] : memref<10000x128xf32, #tpu.memory_space<hbm>> -> memref<10000x128xf32, #tpu.memory_space<hbm>>
    tpu.enqueue_indirect_dma source(%dma_start3A_6 : memref<10000x128xf32, #tpu.memory_space<hbm>>) target(%arg10 : memref<80x128xf32, #tpu.memory_space<vmem>>) offsets(%dma_start3A_3 : memref<80xi32, #tpu.memory_space<vmem>>) semaphore(%arg15 : memref<!tpu.dma_semaphore, #tpu.memory_space<semaphore_mem>>)
    %dma_start3A_7 = arith.constant 0 : i32
    %dma_start3A_8 = arith.constant 0 : i32
    %dma_start3A_9 = tpu.memref_slice %arg8[%dma_start3A_7, %dma_start3A_8] : memref<125x80xi32, #tpu.memory_space<vmem>> -> memref<1x80xi32, #tpu.memory_space<vmem>>
    %dma_start3A_10 = tpu.memref_squeeze %dma_start3A_9 : memref<1x80xi32, #tpu.memory_space<vmem>> -> memref<80xi32, #tpu.memory_space<vmem>>
    %dma_start3A_11 = arith.constant 0 : i32
    %dma_start3A_12 = arith.constant 0 : i32
    %dma_start3A_13 = tpu.memref_slice %arg2[%dma_start3A_11, %dma_start3A_12] : memref<10000x128xf32, #tpu.memory_space<hbm>> -> memref<10000x128xf32, #tpu.memory_space<hbm>>
    tpu.enqueue_indirect_dma source(%dma_start3A_13 : memref<10000x128xf32, #tpu.memory_space<hbm>>) target(%arg11 : memref<80x128xf32, #tpu.memory_space<vmem>>) offsets(%dma_start3A_10 : memref<80xi32, #tpu.memory_space<vmem>>) semaphore(%arg16 : memref<!tpu.dma_semaphore, #tpu.memory_space<semaphore_mem>>)
    %broadcast_in_dim3A = arith.constant 0.000000e+00 : f32
    %broadcast_in_dim3A_14 = vector.broadcast %broadcast_in_dim3A : f32 to vector<16xf32>
    %scan3A = arith.constant 0 : i32
    %scan3A_15 = arith.constant 62 : i32
    %scan3A_16 = arith.addi %scan3A, %scan3A_15 : i32
    %scan3A_17 = arith.constant 1 : i32
    %scan3A_18 = scf.for %scan3A_56 = %scan3A to %scan3A_16 step %scan3A_17 iter_args(%scan3A_57 = %broadcast_in_dim3A_14) -> (vector<16xf32>)  : i32 {
      %mul3A_58 = arith.constant 2 : i32
      %mul3A_59 = arith.muli %mul3A_58, %scan3A_56 : i32
      %add3A_60 = arith.constant 1 : i32
      %add3A_61 = arith.addi %mul3A_59, %add3A_60 : i32
      %dma_start3A_62 = arith.constant 0 : i32
      %dma_start3A_63 = tpu.memref_slice %arg7[%add3A_61, %dma_start3A_62] : memref<125x80xi32, #tpu.memory_space<vmem>> -> memref<1x80xi32, #tpu.memory_space<vmem>>
      %dma_start3A_64 = tpu.memref_squeeze %dma_start3A_63 : memref<1x80xi32, #tpu.memory_space<vmem>> -> memref<80xi32, #tpu.memory_space<vmem>>
      %dma_start3A_65 = arith.constant 0 : i32
      %dma_start3A_66 = arith.constant 0 : i32
      %dma_start3A_67 = tpu.memref_slice %arg2[%dma_start3A_65, %dma_start3A_66] : memref<10000x128xf32, #tpu.memory_space<hbm>> -> memref<10000x128xf32, #tpu.memory_space<hbm>>
      tpu.enqueue_indirect_dma source(%dma_start3A_67 : memref<10000x128xf32, #tpu.memory_space<hbm>>) target(%arg12 : memref<80x128xf32, #tpu.memory_space<vmem>>) offsets(%dma_start3A_64 : memref<80xi32, #tpu.memory_space<vmem>>) semaphore(%arg17 : memref<!tpu.dma_semaphore, #tpu.memory_space<semaphore_mem>>)
      %dma_start3A_68 = arith.constant 0 : i32
      %dma_start3A_69 = tpu.memref_slice %arg8[%add3A_61, %dma_start3A_68] : memref<125x80xi32, #tpu.memory_space<vmem>> -> memref<1x80xi32, #tpu.memory_space<vmem>>
      %dma_start3A_70 = tpu.memref_squeeze %dma_start3A_69 : memref<1x80xi32, #tpu.memory_space<vmem>> -> memref<80xi32, #tpu.memory_space<vmem>>
      %dma_start3A_71 = arith.constant 0 : i32
      %dma_start3A_72 = arith.constant 0 : i32
      %dma_start3A_73 = tpu.memref_slice %arg2[%dma_start3A_71, %dma_start3A_72] : memref<10000x128xf32, #tpu.memory_space<hbm>> -> memref<10000x128xf32, #tpu.memory_space<hbm>>
      tpu.enqueue_indirect_dma source(%dma_start3A_73 : memref<10000x128xf32, #tpu.memory_space<hbm>>) target(%arg13 : memref<80x128xf32, #tpu.memory_space<vmem>>) offsets(%dma_start3A_70 : memref<80xi32, #tpu.memory_space<vmem>>) semaphore(%arg18 : memref<!tpu.dma_semaphore, #tpu.memory_space<semaphore_mem>>)
      %dma_wait3A_74 = arith.constant 0 : i32
      %dma_wait3A_75 = tpu.memref_slice %arg7[%mul3A_59, %dma_wait3A_74] : memref<125x80xi32, #tpu.memory_space<vmem>> -> memref<1x80xi32, #tpu.memory_space<vmem>>
      %dma_wait3A_76 = tpu.memref_squeeze %dma_wait3A_75 : memref<1x80xi32, #tpu.memory_space<vmem>> -> memref<80xi32, #tpu.memory_space<vmem>>
      %dma_wait3A_77 = arith.constant 0 : i32
      %dma_wait3A_78 = arith.constant 0 : i32
      %dma_wait3A_79 = tpu.memref_slice %arg2[%dma_wait3A_77, %dma_wait3A_78] : memref<10000x128xf32, #tpu.memory_space<hbm>> -> memref<10000x128xf32, #tpu.memory_space<hbm>>
      tpu.wait_indirect_dma semaphore(%arg15 : memref<!tpu.dma_semaphore, #tpu.memory_space<semaphore_mem>>) src(%dma_wait3A_79 : memref<10000x128xf32, #tpu.memory_space<hbm>>) dst(%arg10 : memref<80x128xf32, #tpu.memory_space<vmem>>)
      %dma_wait3A_80 = arith.constant 0 : i32
      %dma_wait3A_81 = tpu.memref_slice %arg8[%mul3A_59, %dma_wait3A_80] : memref<125x80xi32, #tpu.memory_space<vmem>> -> memref<1x80xi32, #tpu.memory_space<vmem>>
      %dma_wait3A_82 = tpu.memref_squeeze %dma_wait3A_81 : memref<1x80xi32, #tpu.memory_space<vmem>> -> memref<80xi32, #tpu.memory_space<vmem>>
      %dma_wait3A_83 = arith.constant 0 : i32
      %dma_wait3A_84 = arith.constant 0 : i32
      %dma_wait3A_85 = tpu.memref_slice %arg2[%dma_wait3A_83, %dma_wait3A_84] : memref<10000x128xf32, #tpu.memory_space<hbm>> -> memref<10000x128xf32, #tpu.memory_space<hbm>>
      tpu.wait_indirect_dma semaphore(%arg16 : memref<!tpu.dma_semaphore, #tpu.memory_space<semaphore_mem>>) src(%dma_wait3A_85 : memref<10000x128xf32, #tpu.memory_space<hbm>>) dst(%arg11 : memref<80x128xf32, #tpu.memory_space<vmem>>)
      %scan3A_86 = arith.constant 0 : i32
      %scan3A_87 = arith.constant 80 : i32
      %scan3A_88 = arith.addi %scan3A_86, %scan3A_87 : i32
      %scan3A_89 = arith.constant 2 : i32
      %scan3A_90 = scf.for %scan3A_116 = %scan3A_86 to %scan3A_88 step %scan3A_89 iter_args(%scan3A_117 = %scan3A_57) -> (vector<16xf32>)  : i32 {
        %mul3A_118 = arith.constant 80 : i32
        %mul3A_119 = arith.muli %mul3A_59, %mul3A_118 : i32
        %add3A_120 = arith.addi %mul3A_119, %scan3A_116 : i32
        %broadcast_in_dim3A_121 = vector.broadcast %add3A_120 : i32 to vector<16xi32>
        %gather3A = tpu.vector_load_idx %arg9[%broadcast_in_dim3A_121] : memref<10000xf32, #tpu.memory_space<vmem>>[vector<16xi32>], vector<16xf32>,
        %get3A = arith.index_cast %scan3A_116 : i32 to index
        %get3A_122 = arith.constant 0 : index
        %get3A_123 = tpu.vector_load %arg10[%get3A, %get3A_122] {strides = array<i32>} : memref<80x128xf32, #tpu.memory_space<vmem>>, vector<16xf32>,
        %get3A_124 = arith.index_cast %scan3A_116 : i32 to index
        %get3A_125 = arith.constant 0 : index
        %get3A_126 = tpu.vector_load %arg11[%get3A_124, %get3A_125] {strides = array<i32>} : memref<80x128xf32, #tpu.memory_space<vmem>>, vector<16xf32>,
        %mul3A_127 = arith.mulf %get3A_123, %get3A_126 : vector<16xf32>
        %get3A_128 = arith.index_cast %scan3A_116 : i32 to index
        %get3A_129 = arith.constant 16 : index
        %get3A_130 = tpu.vector_load %arg10[%get3A_128, %get3A_129] {strides = array<i32>} : memref<80x128xf32, #tpu.memory_space<vmem>>, vector<16xf32>,
        %get3A_131 = arith.index_cast %scan3A_116 : i32 to index
        %get3A_132 = arith.constant 16 : index
        %get3A_133 = tpu.vector_load %arg11[%get3A_131, %get3A_132] {strides = array<i32>} : memref<80x128xf32, #tpu.memory_space<vmem>>, vector<16xf32>,
        %mul3A_134 = arith.mulf %get3A_130, %get3A_133 : vector<16xf32>
        %add3A_135 = arith.addf %mul3A_127, %mul3A_134 : vector<16xf32>
        %get3A_136 = arith.index_cast %scan3A_116 : i32 to index
        %get3A_137 = arith.constant 32 : index
        %get3A_138 = tpu.vector_load %arg10[%get3A_136, %get3A_137] {strides = array<i32>} : memref<80x128xf32, #tpu.memory_space<vmem>>, vector<16xf32>,
        %get3A_139 = arith.index_cast %scan3A_116 : i32 to index
        %get3A_140 = arith.constant 32 : index
        %get3A_141 = tpu.vector_load %arg11[%get3A_139, %get3A_140] {strides = array<i32>} : memref<80x128xf32, #tpu.memory_space<vmem>>, vector<16xf32>,
        %mul3A_142 = arith.mulf %get3A_138, %get3A_141 : vector<16xf32>
        %add3A_143 = arith.addf %add3A_135, %mul3A_142 : vector<16xf32>
        %get3A_144 = arith.index_cast %scan3A_116 : i32 to index
        %get3A_145 = arith.constant 48 : index
        %get3A_146 = tpu.vector_load %arg10[%get3A_144, %get3A_145] {strides = array<i32>} : memref<80x128xf32, #tpu.memory_space<vmem>>, vector<16xf32>,
        %get3A_147 = arith.index_cast %scan3A_116 : i32 to index
        %get3A_148 = arith.constant 48 : index
        %get3A_149 = tpu.vector_load %arg11[%get3A_147, %get3A_148] {strides = array<i32>} : memref<80x128xf32, #tpu.memory_space<vmem>>, vector<16xf32>,
        %mul3A_150 = arith.mulf %get3A_146, %get3A_149 : vector<16xf32>
        %add3A_151 = arith.addf %add3A_143, %mul3A_150 : vector<16xf32>
        %get3A_152 = arith.index_cast %scan3A_116 : i32 to index
        %get3A_153 = arith.constant 64 : index
        %get3A_154 = tpu.vector_load %arg10[%get3A_152, %get3A_153] {strides = array<i32>} : memref<80x128xf32, #tpu.memory_space<vmem>>, vector<16xf32>,
        %get3A_155 = arith.index_cast %scan3A_116 : i32 to index
        %get3A_156 = arith.constant 64 : index
        %get3A_157 = tpu.vector_load %arg11[%get3A_155, %get3A_156] {strides = array<i32>} : memref<80x128xf32, #tpu.memory_space<vmem>>, vector<16xf32>,
        %mul3A_158 = arith.mulf %get3A_154, %get3A_157 : vector<16xf32>
        %add3A_159 = arith.addf %add3A_151, %mul3A_158 : vector<16xf32>
        %get3A_160 = arith.index_cast %scan3A_116 : i32 to index
        %get3A_161 = arith.constant 80 : index
        %get3A_162 = tpu.vector_load %arg10[%get3A_160, %get3A_161] {strides = array<i32>} : memref<80x128xf32, #tpu.memory_space<vmem>>, vector<16xf32>,
        %get3A_163 = arith.index_cast %scan3A_116 : i32 to index
        %get3A_164 = arith.constant 80 : index
        %get3A_165 = tpu.vector_load %arg11[%get3A_163, %get3A_164] {strides = array<i32>} : memref<80x128xf32, #tpu.memory_space<vmem>>, vector<16xf32>,
        %mul3A_166 = arith.mulf %get3A_162, %get3A_165 : vector<16xf32>
        %add3A_167 = arith.addf %add3A_159, %mul3A_166 : vector<16xf32>
        %get3A_168 = arith.index_cast %scan3A_116 : i32 to index
        %get3A_169 = arith.constant 96 : index
        %get3A_170 = tpu.vector_load %arg10[%get3A_168, %get3A_169] {strides = array<i32>} : memref<80x128xf32, #tpu.memory_space<vmem>>, vector<16xf32>,
        %get3A_171 = arith.index_cast %scan3A_116 : i32 to index
        %get3A_172 = arith.constant 96 : index
        %get3A_173 = tpu.vector_load %arg11[%get3A_171, %get3A_172] {strides = array<i32>} : memref<80x128xf32, #tpu.memory_space<vmem>>, vector<16xf32>,
        %mul3A_174 = arith.mulf %get3A_170, %get3A_173 : vector<16xf32>
        %add3A_175 = arith.addf %add3A_167, %mul3A_174 : vector<16xf32>
        %get3A_176 = arith.index_cast %scan3A_116 : i32 to index
        %get3A_177 = arith.constant 112 : index
        %get3A_178 = tpu.vector_load %arg10[%get3A_176, %get3A_177] {strides = array<i32>} : memref<80x128xf32, #tpu.memory_space<vmem>>, vector<16xf32>,
        %get3A_179 = arith.index_cast %scan3A_116 : i32 to index
        %get3A_180 = arith.constant 112 : index
        %get3A_181 = tpu.vector_load %arg11[%get3A_179, %get3A_180] {strides = array<i32>} : memref<80x128xf32, #tpu.memory_space<vmem>>, vector<16xf32>,
        %mul3A_182 = arith.mulf %get3A_178, %get3A_181 : vector<16xf32>
        %add3A_183 = arith.addf %add3A_175, %mul3A_182 : vector<16xf32>
        %mul3A_184 = arith.mulf %gather3A, %add3A_183 : vector<16xf32>
        %add3A_185 = arith.addf %scan3A_117, %mul3A_184 : vector<16xf32>
        %scan3A_186 = arith.constant 1 : i32
        %scan3A_187 = arith.addi %scan3A_116, %scan3A_186 : i32
        %mul3A_188 = arith.constant 80 : i32
        %mul3A_189 = arith.muli %mul3A_59, %mul3A_188 : i32
        %add3A_190 = arith.addi %mul3A_189, %scan3A_187 : i32
        %broadcast_in_dim3A_191 = vector.broadcast %add3A_190 : i32 to vector<16xi32>
        %gather3A_192 = tpu.vector_load_idx %arg9[%broadcast_in_dim3A_191] : memref<10000xf32, #tpu.memory_space<vmem>>[vector<16xi32>], vector<16xf32>,
        %get3A_193 = arith.index_cast %scan3A_187 : i32 to index
        %get3A_194 = arith.constant 0 : index
        %get3A_195 = tpu.vector_load %arg10[%get3A_193, %get3A_194] {strides = array<i32>} : memref<80x128xf32, #tpu.memory_space<vmem>>, vector<16xf32>,
        %get3A_196 = arith.index_cast %scan3A_187 : i32 to index
        %get3A_197 = arith.constant 0 : index
        %get3A_198 = tpu.vector_load %arg11[%get3A_196, %get3A_197] {strides = array<i32>} : memref<80x128xf32, #tpu.memory_space<vmem>>, vector<16xf32>,
        %mul3A_199 = arith.mulf %get3A_195, %get3A_198 : vector<16xf32>
        %get3A_200 = arith.index_cast %scan3A_187 : i32 to index
        %get3A_201 = arith.constant 16 : index
        %get3A_202 = tpu.vector_load %arg10[%get3A_200, %get3A_201] {strides = array<i32>} : memref<80x128xf32, #tpu.memory_space<vmem>>, vector<16xf32>,
        %get3A_203 = arith.index_cast %scan3A_187 : i32 to index
        %get3A_204 = arith.constant 16 : index
        %get3A_205 = tpu.vector_load %arg11[%get3A_203, %get3A_204] {strides = array<i32>} : memref<80x128xf32, #tpu.memory_space<vmem>>, vector<16xf32>,
        %mul3A_206 = arith.mulf %get3A_202, %get3A_205 : vector<16xf32>
        %add3A_207 = arith.addf %mul3A_199, %mul3A_206 : vector<16xf32>
        %get3A_208 = arith.index_cast %scan3A_187 : i32 to index
        %get3A_209 = arith.constant 32 : index
        %get3A_210 = tpu.vector_load %arg10[%get3A_208, %get3A_209] {strides = array<i32>} : memref<80x128xf32, #tpu.memory_space<vmem>>, vector<16xf32>,
        %get3A_211 = arith.index_cast %scan3A_187 : i32 to index
        %get3A_212 = arith.constant 32 : index
        %get3A_213 = tpu.vector_load %arg11[%get3A_211, %get3A_212] {strides = array<i32>} : memref<80x128xf32, #tpu.memory_space<vmem>>, vector<16xf32>,
        %mul3A_214 = arith.mulf %get3A_210, %get3A_213 : vector<16xf32>
        %add3A_215 = arith.addf %add3A_207, %mul3A_214 : vector<16xf32>
        %get3A_216 = arith.index_cast %scan3A_187 : i32 to index
        %get3A_217 = arith.constant 48 : index
        %get3A_218 = tpu.vector_load %arg10[%get3A_216, %get3A_217] {strides = array<i32>} : memref<80x128xf32, #tpu.memory_space<vmem>>, vector<16xf32>,
        %get3A_219 = arith.index_cast %scan3A_187 : i32 to index
        %get3A_220 = arith.constant 48 : index
        %get3A_221 = tpu.vector_load %arg11[%get3A_219, %get3A_220] {strides = array<i32>} : memref<80x128xf32, #tpu.memory_space<vmem>>, vector<16xf32>,
        %mul3A_222 = arith.mulf %get3A_218, %get3A_221 : vector<16xf32>
        %add3A_223 = arith.addf %add3A_215, %mul3A_222 : vector<16xf32>
        %get3A_224 = arith.index_cast %scan3A_187 : i32 to index
        %get3A_225 = arith.constant 64 : index
        %get3A_226 = tpu.vector_load %arg10[%get3A_224, %get3A_225] {strides = array<i32>} : memref<80x128xf32, #tpu.memory_space<vmem>>, vector<16xf32>,
        %get3A_227 = arith.index_cast %scan3A_187 : i32 to index
        %get3A_228 = arith.constant 64 : index
        %get3A_229 = tpu.vector_load %arg11[%get3A_227, %get3A_228] {strides = array<i32>} : memref<80x128xf32, #tpu.memory_space<vmem>>, vector<16xf32>,
        %mul3A_230 = arith.mulf %get3A_226, %get3A_229 : vector<16xf32>
        %add3A_231 = arith.addf %add3A_223, %mul3A_230 : vector<16xf32>
        %get3A_232 = arith.index_cast %scan3A_187 : i32 to index
        %get3A_233 = arith.constant 80 : index
        %get3A_234 = tpu.vector_load %arg10[%get3A_232, %get3A_233] {strides = array<i32>} : memref<80x128xf32, #tpu.memory_space<vmem>>, vector<16xf32>,
        %get3A_235 = arith.index_cast %scan3A_187 : i32 to index
        %get3A_236 = arith.constant 80 : index
        %get3A_237 = tpu.vector_load %arg11[%get3A_235, %get3A_236] {strides = array<i32>} : memref<80x128xf32, #tpu.memory_space<vmem>>, vector<16xf32>,
        %mul3A_238 = arith.mulf %get3A_234, %get3A_237 : vector<16xf32>
        %add3A_239 = arith.addf %add3A_231, %mul3A_238 : vector<16xf32>
        %get3A_240 = arith.index_cast %scan3A_187 : i32 to index
        %get3A_241 = arith.constant 96 : index
        %get3A_242 = tpu.vector_load %arg10[%get3A_240, %get3A_241] {strides = array<i32>} : memref<80x128xf32, #tpu.memory_space<vmem>>, vector<16xf32>,
        %get3A_243 = arith.index_cast %scan3A_187 : i32 to index
        %get3A_244 = arith.constant 96 : index
        %get3A_245 = tpu.vector_load %arg11[%get3A_243, %get3A_244] {strides = array<i32>} : memref<80x128xf32, #tpu.memory_space<vmem>>, vector<16xf32>,
        %mul3A_246 = arith.mulf %get3A_242, %get3A_245 : vector<16xf32>
        %add3A_247 = arith.addf %add3A_239, %mul3A_246 : vector<16xf32>
        %get3A_248 = arith.index_cast %scan3A_187 : i32 to index
        %get3A_249 = arith.constant 112 : index
        %get3A_250 = tpu.vector_load %arg10[%get3A_248, %get3A_249] {strides = array<i32>} : memref<80x128xf32, #tpu.memory_space<vmem>>, vector<16xf32>,
        %get3A_251 = arith.index_cast %scan3A_187 : i32 to index
        %get3A_252 = arith.constant 112 : index
        %get3A_253 = tpu.vector_load %arg11[%get3A_251, %get3A_252] {strides = array<i32>} : memref<80x128xf32, #tpu.memory_space<vmem>>, vector<16xf32>,
        %mul3A_254 = arith.mulf %get3A_250, %get3A_253 : vector<16xf32>
        %add3A_255 = arith.addf %add3A_247, %mul3A_254 : vector<16xf32>
        %mul3A_256 = arith.mulf %gather3A_192, %add3A_255 : vector<16xf32>
        %add3A_257 = arith.addf %add3A_185, %mul3A_256 : vector<16xf32>
        scf.yield %add3A_257 : vector<16xf32>
      }
      %scan3A_91 = arith.constant 80 : i32
      %add3A_92 = arith.constant 1 : i32
      %add3A_93 = arith.addi %scan3A_56, %add3A_92 : i32
      %lt3A = arith.constant 62 : i32
      %lt3A_94 = arith.cmpi slt, %add3A_93, %lt3A : i32
      %convert_element_type3A = arith.extui %lt3A_94 : i1 to i32
      %cond3A = arith.constant 0 : i32
      %cond3A_95 = arith.cmpi ne, %convert_element_type3A, %cond3A : i32
      scf.if %cond3A_95 {
        %add3A_116 = arith.constant 2 : i32
        %add3A_117 = arith.addi %mul3A_59, %add3A_116 : i32
        %dma_start3A_118 = arith.constant 0 : i32
        %dma_start3A_119 = tpu.memref_slice %arg7[%add3A_117, %dma_start3A_118] : memref<125x80xi32, #tpu.memory_space<vmem>> -> memref<1x80xi32, #tpu.memory_space<vmem>>
        %dma_start3A_120 = tpu.memref_squeeze %dma_start3A_119 : memref<1x80xi32, #tpu.memory_space<vmem>> -> memref<80xi32, #tpu.memory_space<vmem>>
        %dma_start3A_121 = arith.constant 0 : i32
        %dma_start3A_122 = arith.constant 0 : i32
        %dma_start3A_123 = tpu.memref_slice %arg2[%dma_start3A_121, %dma_start3A_122] : memref<10000x128xf32, #tpu.memory_space<hbm>> -> memref<10000x128xf32, #tpu.memory_space<hbm>>
        tpu.enqueue_indirect_dma source(%dma_start3A_123 : memref<10000x128xf32, #tpu.memory_space<hbm>>) target(%arg10 : memref<80x128xf32, #tpu.memory_space<vmem>>) offsets(%dma_start3A_120 : memref<80xi32, #tpu.memory_space<vmem>>) semaphore(%arg15 : memref<!tpu.dma_semaphore, #tpu.memory_space<semaphore_mem>>)
        %dma_start3A_124 = arith.constant 0 : i32
        %dma_start3A_125 = tpu.memref_slice %arg8[%add3A_117, %dma_start3A_124] : memref<125x80xi32, #tpu.memory_space<vmem>> -> memref<1x80xi32, #tpu.memory_space<vmem>>
        %dma_start3A_126 = tpu.memref_squeeze %dma_start3A_125 : memref<1x80xi32, #tpu.memory_space<vmem>> -> memref<80xi32, #tpu.memory_space<vmem>>
        %dma_start3A_127 = arith.constant 0 : i32
        %dma_start3A_128 = arith.constant 0 : i32
        %dma_start3A_129 = tpu.memref_slice %arg2[%dma_start3A_127, %dma_start3A_128] : memref<10000x128xf32, #tpu.memory_space<hbm>> -> memref<10000x128xf32, #tpu.memory_space<hbm>>
        tpu.enqueue_indirect_dma source(%dma_start3A_129 : memref<10000x128xf32, #tpu.memory_space<hbm>>) target(%arg11 : memref<80x128xf32, #tpu.memory_space<vmem>>) offsets(%dma_start3A_126 : memref<80xi32, #tpu.memory_space<vmem>>) semaphore(%arg16 : memref<!tpu.dma_semaphore, #tpu.memory_space<semaphore_mem>>)
      } else {
      }
      %add3A_96 = arith.constant 1 : i32
      %add3A_97 = arith.addi %mul3A_59, %add3A_96 : i32
      %dma_wait3A_98 = arith.constant 0 : i32
      %dma_wait3A_99 = tpu.memref_slice %arg7[%add3A_97, %dma_wait3A_98] : memref<125x80xi32, #tpu.memory_space<vmem>> -> memref<1x80xi32, #tpu.memory_space<vmem>>
      %dma_wait3A_100 = tpu.memref_squeeze %dma_wait3A_99 : memref<1x80xi32, #tpu.memory_space<vmem>> -> memref<80xi32, #tpu.memory_space<vmem>>
      %dma_wait3A_101 = arith.constant 0 : i32
      %dma_wait3A_102 = arith.constant 0 : i32
      %dma_wait3A_103 = tpu.memref_slice %arg2[%dma_wait3A_101, %dma_wait3A_102] : memref<10000x128xf32, #tpu.memory_space<hbm>> -> memref<10000x128xf32, #tpu.memory_space<hbm>>
      tpu.wait_indirect_dma semaphore(%arg17 : memref<!tpu.dma_semaphore, #tpu.memory_space<semaphore_mem>>) src(%dma_wait3A_103 : memref<10000x128xf32, #tpu.memory_space<hbm>>) dst(%arg12 : memref<80x128xf32, #tpu.memory_space<vmem>>)
      %dma_wait3A_104 = arith.constant 0 : i32
      %dma_wait3A_105 = tpu.memref_slice %arg8[%add3A_97, %dma_wait3A_104] : memref<125x80xi32, #tpu.memory_space<vmem>> -> memref<1x80xi32, #tpu.memory_space<vmem>>
      %dma_wait3A_106 = tpu.memref_squeeze %dma_wait3A_105 : memref<1x80xi32, #tpu.memory_space<vmem>> -> memref<80xi32, #tpu.memory_space<vmem>>
      %dma_wait3A_107 = arith.constant 0 : i32
      %dma_wait3A_108 = arith.constant 0 : i32
      %dma_wait3A_109 = tpu.memref_slice %arg2[%dma_wait3A_107, %dma_wait3A_108] : memref<10000x128xf32, #tpu.memory_space<hbm>> -> memref<10000x128xf32, #tpu.memory_space<hbm>>
      tpu.wait_indirect_dma semaphore(%arg18 : memref<!tpu.dma_semaphore, #tpu.memory_space<semaphore_mem>>) src(%dma_wait3A_109 : memref<10000x128xf32, #tpu.memory_space<hbm>>) dst(%arg13 : memref<80x128xf32, #tpu.memory_space<vmem>>)
      %scan3A_110 = arith.constant 0 : i32
      %scan3A_111 = arith.constant 80 : i32
      %scan3A_112 = arith.addi %scan3A_110, %scan3A_111 : i32
      %scan3A_113 = arith.constant 2 : i32
      %scan3A_114 = scf.for %scan3A_116 = %scan3A_110 to %scan3A_112 step %scan3A_113 iter_args(%scan3A_117 = %scan3A_90) -> (vector<16xf32>)  : i32 {
        %mul3A_118 = arith.constant 80 : i32
        %mul3A_119 = arith.muli %add3A_97, %mul3A_118 : i32
        %add3A_120 = arith.addi %mul3A_119, %scan3A_116 : i32
        %broadcast_in_dim3A_121 = vector.broadcast %add3A_120 : i32 to vector<16xi32>
        %gather3A = tpu.vector_load_idx %arg9[%broadcast_in_dim3A_121] : memref<10000xf32, #tpu.memory_space<vmem>>[vector<16xi32>], vector<16xf32>,
        %get3A = arith.index_cast %scan3A_116 : i32 to index
        %get3A_122 = arith.constant 0 : index
        %get3A_123 = tpu.vector_load %arg12[%get3A, %get3A_122] {strides = array<i32>} : memref<80x128xf32, #tpu.memory_space<vmem>>, vector<16xf32>,
        %get3A_124 = arith.index_cast %scan3A_116 : i32 to index
        %get3A_125 = arith.constant 0 : index
        %get3A_126 = tpu.vector_load %arg13[%get3A_124, %get3A_125] {strides = array<i32>} : memref<80x128xf32, #tpu.memory_space<vmem>>, vector<16xf32>,
        %mul3A_127 = arith.mulf %get3A_123, %get3A_126 : vector<16xf32>
        %get3A_128 = arith.index_cast %scan3A_116 : i32 to index
        %get3A_129 = arith.constant 16 : index
        %get3A_130 = tpu.vector_load %arg12[%get3A_128, %get3A_129] {strides = array<i32>} : memref<80x128xf32, #tpu.memory_space<vmem>>, vector<16xf32>,
        %get3A_131 = arith.index_cast %scan3A_116 : i32 to index
        %get3A_132 = arith.constant 16 : index
        %get3A_133 = tpu.vector_load %arg13[%get3A_131, %get3A_132] {strides = array<i32>} : memref<80x128xf32, #tpu.memory_space<vmem>>, vector<16xf32>,
        %mul3A_134 = arith.mulf %get3A_130, %get3A_133 : vector<16xf32>
        %add3A_135 = arith.addf %mul3A_127, %mul3A_134 : vector<16xf32>
        %get3A_136 = arith.index_cast %scan3A_116 : i32 to index
        %get3A_137 = arith.constant 32 : index
        %get3A_138 = tpu.vector_load %arg12[%get3A_136, %get3A_137] {strides = array<i32>} : memref<80x128xf32, #tpu.memory_space<vmem>>, vector<16xf32>,
        %get3A_139 = arith.index_cast %scan3A_116 : i32 to index
        %get3A_140 = arith.constant 32 : index
        %get3A_141 = tpu.vector_load %arg13[%get3A_139, %get3A_140] {strides = array<i32>} : memref<80x128xf32, #tpu.memory_space<vmem>>, vector<16xf32>,
        %mul3A_142 = arith.mulf %get3A_138, %get3A_141 : vector<16xf32>
        %add3A_143 = arith.addf %add3A_135, %mul3A_142 : vector<16xf32>
        %get3A_144 = arith.index_cast %scan3A_116 : i32 to index
        %get3A_145 = arith.constant 48 : index
        %get3A_146 = tpu.vector_load %arg12[%get3A_144, %get3A_145] {strides = array<i32>} : memref<80x128xf32, #tpu.memory_space<vmem>>, vector<16xf32>,
        %get3A_147 = arith.index_cast %scan3A_116 : i32 to index
        %get3A_148 = arith.constant 48 : index
        %get3A_149 = tpu.vector_load %arg13[%get3A_147, %get3A_148] {strides = array<i32>} : memref<80x128xf32, #tpu.memory_space<vmem>>, vector<16xf32>,
        %mul3A_150 = arith.mulf %get3A_146, %get3A_149 : vector<16xf32>
        %add3A_151 = arith.addf %add3A_143, %mul3A_150 : vector<16xf32>
        %get3A_152 = arith.index_cast %scan3A_116 : i32 to index
        %get3A_153 = arith.constant 64 : index
        %get3A_154 = tpu.vector_load %arg12[%get3A_152, %get3A_153] {strides = array<i32>} : memref<80x128xf32, #tpu.memory_space<vmem>>, vector<16xf32>,
        %get3A_155 = arith.index_cast %scan3A_116 : i32 to index
        %get3A_156 = arith.constant 64 : index
        %get3A_157 = tpu.vector_load %arg13[%get3A_155, %get3A_156] {strides = array<i32>} : memref<80x128xf32, #tpu.memory_space<vmem>>, vector<16xf32>,
        %mul3A_158 = arith.mulf %get3A_154, %get3A_157 : vector<16xf32>
        %add3A_159 = arith.addf %add3A_151, %mul3A_158 : vector<16xf32>
        %get3A_160 = arith.index_cast %scan3A_116 : i32 to index
        %get3A_161 = arith.constant 80 : index
        %get3A_162 = tpu.vector_load %arg12[%get3A_160, %get3A_161] {strides = array<i32>} : memref<80x128xf32, #tpu.memory_space<vmem>>, vector<16xf32>,
        %get3A_163 = arith.index_cast %scan3A_116 : i32 to index
        %get3A_164 = arith.constant 80 : index
        %get3A_165 = tpu.vector_load %arg13[%get3A_163, %get3A_164] {strides = array<i32>} : memref<80x128xf32, #tpu.memory_space<vmem>>, vector<16xf32>,
        %mul3A_166 = arith.mulf %get3A_162, %get3A_165 : vector<16xf32>
        %add3A_167 = arith.addf %add3A_159, %mul3A_166 : vector<16xf32>
        %get3A_168 = arith.index_cast %scan3A_116 : i32 to index
        %get3A_169 = arith.constant 96 : index
        %get3A_170 = tpu.vector_load %arg12[%get3A_168, %get3A_169] {strides = array<i32>} : memref<80x128xf32, #tpu.memory_space<vmem>>, vector<16xf32>,
        %get3A_171 = arith.index_cast %scan3A_116 : i32 to index
        %get3A_172 = arith.constant 96 : index
        %get3A_173 = tpu.vector_load %arg13[%get3A_171, %get3A_172] {strides = array<i32>} : memref<80x128xf32, #tpu.memory_space<vmem>>, vector<16xf32>,
        %mul3A_174 = arith.mulf %get3A_170, %get3A_173 : vector<16xf32>
        %add3A_175 = arith.addf %add3A_167, %mul3A_174 : vector<16xf32>
        %get3A_176 = arith.index_cast %scan3A_116 : i32 to index
        %get3A_177 = arith.constant 112 : index
        %get3A_178 = tpu.vector_load %arg12[%get3A_176, %get3A_177] {strides = array<i32>} : memref<80x128xf32, #tpu.memory_space<vmem>>, vector<16xf32>,
        %get3A_179 = arith.index_cast %scan3A_116 : i32 to index
        %get3A_180 = arith.constant 112 : index
        %get3A_181 = tpu.vector_load %arg13[%get3A_179, %get3A_180] {strides = array<i32>} : memref<80x128xf32, #tpu.memory_space<vmem>>, vector<16xf32>,
        %mul3A_182 = arith.mulf %get3A_178, %get3A_181 : vector<16xf32>
        %add3A_183 = arith.addf %add3A_175, %mul3A_182 : vector<16xf32>
        %mul3A_184 = arith.mulf %gather3A, %add3A_183 : vector<16xf32>
        %add3A_185 = arith.addf %scan3A_117, %mul3A_184 : vector<16xf32>
        %scan3A_186 = arith.constant 1 : i32
        %scan3A_187 = arith.addi %scan3A_116, %scan3A_186 : i32
        %mul3A_188 = arith.constant 80 : i32
        %mul3A_189 = arith.muli %add3A_97, %mul3A_188 : i32
        %add3A_190 = arith.addi %mul3A_189, %scan3A_187 : i32
        %broadcast_in_dim3A_191 = vector.broadcast %add3A_190 : i32 to vector<16xi32>
        %gather3A_192 = tpu.vector_load_idx %arg9[%broadcast_in_dim3A_191] : memref<10000xf32, #tpu.memory_space<vmem>>[vector<16xi32>], vector<16xf32>,
        %get3A_193 = arith.index_cast %scan3A_187 : i32 to index
        %get3A_194 = arith.constant 0 : index
        %get3A_195 = tpu.vector_load %arg12[%get3A_193, %get3A_194] {strides = array<i32>} : memref<80x128xf32, #tpu.memory_space<vmem>>, vector<16xf32>,
        %get3A_196 = arith.index_cast %scan3A_187 : i32 to index
        %get3A_197 = arith.constant 0 : index
        %get3A_198 = tpu.vector_load %arg13[%get3A_196, %get3A_197] {strides = array<i32>} : memref<80x128xf32, #tpu.memory_space<vmem>>, vector<16xf32>,
        %mul3A_199 = arith.mulf %get3A_195, %get3A_198 : vector<16xf32>
        %get3A_200 = arith.index_cast %scan3A_187 : i32 to index
        %get3A_201 = arith.constant 16 : index
        %get3A_202 = tpu.vector_load %arg12[%get3A_200, %get3A_201] {strides = array<i32>} : memref<80x128xf32, #tpu.memory_space<vmem>>, vector<16xf32>,
        %get3A_203 = arith.index_cast %scan3A_187 : i32 to index
        %get3A_204 = arith.constant 16 : index
        %get3A_205 = tpu.vector_load %arg13[%get3A_203, %get3A_204] {strides = array<i32>} : memref<80x128xf32, #tpu.memory_space<vmem>>, vector<16xf32>,
        %mul3A_206 = arith.mulf %get3A_202, %get3A_205 : vector<16xf32>
        %add3A_207 = arith.addf %mul3A_199, %mul3A_206 : vector<16xf32>
        %get3A_208 = arith.index_cast %scan3A_187 : i32 to index
        %get3A_209 = arith.constant 32 : index
        %get3A_210 = tpu.vector_load %arg12[%get3A_208, %get3A_209] {strides = array<i32>} : memref<80x128xf32, #tpu.memory_space<vmem>>, vector<16xf32>,
        %get3A_211 = arith.index_cast %scan3A_187 : i32 to index
        %get3A_212 = arith.constant 32 : index
        %get3A_213 = tpu.vector_load %arg13[%get3A_211, %get3A_212] {strides = array<i32>} : memref<80x128xf32, #tpu.memory_space<vmem>>, vector<16xf32>,
        %mul3A_214 = arith.mulf %get3A_210, %get3A_213 : vector<16xf32>
        %add3A_215 = arith.addf %add3A_207, %mul3A_214 : vector<16xf32>
        %get3A_216 = arith.index_cast %scan3A_187 : i32 to index
        %get3A_217 = arith.constant 48 : index
        %get3A_218 = tpu.vector_load %arg12[%get3A_216, %get3A_217] {strides = array<i32>} : memref<80x128xf32, #tpu.memory_space<vmem>>, vector<16xf32>,
        %get3A_219 = arith.index_cast %scan3A_187 : i32 to index
        %get3A_220 = arith.constant 48 : index
        %get3A_221 = tpu.vector_load %arg13[%get3A_219, %get3A_220] {strides = array<i32>} : memref<80x128xf32, #tpu.memory_space<vmem>>, vector<16xf32>,
        %mul3A_222 = arith.mulf %get3A_218, %get3A_221 : vector<16xf32>
        %add3A_223 = arith.addf %add3A_215, %mul3A_222 : vector<16xf32>
        %get3A_224 = arith.index_cast %scan3A_187 : i32 to index
        %get3A_225 = arith.constant 64 : index
        %get3A_226 = tpu.vector_load %arg12[%get3A_224, %get3A_225] {strides = array<i32>} : memref<80x128xf32, #tpu.memory_space<vmem>>, vector<16xf32>,
        %get3A_227 = arith.index_cast %scan3A_187 : i32 to index
        %get3A_228 = arith.constant 64 : index
        %get3A_229 = tpu.vector_load %arg13[%get3A_227, %get3A_228] {strides = array<i32>} : memref<80x128xf32, #tpu.memory_space<vmem>>, vector<16xf32>,
        %mul3A_230 = arith.mulf %get3A_226, %get3A_229 : vector<16xf32>
        %add3A_231 = arith.addf %add3A_223, %mul3A_230 : vector<16xf32>
        %get3A_232 = arith.index_cast %scan3A_187 : i32 to index
        %get3A_233 = arith.constant 80 : index
        %get3A_234 = tpu.vector_load %arg12[%get3A_232, %get3A_233] {strides = array<i32>} : memref<80x128xf32, #tpu.memory_space<vmem>>, vector<16xf32>,
        %get3A_235 = arith.index_cast %scan3A_187 : i32 to index
        %get3A_236 = arith.constant 80 : index
        %get3A_237 = tpu.vector_load %arg13[%get3A_235, %get3A_236] {strides = array<i32>} : memref<80x128xf32, #tpu.memory_space<vmem>>, vector<16xf32>,
        %mul3A_238 = arith.mulf %get3A_234, %get3A_237 : vector<16xf32>
        %add3A_239 = arith.addf %add3A_231, %mul3A_238 : vector<16xf32>
        %get3A_240 = arith.index_cast %scan3A_187 : i32 to index
        %get3A_241 = arith.constant 96 : index
        %get3A_242 = tpu.vector_load %arg12[%get3A_240, %get3A_241] {strides = array<i32>} : memref<80x128xf32, #tpu.memory_space<vmem>>, vector<16xf32>,
        %get3A_243 = arith.index_cast %scan3A_187 : i32 to index
        %get3A_244 = arith.constant 96 : index
        %get3A_245 = tpu.vector_load %arg13[%get3A_243, %get3A_244] {strides = array<i32>} : memref<80x128xf32, #tpu.memory_space<vmem>>, vector<16xf32>,
        %mul3A_246 = arith.mulf %get3A_242, %get3A_245 : vector<16xf32>
        %add3A_247 = arith.addf %add3A_239, %mul3A_246 : vector<16xf32>
        %get3A_248 = arith.index_cast %scan3A_187 : i32 to index
        %get3A_249 = arith.constant 112 : index
        %get3A_250 = tpu.vector_load %arg12[%get3A_248, %get3A_249] {strides = array<i32>} : memref<80x128xf32, #tpu.memory_space<vmem>>, vector<16xf32>,
        %get3A_251 = arith.index_cast %scan3A_187 : i32 to index
        %get3A_252 = arith.constant 112 : index
        %get3A_253 = tpu.vector_load %arg13[%get3A_251, %get3A_252] {strides = array<i32>} : memref<80x128xf32, #tpu.memory_space<vmem>>, vector<16xf32>,
        %mul3A_254 = arith.mulf %get3A_250, %get3A_253 : vector<16xf32>
        %add3A_255 = arith.addf %add3A_247, %mul3A_254 : vector<16xf32>
        %mul3A_256 = arith.mulf %gather3A_192, %add3A_255 : vector<16xf32>
        %add3A_257 = arith.addf %add3A_185, %mul3A_256 : vector<16xf32>
        scf.yield %add3A_257 : vector<16xf32>
      }
      %scan3A_115 = arith.constant 80 : i32
      scf.yield %scan3A_114 : vector<16xf32>
    }
    %scan3A_19 = arith.constant 62 : i32
    %dma_start3A_20 = arith.constant 124 : i32
    %dma_start3A_21 = arith.constant 0 : i32
    %dma_start3A_22 = tpu.memref_slice %arg7[%dma_start3A_20, %dma_start3A_21] : memref<125x80xi32, #tpu.memory_space<vmem>> -> memref<1x80xi32, #tpu.memory_space<vmem>>
    %dma_start3A_23 = tpu.memref_squeeze %dma_start3A_22 : memref<1x80xi32, #tpu.memory_space<vmem>> -> memref<80xi32, #tpu.memory_space<vmem>>
    %dma_start3A_24 = arith.constant 0 : i32
    %dma_start3A_25 = arith.constant 0 : i32
    %dma_start3A_26 = tpu.memref_slice %arg2[%dma_start3A_24, %dma_start3A_25] : memref<10000x128xf32, #tpu.memory_space<hbm>> -> memref<10000x128xf32, #tpu.memory_space<hbm>>
    tpu.enqueue_indirect_dma source(%dma_start3A_26 : memref<10000x128xf32, #tpu.memory_space<hbm>>) target(%arg10 : memref<80x128xf32, #tpu.memory_space<vmem>>) offsets(%dma_start3A_23 : memref<80xi32, #tpu.memory_space<vmem>>) semaphore(%arg15 : memref<!tpu.dma_semaphore, #tpu.memory_space<semaphore_mem>>)
    %dma_start3A_27 = arith.constant 124 : i32
    %dma_start3A_28 = arith.constant 0 : i32
    %dma_start3A_29 = tpu.memref_slice %arg8[%dma_start3A_27, %dma_start3A_28] : memref<125x80xi32, #tpu.memory_space<vmem>> -> memref<1x80xi32, #tpu.memory_space<vmem>>
    %dma_start3A_30 = tpu.memref_squeeze %dma_start3A_29 : memref<1x80xi32, #tpu.memory_space<vmem>> -> memref<80xi32, #tpu.memory_space<vmem>>
    %dma_start3A_31 = arith.constant 0 : i32
    %dma_start3A_32 = arith.constant 0 : i32
    %dma_start3A_33 = tpu.memref_slice %arg2[%dma_start3A_31, %dma_start3A_32] : memref<10000x128xf32, #tpu.memory_space<hbm>> -> memref<10000x128xf32, #tpu.memory_space<hbm>>
    tpu.enqueue_indirect_dma source(%dma_start3A_33 : memref<10000x128xf32, #tpu.memory_space<hbm>>) target(%arg11 : memref<80x128xf32, #tpu.memory_space<vmem>>) offsets(%dma_start3A_30 : memref<80xi32, #tpu.memory_space<vmem>>) semaphore(%arg16 : memref<!tpu.dma_semaphore, #tpu.memory_space<semaphore_mem>>)
    %dma_wait3A = arith.constant 124 : i32
    %dma_wait3A_34 = arith.constant 0 : i32
    %dma_wait3A_35 = tpu.memref_slice %arg7[%dma_wait3A, %dma_wait3A_34] : memref<125x80xi32, #tpu.memory_space<vmem>> -> memref<1x80xi32, #tpu.memory_space<vmem>>
    %dma_wait3A_36 = tpu.memref_squeeze %dma_wait3A_35 : memref<1x80xi32, #tpu.memory_space<vmem>> -> memref<80xi32, #tpu.memory_space<vmem>>
    %dma_wait3A_37 = arith.constant 0 : i32
    %dma_wait3A_38 = arith.constant 0 : i32
    %dma_wait3A_39 = tpu.memref_slice %arg2[%dma_wait3A_37, %dma_wait3A_38] : memref<10000x128xf32, #tpu.memory_space<hbm>> -> memref<10000x128xf32, #tpu.memory_space<hbm>>
    tpu.wait_indirect_dma semaphore(%arg15 : memref<!tpu.dma_semaphore, #tpu.memory_space<semaphore_mem>>) src(%dma_wait3A_39 : memref<10000x128xf32, #tpu.memory_space<hbm>>) dst(%arg10 : memref<80x128xf32, #tpu.memory_space<vmem>>)
    %dma_wait3A_40 = arith.constant 124 : i32
    %dma_wait3A_41 = arith.constant 0 : i32
    %dma_wait3A_42 = tpu.memref_slice %arg8[%dma_wait3A_40, %dma_wait3A_41] : memref<125x80xi32, #tpu.memory_space<vmem>> -> memref<1x80xi32, #tpu.memory_space<vmem>>
    %dma_wait3A_43 = tpu.memref_squeeze %dma_wait3A_42 : memref<1x80xi32, #tpu.memory_space<vmem>> -> memref<80xi32, #tpu.memory_space<vmem>>
    %dma_wait3A_44 = arith.constant 0 : i32
    %dma_wait3A_45 = arith.constant 0 : i32
    %dma_wait3A_46 = tpu.memref_slice %arg2[%dma_wait3A_44, %dma_wait3A_45] : memref<10000x128xf32, #tpu.memory_space<hbm>> -> memref<10000x128xf32, #tpu.memory_space<hbm>>
    tpu.wait_indirect_dma semaphore(%arg16 : memref<!tpu.dma_semaphore, #tpu.memory_space<semaphore_mem>>) src(%dma_wait3A_46 : memref<10000x128xf32, #tpu.memory_space<hbm>>) dst(%arg11 : memref<80x128xf32, #tpu.memory_space<vmem>>)
    %scan3A_47 = arith.constant 0 : i32
    %scan3A_48 = arith.constant 80 : i32
    %scan3A_49 = arith.addi %scan3A_47, %scan3A_48 : i32
    %scan3A_50 = arith.constant 2 : i32
    %scan3A_51 = scf.for %scan3A_56 = %scan3A_47 to %scan3A_49 step %scan3A_50 iter_args(%scan3A_57 = %scan3A_18) -> (vector<16xf32>)  : i32 {
      %add3A_58 = arith.constant 9920 : i32
      %add3A_59 = arith.addi %add3A_58, %scan3A_56 : i32
      %broadcast_in_dim3A_60 = vector.broadcast %add3A_59 : i32 to vector<16xi32>
      %gather3A = tpu.vector_load_idx %arg9[%broadcast_in_dim3A_60] : memref<10000xf32, #tpu.memory_space<vmem>>[vector<16xi32>], vector<16xf32>,
      %get3A = arith.index_cast %scan3A_56 : i32 to index
      %get3A_61 = arith.constant 0 : index
      %get3A_62 = tpu.vector_load %arg10[%get3A, %get3A_61] {strides = array<i32>} : memref<80x128xf32, #tpu.memory_space<vmem>>, vector<16xf32>,
      %get3A_63 = arith.index_cast %scan3A_56 : i32 to index
      %get3A_64 = arith.constant 0 : index
      %get3A_65 = tpu.vector_load %arg11[%get3A_63, %get3A_64] {strides = array<i32>} : memref<80x128xf32, #tpu.memory_space<vmem>>, vector<16xf32>,
      %mul3A_66 = arith.mulf %get3A_62, %get3A_65 : vector<16xf32>
      %get3A_67 = arith.index_cast %scan3A_56 : i32 to index
      %get3A_68 = arith.constant 16 : index
      %get3A_69 = tpu.vector_load %arg10[%get3A_67, %get3A_68] {strides = array<i32>} : memref<80x128xf32, #tpu.memory_space<vmem>>, vector<16xf32>,
      %get3A_70 = arith.index_cast %scan3A_56 : i32 to index
      %get3A_71 = arith.constant 16 : index
      %get3A_72 = tpu.vector_load %arg11[%get3A_70, %get3A_71] {strides = array<i32>} : memref<80x128xf32, #tpu.memory_space<vmem>>, vector<16xf32>,
      %mul3A_73 = arith.mulf %get3A_69, %get3A_72 : vector<16xf32>
      %add3A_74 = arith.addf %mul3A_66, %mul3A_73 : vector<16xf32>
      %get3A_75 = arith.index_cast %scan3A_56 : i32 to index
      %get3A_76 = arith.constant 32 : index
      %get3A_77 = tpu.vector_load %arg10[%get3A_75, %get3A_76] {strides = array<i32>} : memref<80x128xf32, #tpu.memory_space<vmem>>, vector<16xf32>,
      %get3A_78 = arith.index_cast %scan3A_56 : i32 to index
      %get3A_79 = arith.constant 32 : index
      %get3A_80 = tpu.vector_load %arg11[%get3A_78, %get3A_79] {strides = array<i32>} : memref<80x128xf32, #tpu.memory_space<vmem>>, vector<16xf32>,
      %mul3A_81 = arith.mulf %get3A_77, %get3A_80 : vector<16xf32>
      %add3A_82 = arith.addf %add3A_74, %mul3A_81 : vector<16xf32>
      %get3A_83 = arith.index_cast %scan3A_56 : i32 to index
      %get3A_84 = arith.constant 48 : index
      %get3A_85 = tpu.vector_load %arg10[%get3A_83, %get3A_84] {strides = array<i32>} : memref<80x128xf32, #tpu.memory_space<vmem>>, vector<16xf32>,
      %get3A_86 = arith.index_cast %scan3A_56 : i32 to index
      %get3A_87 = arith.constant 48 : index
      %get3A_88 = tpu.vector_load %arg11[%get3A_86, %get3A_87] {strides = array<i32>} : memref<80x128xf32, #tpu.memory_space<vmem>>, vector<16xf32>,
      %mul3A_89 = arith.mulf %get3A_85, %get3A_88 : vector<16xf32>
      %add3A_90 = arith.addf %add3A_82, %mul3A_89 : vector<16xf32>
      %get3A_91 = arith.index_cast %scan3A_56 : i32 to index
      %get3A_92 = arith.constant 64 : index
      %get3A_93 = tpu.vector_load %arg10[%get3A_91, %get3A_92] {strides = array<i32>} : memref<80x128xf32, #tpu.memory_space<vmem>>, vector<16xf32>,
      %get3A_94 = arith.index_cast %scan3A_56 : i32 to index
      %get3A_95 = arith.constant 64 : index
      %get3A_96 = tpu.vector_load %arg11[%get3A_94, %get3A_95] {strides = array<i32>} : memref<80x128xf32, #tpu.memory_space<vmem>>, vector<16xf32>,
      %mul3A_97 = arith.mulf %get3A_93, %get3A_96 : vector<16xf32>
      %add3A_98 = arith.addf %add3A_90, %mul3A_97 : vector<16xf32>
      %get3A_99 = arith.index_cast %scan3A_56 : i32 to index
      %get3A_100 = arith.constant 80 : index
      %get3A_101 = tpu.vector_load %arg10[%get3A_99, %get3A_100] {strides = array<i32>} : memref<80x128xf32, #tpu.memory_space<vmem>>, vector<16xf32>,
      %get3A_102 = arith.index_cast %scan3A_56 : i32 to index
      %get3A_103 = arith.constant 80 : index
      %get3A_104 = tpu.vector_load %arg11[%get3A_102, %get3A_103] {strides = array<i32>} : memref<80x128xf32, #tpu.memory_space<vmem>>, vector<16xf32>,
      %mul3A_105 = arith.mulf %get3A_101, %get3A_104 : vector<16xf32>
      %add3A_106 = arith.addf %add3A_98, %mul3A_105 : vector<16xf32>
      %get3A_107 = arith.index_cast %scan3A_56 : i32 to index
      %get3A_108 = arith.constant 96 : index
      %get3A_109 = tpu.vector_load %arg10[%get3A_107, %get3A_108] {strides = array<i32>} : memref<80x128xf32, #tpu.memory_space<vmem>>, vector<16xf32>,
      %get3A_110 = arith.index_cast %scan3A_56 : i32 to index
      %get3A_111 = arith.constant 96 : index
      %get3A_112 = tpu.vector_load %arg11[%get3A_110, %get3A_111] {strides = array<i32>} : memref<80x128xf32, #tpu.memory_space<vmem>>, vector<16xf32>,
      %mul3A_113 = arith.mulf %get3A_109, %get3A_112 : vector<16xf32>
      %add3A_114 = arith.addf %add3A_106, %mul3A_113 : vector<16xf32>
      %get3A_115 = arith.index_cast %scan3A_56 : i32 to index
      %get3A_116 = arith.constant 112 : index
      %get3A_117 = tpu.vector_load %arg10[%get3A_115, %get3A_116] {strides = array<i32>} : memref<80x128xf32, #tpu.memory_space<vmem>>, vector<16xf32>,
      %get3A_118 = arith.index_cast %scan3A_56 : i32 to index
      %get3A_119 = arith.constant 112 : index
      %get3A_120 = tpu.vector_load %arg11[%get3A_118, %get3A_119] {strides = array<i32>} : memref<80x128xf32, #tpu.memory_space<vmem>>, vector<16xf32>,
      %mul3A_121 = arith.mulf %get3A_117, %get3A_120 : vector<16xf32>
      %add3A_122 = arith.addf %add3A_114, %mul3A_121 : vector<16xf32>
      %mul3A_123 = arith.mulf %gather3A, %add3A_122 : vector<16xf32>
      %add3A_124 = arith.addf %scan3A_57, %mul3A_123 : vector<16xf32>
      %scan3A_125 = arith.constant 1 : i32
      %scan3A_126 = arith.addi %scan3A_56, %scan3A_125 : i32
      %add3A_127 = arith.constant 9920 : i32
      %add3A_128 = arith.addi %add3A_127, %scan3A_126 : i32
      %broadcast_in_dim3A_129 = vector.broadcast %add3A_128 : i32 to vector<16xi32>
      %gather3A_130 = tpu.vector_load_idx %arg9[%broadcast_in_dim3A_129] : memref<10000xf32, #tpu.memory_space<vmem>>[vector<16xi32>], vector<16xf32>,
      %get3A_131 = arith.index_cast %scan3A_126 : i32 to index
      %get3A_132 = arith.constant 0 : index
      %get3A_133 = tpu.vector_load %arg10[%get3A_131, %get3A_132] {strides = array<i32>} : memref<80x128xf32, #tpu.memory_space<vmem>>, vector<16xf32>,
      %get3A_134 = arith.index_cast %scan3A_126 : i32 to index
      %get3A_135 = arith.constant 0 : index
      %get3A_136 = tpu.vector_load %arg11[%get3A_134, %get3A_135] {strides = array<i32>} : memref<80x128xf32, #tpu.memory_space<vmem>>, vector<16xf32>,
      %mul3A_137 = arith.mulf %get3A_133, %get3A_136 : vector<16xf32>
      %get3A_138 = arith.index_cast %scan3A_126 : i32 to index
      %get3A_139 = arith.constant 16 : index
      %get3A_140 = tpu.vector_load %arg10[%get3A_138, %get3A_139] {strides = array<i32>} : memref<80x128xf32, #tpu.memory_space<vmem>>, vector<16xf32>,
      %get3A_141 = arith.index_cast %scan3A_126 : i32 to index
      %get3A_142 = arith.constant 16 : index
      %get3A_143 = tpu.vector_load %arg11[%get3A_141, %get3A_142] {strides = array<i32>} : memref<80x128xf32, #tpu.memory_space<vmem>>, vector<16xf32>,
      %mul3A_144 = arith.mulf %get3A_140, %get3A_143 : vector<16xf32>
      %add3A_145 = arith.addf %mul3A_137, %mul3A_144 : vector<16xf32>
      %get3A_146 = arith.index_cast %scan3A_126 : i32 to index
      %get3A_147 = arith.constant 32 : index
      %get3A_148 = tpu.vector_load %arg10[%get3A_146, %get3A_147] {strides = array<i32>} : memref<80x128xf32, #tpu.memory_space<vmem>>, vector<16xf32>,
      %get3A_149 = arith.index_cast %scan3A_126 : i32 to index
      %get3A_150 = arith.constant 32 : index
      %get3A_151 = tpu.vector_load %arg11[%get3A_149, %get3A_150] {strides = array<i32>} : memref<80x128xf32, #tpu.memory_space<vmem>>, vector<16xf32>,
      %mul3A_152 = arith.mulf %get3A_148, %get3A_151 : vector<16xf32>
      %add3A_153 = arith.addf %add3A_145, %mul3A_152 : vector<16xf32>
      %get3A_154 = arith.index_cast %scan3A_126 : i32 to index
      %get3A_155 = arith.constant 48 : index
      %get3A_156 = tpu.vector_load %arg10[%get3A_154, %get3A_155] {strides = array<i32>} : memref<80x128xf32, #tpu.memory_space<vmem>>, vector<16xf32>,
      %get3A_157 = arith.index_cast %scan3A_126 : i32 to index
      %get3A_158 = arith.constant 48 : index
      %get3A_159 = tpu.vector_load %arg11[%get3A_157, %get3A_158] {strides = array<i32>} : memref<80x128xf32, #tpu.memory_space<vmem>>, vector<16xf32>,
      %mul3A_160 = arith.mulf %get3A_156, %get3A_159 : vector<16xf32>
      %add3A_161 = arith.addf %add3A_153, %mul3A_160 : vector<16xf32>
      %get3A_162 = arith.index_cast %scan3A_126 : i32 to index
      %get3A_163 = arith.constant 64 : index
      %get3A_164 = tpu.vector_load %arg10[%get3A_162, %get3A_163] {strides = array<i32>} : memref<80x128xf32, #tpu.memory_space<vmem>>, vector<16xf32>,
      %get3A_165 = arith.index_cast %scan3A_126 : i32 to index
      %get3A_166 = arith.constant 64 : index
      %get3A_167 = tpu.vector_load %arg11[%get3A_165, %get3A_166] {strides = array<i32>} : memref<80x128xf32, #tpu.memory_space<vmem>>, vector<16xf32>,
      %mul3A_168 = arith.mulf %get3A_164, %get3A_167 : vector<16xf32>
      %add3A_169 = arith.addf %add3A_161, %mul3A_168 : vector<16xf32>
      %get3A_170 = arith.index_cast %scan3A_126 : i32 to index
      %get3A_171 = arith.constant 80 : index
      %get3A_172 = tpu.vector_load %arg10[%get3A_170, %get3A_171] {strides = array<i32>} : memref<80x128xf32, #tpu.memory_space<vmem>>, vector<16xf32>,
      %get3A_173 = arith.index_cast %scan3A_126 : i32 to index
      %get3A_174 = arith.constant 80 : index
      %get3A_175 = tpu.vector_load %arg11[%get3A_173, %get3A_174] {strides = array<i32>} : memref<80x128xf32, #tpu.memory_space<vmem>>, vector<16xf32>,
      %mul3A_176 = arith.mulf %get3A_172, %get3A_175 : vector<16xf32>
      %add3A_177 = arith.addf %add3A_169, %mul3A_176 : vector<16xf32>
      %get3A_178 = arith.index_cast %scan3A_126 : i32 to index
      %get3A_179 = arith.constant 96 : index
      %get3A_180 = tpu.vector_load %arg10[%get3A_178, %get3A_179] {strides = array<i32>} : memref<80x128xf32, #tpu.memory_space<vmem>>, vector<16xf32>,
      %get3A_181 = arith.index_cast %scan3A_126 : i32 to index
      %get3A_182 = arith.constant 96 : index
      %get3A_183 = tpu.vector_load %arg11[%get3A_181, %get3A_182] {strides = array<i32>} : memref<80x128xf32, #tpu.memory_space<vmem>>, vector<16xf32>,
      %mul3A_184 = arith.mulf %get3A_180, %get3A_183 : vector<16xf32>
      %add3A_185 = arith.addf %add3A_177, %mul3A_184 : vector<16xf32>
      %get3A_186 = arith.index_cast %scan3A_126 : i32 to index
      %get3A_187 = arith.constant 112 : index
      %get3A_188 = tpu.vector_load %arg10[%get3A_186, %get3A_187] {strides = array<i32>} : memref<80x128xf32, #tpu.memory_space<vmem>>, vector<16xf32>,
      %get3A_189 = arith.index_cast %scan3A_126 : i32 to index
      %get3A_190 = arith.constant 112 : index
      %get3A_191 = tpu.vector_load %arg11[%get3A_189, %get3A_190] {strides = array<i32>} : memref<80x128xf32, #tpu.memory_space<vmem>>, vector<16xf32>,
      %mul3A_192 = arith.mulf %get3A_188, %get3A_191 : vector<16xf32>
      %add3A_193 = arith.addf %add3A_185, %mul3A_192 : vector<16xf32>
      %mul3A_194 = arith.mulf %gather3A_130, %add3A_193 : vector<16xf32>
      %add3A_195 = arith.addf %add3A_124, %mul3A_194 : vector<16xf32>
      scf.yield %add3A_195 : vector<16xf32>
    }
    %scan3A_52 = arith.constant 80 : i32
    %swap3A = arith.constant 0 : index
    %swap3A_53 = tpu.vector_load %arg14[%swap3A] {strides = array<i32>} : memref<16xf32, #tpu.memory_space<vmem>>, vector<16xf32>,
    tpu.vector_store %arg14[%swap3A], %scan3A_51 {strides = array<i32>} : memref<16xf32, #tpu.memory_space<vmem>>, vector<16xf32>,
    %mul3A_54 = arith.constant 16 : i32
    %mul3A_55 = arith.muli %add3A, %mul3A_54 : i32
    "tpu.region"() ({
      %run_scoped3A = tpu.sem_alloc : memref<!tpu.dma_semaphore, #tpu.memory_space<semaphore_mem>>
      %dma_start3A_56 = tpu.memref_slice %arg6[%mul3A_55] : memref<512xf32, #tpu.memory_space<hbm>> -> memref<16xf32, #tpu.memory_space<hbm>>
      %dma_start3A_57 = tpu.memref_slice %arg6[%mul3A_55] : memref<512xf32, #tpu.memory_space<hbm>> -> memref<16xf32, #tpu.memory_space<hbm>>
      tpu.enqueue_dma source(%arg14 : memref<16xf32, #tpu.memory_space<vmem>>) target(%dma_start3A_57 : memref<16xf32, #tpu.memory_space<hbm>>) target_semaphore(%run_scoped3A : memref<!tpu.dma_semaphore, #tpu.memory_space<semaphore_mem>>)
      %dma_wait3A_58 = tpu.memref_slice %arg6[%mul3A_55] : memref<512xf32, #tpu.memory_space<hbm>> -> memref<16xf32, #tpu.memory_space<hbm>>
      %dma_wait3A_59 = tpu.memref_slice %arg6[%mul3A_55] : memref<512xf32, #tpu.memory_space<hbm>> -> memref<16xf32, #tpu.memory_space<hbm>>
      tpu.wait_dma2 semaphore(%run_scoped3A : memref<!tpu.dma_semaphore, #tpu.memory_space<semaphore_mem>>) src(%arg14 : memref<16xf32, #tpu.memory_space<vmem>>) dst(%dma_wait3A_59 : memref<16xf32, #tpu.memory_space<hbm>>)
      tpu.yield
    }) : () -> ()
    return
  }
}

#map = affine_map<(d0, d1) -> (0)>
#map1 = affine_map<(d0, d1) -> (0, 0, 0)>
#map2 = affine_map<(d0, d1) -> (0, 0)>
module attributes {stable_mosaic.version = 14 : i64} {
  func.func @_sc_pass1_body(%arg0: i32, %arg1: i32, %arg2: memref<50000xf32, #tpu.memory_space<hbm>>, %arg3: memref<32x125x80xi32, #tpu.memory_space<hbm>>, %arg4: memref<32x125x80xi32, #tpu.memory_space<hbm>>, %arg5: memref<32x10000xf32, #tpu.memory_space<hbm>>, %arg6: memref<1000x16xf32, #tpu.memory_space<hbm>>, %arg7: memref<1000x16xf32, #tpu.memory_space<hbm>>, %arg8: memref<80x16xf32, #tpu.memory_space<hbm>>, %arg9: memref<2x10000x16xf32, #tpu.memory_space<hbm>>, %arg10: memref<2x10000x16xf32, #tpu.memory_space<hbm>>, %arg11: memref<125x80xi32, #tpu.memory_space<vmem>>, %arg12: memref<125x80xi32, #tpu.memory_space<vmem>>, %arg13: memref<80xf32, #tpu.memory_space<vmem>>, %arg14: memref<80x16xf32, #tpu.memory_space<vmem>>, %arg15: memref<80x16xf32, #tpu.memory_space<vmem>>, %arg16: memref<50000xf32, #tpu.memory_space<vmem>>, %arg17: memref<80x16xf32, #tpu.memory_space<vmem>>, %arg18: memref<80x16xf32, #tpu.memory_space<vmem>>, %arg19: memref<1000x16xf32, #tpu.memory_space<vmem>>, %arg20: memref<1000x16xf32, #tpu.memory_space<vmem>>, %arg21: memref<10000x16xf32, #tpu.memory_space<vmem_shared>>, %arg22: memref<10000x16xf32, #tpu.memory_space<vmem_shared>>, %arg23: memref<!tpu.dma_semaphore, #tpu.memory_space<semaphore_mem>>, %arg24: memref<!tpu.dma_semaphore, #tpu.memory_space<semaphore_mem>>, %arg25: memref<!tpu.dma_semaphore, #tpu.memory_space<semaphore_mem>>, %arg26: memref<!tpu.dma_semaphore, #tpu.memory_space<semaphore_mem>>) attributes {dimension_semantics = [#tpu.dimension_semantics<core_parallel>, #tpu.dimension_semantics<subcore_parallel>], iteration_bounds = array<i64: 2, 16>, scalar_prefetch = 0 : i64, scratch_operands = 16 : i64, tpu.core_type = #tpu.core_type<sc_vector_subcore>, window_params = [{transform_indices = #map}, {transform_indices = #map1}, {transform_indices = #map1}, {transform_indices = #map2}, {transform_indices = #map2}, {transform_indices = #map2}, {transform_indices = #map2}, {transform_indices = #map1}, {transform_indices = #map1}]} {
    %mul3A = arith.constant 16 : i32
    %mul3A_0 = arith.muli %arg0, %mul3A : i32
    %add3A = arith.addi %mul3A_0, %arg1 : i32
    %lt3A = arith.constant 10 : i32
    %lt3A_1 = arith.cmpi slt, %arg1, %lt3A : i32
    %convert_element_type3A = arith.extui %lt3A_1 : i1 to i32
    %cond3A = arith.constant 0 : i32
    %cond3A_2 = arith.cmpi ne, %convert_element_type3A, %cond3A : i32
    scf.if %cond3A_2 {
      %mul3A_67 = arith.constant 1000 : i32
      %mul3A_68 = arith.muli %arg1, %mul3A_67 : i32
      "tpu.region"() ({
        %run_scoped3A = tpu.sem_alloc : memref<!tpu.dma_semaphore, #tpu.memory_space<semaphore_mem>>
        tpu.enqueue_dma source(%arg6 : memref<1000x16xf32, #tpu.memory_space<hbm>>) target(%arg19 : memref<1000x16xf32, #tpu.memory_space<vmem>>) target_semaphore(%run_scoped3A : memref<!tpu.dma_semaphore, #tpu.memory_space<semaphore_mem>>)
        tpu.wait_dma2 semaphore(%run_scoped3A : memref<!tpu.dma_semaphore, #tpu.memory_space<semaphore_mem>>) src(%arg6 : memref<1000x16xf32, #tpu.memory_space<hbm>>) dst(%arg19 : memref<1000x16xf32, #tpu.memory_space<vmem>>)
        tpu.yield
      }) : () -> ()
      "tpu.region"() ({
        %run_scoped3A = tpu.sem_alloc : memref<!tpu.dma_semaphore, #tpu.memory_space<semaphore_mem>>
        %dma_start3A_69 = arith.constant 0 : i32
        %dma_start3A_70 = tpu.memref_slice %arg21[%mul3A_68, %dma_start3A_69] : memref<10000x16xf32, #tpu.memory_space<vmem_shared>> -> memref<1000x16xf32, #tpu.memory_space<vmem_shared>>
        %dma_start3A_71 = arith.constant 0 : i32
        %dma_start3A_72 = tpu.memref_slice %arg21[%mul3A_68, %dma_start3A_71] : memref<10000x16xf32, #tpu.memory_space<vmem_shared>> -> memref<1000x16xf32, #tpu.memory_space<vmem_shared>>
        tpu.enqueue_dma source(%arg19 : memref<1000x16xf32, #tpu.memory_space<vmem>>) target(%dma_start3A_72 : memref<1000x16xf32, #tpu.memory_space<vmem_shared>>) target_semaphore(%run_scoped3A : memref<!tpu.dma_semaphore, #tpu.memory_space<semaphore_mem>>)
        %dma_wait3A_73 = arith.constant 0 : i32
        %dma_wait3A_74 = tpu.memref_slice %arg21[%mul3A_68, %dma_wait3A_73] : memref<10000x16xf32, #tpu.memory_space<vmem_shared>> -> memref<1000x16xf32, #tpu.memory_space<vmem_shared>>
        %dma_wait3A_75 = arith.constant 0 : i32
        %dma_wait3A_76 = tpu.memref_slice %arg21[%mul3A_68, %dma_wait3A_75] : memref<10000x16xf32, #tpu.memory_space<vmem_shared>> -> memref<1000x16xf32, #tpu.memory_space<vmem_shared>>
        tpu.wait_dma2 semaphore(%run_scoped3A : memref<!tpu.dma_semaphore, #tpu.memory_space<semaphore_mem>>) src(%arg19 : memref<1000x16xf32, #tpu.memory_space<vmem>>) dst(%dma_wait3A_76 : memref<1000x16xf32, #tpu.memory_space<vmem_shared>>)
        tpu.yield
      }) : () -> ()
      "tpu.region"() ({
        %run_scoped3A = tpu.sem_alloc : memref<!tpu.dma_semaphore, #tpu.memory_space<semaphore_mem>>
        tpu.enqueue_dma source(%arg7 : memref<1000x16xf32, #tpu.memory_space<hbm>>) target(%arg20 : memref<1000x16xf32, #tpu.memory_space<vmem>>) target_semaphore(%run_scoped3A : memref<!tpu.dma_semaphore, #tpu.memory_space<semaphore_mem>>)
        tpu.wait_dma2 semaphore(%run_scoped3A : memref<!tpu.dma_semaphore, #tpu.memory_space<semaphore_mem>>) src(%arg7 : memref<1000x16xf32, #tpu.memory_space<hbm>>) dst(%arg20 : memref<1000x16xf32, #tpu.memory_space<vmem>>)
        tpu.yield
      }) : () -> ()
      "tpu.region"() ({
        %run_scoped3A = tpu.sem_alloc : memref<!tpu.dma_semaphore, #tpu.memory_space<semaphore_mem>>
        %dma_start3A_69 = arith.constant 0 : i32
        %dma_start3A_70 = tpu.memref_slice %arg22[%mul3A_68, %dma_start3A_69] : memref<10000x16xf32, #tpu.memory_space<vmem_shared>> -> memref<1000x16xf32, #tpu.memory_space<vmem_shared>>
        %dma_start3A_71 = arith.constant 0 : i32
        %dma_start3A_72 = tpu.memref_slice %arg22[%mul3A_68, %dma_start3A_71] : memref<10000x16xf32, #tpu.memory_space<vmem_shared>> -> memref<1000x16xf32, #tpu.memory_space<vmem_shared>>
        tpu.enqueue_dma source(%arg20 : memref<1000x16xf32, #tpu.memory_space<vmem>>) target(%dma_start3A_72 : memref<1000x16xf32, #tpu.memory_space<vmem_shared>>) target_semaphore(%run_scoped3A : memref<!tpu.dma_semaphore, #tpu.memory_space<semaphore_mem>>)
        %dma_wait3A_73 = arith.constant 0 : i32
        %dma_wait3A_74 = tpu.memref_slice %arg22[%mul3A_68, %dma_wait3A_73] : memref<10000x16xf32, #tpu.memory_space<vmem_shared>> -> memref<1000x16xf32, #tpu.memory_space<vmem_shared>>
        %dma_wait3A_75 = arith.constant 0 : i32
        %dma_wait3A_76 = tpu.memref_slice %arg22[%mul3A_68, %dma_wait3A_75] : memref<10000x16xf32, #tpu.memory_space<vmem_shared>> -> memref<1000x16xf32, #tpu.memory_space<vmem_shared>>
        tpu.wait_dma2 semaphore(%run_scoped3A : memref<!tpu.dma_semaphore, #tpu.memory_space<semaphore_mem>>) src(%arg20 : memref<1000x16xf32, #tpu.memory_space<vmem>>) dst(%dma_wait3A_76 : memref<1000x16xf32, #tpu.memory_space<vmem_shared>>)
        tpu.yield
      }) : () -> ()
    } else {
    }
    "tpu.region"() ({
      %run_scoped3A = tpu.sem_alloc : memref<!tpu.dma_semaphore, #tpu.memory_space<semaphore_mem>>
      %dma_start3A_67 = arith.constant 0 : i32
      %dma_start3A_68 = arith.constant 0 : i32
      %dma_start3A_69 = tpu.memref_slice %arg7[%dma_start3A_67, %dma_start3A_68] : memref<1000x16xf32, #tpu.memory_space<hbm>> -> memref<80x16xf32, #tpu.memory_space<hbm>>
      %dma_start3A_70 = arith.constant 0 : i32
      %dma_start3A_71 = arith.constant 0 : i32
      %dma_start3A_72 = tpu.memref_slice %arg7[%dma_start3A_70, %dma_start3A_71] : memref<1000x16xf32, #tpu.memory_space<hbm>> -> memref<80x16xf32, #tpu.memory_space<hbm>>
      tpu.enqueue_dma source(%dma_start3A_72 : memref<80x16xf32, #tpu.memory_space<hbm>>) target(%arg14 : memref<80x16xf32, #tpu.memory_space<vmem>>) target_semaphore(%run_scoped3A : memref<!tpu.dma_semaphore, #tpu.memory_space<semaphore_mem>>)
      %dma_wait3A_73 = arith.constant 0 : i32
      %dma_wait3A_74 = arith.constant 0 : i32
      %dma_wait3A_75 = tpu.memref_slice %arg7[%dma_wait3A_73, %dma_wait3A_74] : memref<1000x16xf32, #tpu.memory_space<hbm>> -> memref<80x16xf32, #tpu.memory_space<hbm>>
      %dma_wait3A_76 = arith.constant 0 : i32
      %dma_wait3A_77 = arith.constant 0 : i32
      %dma_wait3A_78 = tpu.memref_slice %arg7[%dma_wait3A_76, %dma_wait3A_77] : memref<1000x16xf32, #tpu.memory_space<hbm>> -> memref<80x16xf32, #tpu.memory_space<hbm>>
      tpu.wait_dma2 semaphore(%run_scoped3A : memref<!tpu.dma_semaphore, #tpu.memory_space<semaphore_mem>>) src(%dma_wait3A_78 : memref<80x16xf32, #tpu.memory_space<hbm>>) dst(%arg14 : memref<80x16xf32, #tpu.memory_space<vmem>>)
      tpu.yield
    }) : () -> ()
    "tpu.region"() ({
      %run_scoped3A = tpu.sem_alloc : memref<!tpu.dma_semaphore, #tpu.memory_space<semaphore_mem>>
      %dma_start3A_67 = arith.constant 0 : i32
      %dma_start3A_68 = arith.constant 0 : i32
      %dma_start3A_69 = tpu.memref_slice %arg7[%dma_start3A_67, %dma_start3A_68] : memref<1000x16xf32, #tpu.memory_space<hbm>> -> memref<80x16xf32, #tpu.memory_space<hbm>>
      %dma_start3A_70 = arith.constant 0 : i32
      %dma_start3A_71 = arith.constant 0 : i32
      %dma_start3A_72 = tpu.memref_slice %arg7[%dma_start3A_70, %dma_start3A_71] : memref<1000x16xf32, #tpu.memory_space<hbm>> -> memref<80x16xf32, #tpu.memory_space<hbm>>
      tpu.enqueue_dma source(%dma_start3A_72 : memref<80x16xf32, #tpu.memory_space<hbm>>) target(%arg15 : memref<80x16xf32, #tpu.memory_space<vmem>>) target_semaphore(%run_scoped3A : memref<!tpu.dma_semaphore, #tpu.memory_space<semaphore_mem>>)
      %dma_wait3A_73 = arith.constant 0 : i32
      %dma_wait3A_74 = arith.constant 0 : i32
      %dma_wait3A_75 = tpu.memref_slice %arg7[%dma_wait3A_73, %dma_wait3A_74] : memref<1000x16xf32, #tpu.memory_space<hbm>> -> memref<80x16xf32, #tpu.memory_space<hbm>>
      %dma_wait3A_76 = arith.constant 0 : i32
      %dma_wait3A_77 = arith.constant 0 : i32
      %dma_wait3A_78 = tpu.memref_slice %arg7[%dma_wait3A_76, %dma_wait3A_77] : memref<1000x16xf32, #tpu.memory_space<hbm>> -> memref<80x16xf32, #tpu.memory_space<hbm>>
      tpu.wait_dma2 semaphore(%run_scoped3A : memref<!tpu.dma_semaphore, #tpu.memory_space<semaphore_mem>>) src(%dma_wait3A_78 : memref<80x16xf32, #tpu.memory_space<hbm>>) dst(%arg15 : memref<80x16xf32, #tpu.memory_space<vmem>>)
      tpu.yield
    }) : () -> ()
    "tpu.region"() ({
      %run_scoped3A = tpu.sem_alloc : memref<!tpu.dma_semaphore, #tpu.memory_space<semaphore_mem>>
      tpu.enqueue_dma source(%arg2 : memref<50000xf32, #tpu.memory_space<hbm>>) target(%arg16 : memref<50000xf32, #tpu.memory_space<vmem>>) target_semaphore(%run_scoped3A : memref<!tpu.dma_semaphore, #tpu.memory_space<semaphore_mem>>)
      tpu.wait_dma2 semaphore(%run_scoped3A : memref<!tpu.dma_semaphore, #tpu.memory_space<semaphore_mem>>) src(%arg2 : memref<50000xf32, #tpu.memory_space<hbm>>) dst(%arg16 : memref<50000xf32, #tpu.memory_space<vmem>>)
      tpu.yield
    }) : () -> ()
    "tpu.region"() ({
      %run_scoped3A = tpu.sem_alloc : memref<!tpu.dma_semaphore, #tpu.memory_space<semaphore_mem>>
      %dma_start3A_67 = arith.constant 0 : i32
      %dma_start3A_68 = arith.constant 0 : i32
      %dma_start3A_69 = tpu.memref_slice %arg3[%add3A, %dma_start3A_67, %dma_start3A_68] : memref<32x125x80xi32, #tpu.memory_space<hbm>> -> memref<1x125x80xi32, #tpu.memory_space<hbm>>
      %dma_start3A_70 = tpu.memref_squeeze %dma_start3A_69 : memref<1x125x80xi32, #tpu.memory_space<hbm>> -> memref<125x80xi32, #tpu.memory_space<hbm>>
      %dma_start3A_71 = arith.constant 0 : i32
      %dma_start3A_72 = arith.constant 0 : i32
      %dma_start3A_73 = tpu.memref_slice %arg3[%add3A, %dma_start3A_71, %dma_start3A_72] : memref<32x125x80xi32, #tpu.memory_space<hbm>> -> memref<1x125x80xi32, #tpu.memory_space<hbm>>
      %dma_start3A_74 = tpu.memref_squeeze %dma_start3A_73 : memref<1x125x80xi32, #tpu.memory_space<hbm>> -> memref<125x80xi32, #tpu.memory_space<hbm>>
      tpu.enqueue_dma source(%dma_start3A_74 : memref<125x80xi32, #tpu.memory_space<hbm>>) target(%arg11 : memref<125x80xi32, #tpu.memory_space<vmem>>) target_semaphore(%run_scoped3A : memref<!tpu.dma_semaphore, #tpu.memory_space<semaphore_mem>>)
      %dma_wait3A_75 = arith.constant 0 : i32
      %dma_wait3A_76 = arith.constant 0 : i32
      %dma_wait3A_77 = tpu.memref_slice %arg3[%add3A, %dma_wait3A_75, %dma_wait3A_76] : memref<32x125x80xi32, #tpu.memory_space<hbm>> -> memref<1x125x80xi32, #tpu.memory_space<hbm>>
      %dma_wait3A_78 = tpu.memref_squeeze %dma_wait3A_77 : memref<1x125x80xi32, #tpu.memory_space<hbm>> -> memref<125x80xi32, #tpu.memory_space<hbm>>
      %dma_wait3A_79 = arith.constant 0 : i32
      %dma_wait3A_80 = arith.constant 0 : i32
      %dma_wait3A_81 = tpu.memref_slice %arg3[%add3A, %dma_wait3A_79, %dma_wait3A_80] : memref<32x125x80xi32, #tpu.memory_space<hbm>> -> memref<1x125x80xi32, #tpu.memory_space<hbm>>
      %dma_wait3A_82 = tpu.memref_squeeze %dma_wait3A_81 : memref<1x125x80xi32, #tpu.memory_space<hbm>> -> memref<125x80xi32, #tpu.memory_space<hbm>>
      tpu.wait_dma2 semaphore(%run_scoped3A : memref<!tpu.dma_semaphore, #tpu.memory_space<semaphore_mem>>) src(%dma_wait3A_82 : memref<125x80xi32, #tpu.memory_space<hbm>>) dst(%arg11 : memref<125x80xi32, #tpu.memory_space<vmem>>)
      tpu.yield
    }) : () -> ()
    "tpu.region"() ({
      %run_scoped3A = tpu.sem_alloc : memref<!tpu.dma_semaphore, #tpu.memory_space<semaphore_mem>>
      %dma_start3A_67 = arith.constant 0 : i32
      %dma_start3A_68 = arith.constant 0 : i32
      %dma_start3A_69 = tpu.memref_slice %arg4[%add3A, %dma_start3A_67, %dma_start3A_68] : memref<32x125x80xi32, #tpu.memory_space<hbm>> -> memref<1x125x80xi32, #tpu.memory_space<hbm>>
      %dma_start3A_70 = tpu.memref_squeeze %dma_start3A_69 : memref<1x125x80xi32, #tpu.memory_space<hbm>> -> memref<125x80xi32, #tpu.memory_space<hbm>>
      %dma_start3A_71 = arith.constant 0 : i32
      %dma_start3A_72 = arith.constant 0 : i32
      %dma_start3A_73 = tpu.memref_slice %arg4[%add3A, %dma_start3A_71, %dma_start3A_72] : memref<32x125x80xi32, #tpu.memory_space<hbm>> -> memref<1x125x80xi32, #tpu.memory_space<hbm>>
      %dma_start3A_74 = tpu.memref_squeeze %dma_start3A_73 : memref<1x125x80xi32, #tpu.memory_space<hbm>> -> memref<125x80xi32, #tpu.memory_space<hbm>>
      tpu.enqueue_dma source(%dma_start3A_74 : memref<125x80xi32, #tpu.memory_space<hbm>>) target(%arg12 : memref<125x80xi32, #tpu.memory_space<vmem>>) target_semaphore(%run_scoped3A : memref<!tpu.dma_semaphore, #tpu.memory_space<semaphore_mem>>)
      %dma_wait3A_75 = arith.constant 0 : i32
      %dma_wait3A_76 = arith.constant 0 : i32
      %dma_wait3A_77 = tpu.memref_slice %arg4[%add3A, %dma_wait3A_75, %dma_wait3A_76] : memref<32x125x80xi32, #tpu.memory_space<hbm>> -> memref<1x125x80xi32, #tpu.memory_space<hbm>>
      %dma_wait3A_78 = tpu.memref_squeeze %dma_wait3A_77 : memref<1x125x80xi32, #tpu.memory_space<hbm>> -> memref<125x80xi32, #tpu.memory_space<hbm>>
      %dma_wait3A_79 = arith.constant 0 : i32
      %dma_wait3A_80 = arith.constant 0 : i32
      %dma_wait3A_81 = tpu.memref_slice %arg4[%add3A, %dma_wait3A_79, %dma_wait3A_80] : memref<32x125x80xi32, #tpu.memory_space<hbm>> -> memref<1x125x80xi32, #tpu.memory_space<hbm>>
      %dma_wait3A_82 = tpu.memref_squeeze %dma_wait3A_81 : memref<1x125x80xi32, #tpu.memory_space<hbm>> -> memref<125x80xi32, #tpu.memory_space<hbm>>
      tpu.wait_dma2 semaphore(%run_scoped3A : memref<!tpu.dma_semaphore, #tpu.memory_space<semaphore_mem>>) src(%dma_wait3A_82 : memref<125x80xi32, #tpu.memory_space<hbm>>) dst(%arg12 : memref<125x80xi32, #tpu.memory_space<vmem>>)
      tpu.yield
    }) : () -> ()
    "tpu.region"() ({
      %run_scoped3A = tpu.sem_alloc : memref<!tpu.dma_semaphore, #tpu.memory_space<semaphore_mem>>
      tpu.enqueue_dma source(%arg8 : memref<80x16xf32, #tpu.memory_space<hbm>>) target(%arg17 : memref<80x16xf32, #tpu.memory_space<vmem>>) target_semaphore(%run_scoped3A : memref<!tpu.dma_semaphore, #tpu.memory_space<semaphore_mem>>)
      tpu.wait_dma2 semaphore(%run_scoped3A : memref<!tpu.dma_semaphore, #tpu.memory_space<semaphore_mem>>) src(%arg8 : memref<80x16xf32, #tpu.memory_space<hbm>>) dst(%arg17 : memref<80x16xf32, #tpu.memory_space<vmem>>)
      tpu.yield
    }) : () -> ()
    "tpu.region"() ({
      %run_scoped3A = tpu.sem_alloc : memref<!tpu.dma_semaphore, #tpu.memory_space<semaphore_mem>>
      tpu.enqueue_dma source(%arg8 : memref<80x16xf32, #tpu.memory_space<hbm>>) target(%arg18 : memref<80x16xf32, #tpu.memory_space<vmem>>) target_semaphore(%run_scoped3A : memref<!tpu.dma_semaphore, #tpu.memory_space<semaphore_mem>>)
      tpu.wait_dma2 semaphore(%run_scoped3A : memref<!tpu.dma_semaphore, #tpu.memory_space<semaphore_mem>>) src(%arg8 : memref<80x16xf32, #tpu.memory_space<hbm>>) dst(%arg18 : memref<80x16xf32, #tpu.memory_space<vmem>>)
      tpu.yield
    }) : () -> ()
    %barrier3A = arith.constant 0 : index
    tpu.barrier barrier_id(%barrier3A)
    %iota3A = tpu.iota {dimensions = array<i32: 0>} : vector<16xi32>
    %broadcast_in_dim3A = arith.constant 0 : i32
    %broadcast_in_dim3A_3 = vector.broadcast %broadcast_in_dim3A : i32 to vector<16xi32>
    "tpu.region"() ({
      %run_scoped3A = tpu.sem_alloc : memref<!tpu.dma_semaphore, #tpu.memory_space<semaphore_mem>>
      %dma_start3A_67 = arith.constant 0 : i32
      %dma_start3A_68 = tpu.memref_slice %arg5[%add3A, %dma_start3A_67] : memref<32x10000xf32, #tpu.memory_space<hbm>> -> memref<1x80xf32, #tpu.memory_space<hbm>>
      %dma_start3A_69 = tpu.memref_squeeze %dma_start3A_68 : memref<1x80xf32, #tpu.memory_space<hbm>> -> memref<80xf32, #tpu.memory_space<hbm>>
      %dma_start3A_70 = arith.constant 0 : i32
      %dma_start3A_71 = tpu.memref_slice %arg5[%add3A, %dma_start3A_70] : memref<32x10000xf32, #tpu.memory_space<hbm>> -> memref<1x80xf32, #tpu.memory_space<hbm>>
      %dma_start3A_72 = tpu.memref_squeeze %dma_start3A_71 : memref<1x80xf32, #tpu.memory_space<hbm>> -> memref<80xf32, #tpu.memory_space<hbm>>
      tpu.enqueue_dma source(%dma_start3A_72 : memref<80xf32, #tpu.memory_space<hbm>>) target(%arg13 : memref<80xf32, #tpu.memory_space<vmem>>) target_semaphore(%run_scoped3A : memref<!tpu.dma_semaphore, #tpu.memory_space<semaphore_mem>>)
      %dma_wait3A_73 = arith.constant 0 : i32
      %dma_wait3A_74 = tpu.memref_slice %arg5[%add3A, %dma_wait3A_73] : memref<32x10000xf32, #tpu.memory_space<hbm>> -> memref<1x80xf32, #tpu.memory_space<hbm>>
      %dma_wait3A_75 = tpu.memref_squeeze %dma_wait3A_74 : memref<1x80xf32, #tpu.memory_space<hbm>> -> memref<80xf32, #tpu.memory_space<hbm>>
      %dma_wait3A_76 = arith.constant 0 : i32
      %dma_wait3A_77 = tpu.memref_slice %arg5[%add3A, %dma_wait3A_76] : memref<32x10000xf32, #tpu.memory_space<hbm>> -> memref<1x80xf32, #tpu.memory_space<hbm>>
      %dma_wait3A_78 = tpu.memref_squeeze %dma_wait3A_77 : memref<1x80xf32, #tpu.memory_space<hbm>> -> memref<80xf32, #tpu.memory_space<hbm>>
      tpu.wait_dma2 semaphore(%run_scoped3A : memref<!tpu.dma_semaphore, #tpu.memory_space<semaphore_mem>>) src(%dma_wait3A_78 : memref<80xf32, #tpu.memory_space<hbm>>) dst(%arg13 : memref<80xf32, #tpu.memory_space<vmem>>)
      tpu.yield
    }) : () -> ()
    %scan3A = arith.constant 0 : i32
    %scan3A_4 = arith.constant 0 : i32
    %scan3A_5 = arith.constant 5 : i32
    %scan3A_6 = arith.addi %scan3A_4, %scan3A_5 : i32
    %scan3A_7 = arith.constant 1 : i32
    scf.for %scan3A_67 = %scan3A_4 to %scan3A_6 step %scan3A_7  : i32 {
      %mul3A_68 = arith.constant 16 : i32
      %mul3A_69 = arith.muli %scan3A_67, %mul3A_68 : i32
      %get3A = arith.constant 0 : i32
      %get3A_70 = arith.index_cast %get3A : i32 to index
      %get3A_71 = arith.index_cast %mul3A_69 : i32 to index
      %get3A_72 = tpu.vector_load %arg11[%get3A_70, %get3A_71] {strides = array<i32>} : memref<125x80xi32, #tpu.memory_space<vmem>>, vector<16xi32>,
      %mul3A_73 = arith.constant 16 : i32
      %mul3A_74 = arith.muli %scan3A_67, %mul3A_73 : i32
      %add3A_75 = vector.broadcast %mul3A_74 : i32 to vector<16xi32>
      %add3A_76 = arith.addi %add3A_75, %iota3A : vector<16xi32>
      %mul3A_77 = arith.constant 5 : i32
      %mul3A_78 = vector.broadcast %mul3A_77 : i32 to vector<16xi32>
      %mul3A_79 = arith.muli %get3A_72, %mul3A_78 : vector<16xi32>
      %add3A_80 = arith.constant 0 : i32
      %add3A_81 = vector.broadcast %add3A_80 : i32 to vector<16xi32>
      %add3A_82 = arith.addi %mul3A_79, %add3A_81 : vector<16xi32>
      %gather3A = tpu.vector_load_idx %arg16[%add3A_82] : memref<50000xf32, #tpu.memory_space<vmem>>[vector<16xi32>], vector<16xf32>,
      %broadcast_in_dim3A_83 = arith.constant 0 : i32
      %broadcast_in_dim3A_84 = vector.broadcast %broadcast_in_dim3A_83 : i32 to vector<16xi32>
      tpu.vector_store_idx %arg17[%add3A_76, %broadcast_in_dim3A_84], %gather3A : memref<80x16xf32, #tpu.memory_space<vmem>>[vector<16xi32>, vector<16xi32>], vector<16xf32>,
      %mul3A_85 = arith.constant 5 : i32
      %mul3A_86 = vector.broadcast %mul3A_85 : i32 to vector<16xi32>
      %mul3A_87 = arith.muli %get3A_72, %mul3A_86 : vector<16xi32>
      %add3A_88 = arith.constant 1 : i32
      %add3A_89 = vector.broadcast %add3A_88 : i32 to vector<16xi32>
      %add3A_90 = arith.addi %mul3A_87, %add3A_89 : vector<16xi32>
      %gather3A_91 = tpu.vector_load_idx %arg16[%add3A_90] : memref<50000xf32, #tpu.memory_space<vmem>>[vector<16xi32>], vector<16xf32>,
      %broadcast_in_dim3A_92 = arith.constant 1 : i32
      %broadcast_in_dim3A_93 = vector.broadcast %broadcast_in_dim3A_92 : i32 to vector<16xi32>
      tpu.vector_store_idx %arg17[%add3A_76, %broadcast_in_dim3A_93], %gather3A_91 : memref<80x16xf32, #tpu.memory_space<vmem>>[vector<16xi32>, vector<16xi32>], vector<16xf32>,
      %mul3A_94 = arith.constant 5 : i32
      %mul3A_95 = vector.broadcast %mul3A_94 : i32 to vector<16xi32>
      %mul3A_96 = arith.muli %get3A_72, %mul3A_95 : vector<16xi32>
      %add3A_97 = arith.constant 2 : i32
      %add3A_98 = vector.broadcast %add3A_97 : i32 to vector<16xi32>
      %add3A_99 = arith.addi %mul3A_96, %add3A_98 : vector<16xi32>
      %gather3A_100 = tpu.vector_load_idx %arg16[%add3A_99] : memref<50000xf32, #tpu.memory_space<vmem>>[vector<16xi32>], vector<16xf32>,
      %broadcast_in_dim3A_101 = arith.constant 2 : i32
      %broadcast_in_dim3A_102 = vector.broadcast %broadcast_in_dim3A_101 : i32 to vector<16xi32>
      tpu.vector_store_idx %arg17[%add3A_76, %broadcast_in_dim3A_102], %gather3A_100 : memref<80x16xf32, #tpu.memory_space<vmem>>[vector<16xi32>, vector<16xi32>], vector<16xf32>,
      %mul3A_103 = arith.constant 5 : i32
      %mul3A_104 = vector.broadcast %mul3A_103 : i32 to vector<16xi32>
      %mul3A_105 = arith.muli %get3A_72, %mul3A_104 : vector<16xi32>
      %add3A_106 = arith.constant 3 : i32
      %add3A_107 = vector.broadcast %add3A_106 : i32 to vector<16xi32>
      %add3A_108 = arith.addi %mul3A_105, %add3A_107 : vector<16xi32>
      %gather3A_109 = tpu.vector_load_idx %arg16[%add3A_108] : memref<50000xf32, #tpu.memory_space<vmem>>[vector<16xi32>], vector<16xf32>,
      %broadcast_in_dim3A_110 = arith.constant 3 : i32
      %broadcast_in_dim3A_111 = vector.broadcast %broadcast_in_dim3A_110 : i32 to vector<16xi32>
      tpu.vector_store_idx %arg17[%add3A_76, %broadcast_in_dim3A_111], %gather3A_109 : memref<80x16xf32, #tpu.memory_space<vmem>>[vector<16xi32>, vector<16xi32>], vector<16xf32>,
      %mul3A_112 = arith.constant 5 : i32
      %mul3A_113 = vector.broadcast %mul3A_112 : i32 to vector<16xi32>
      %mul3A_114 = arith.muli %get3A_72, %mul3A_113 : vector<16xi32>
      %add3A_115 = arith.constant 4 : i32
      %add3A_116 = vector.broadcast %add3A_115 : i32 to vector<16xi32>
      %add3A_117 = arith.addi %mul3A_114, %add3A_116 : vector<16xi32>
      %gather3A_118 = tpu.vector_load_idx %arg16[%add3A_117] : memref<50000xf32, #tpu.memory_space<vmem>>[vector<16xi32>], vector<16xf32>,
      %broadcast_in_dim3A_119 = arith.constant 4 : i32
      %broadcast_in_dim3A_120 = vector.broadcast %broadcast_in_dim3A_119 : i32 to vector<16xi32>
      tpu.vector_store_idx %arg17[%add3A_76, %broadcast_in_dim3A_120], %gather3A_118 : memref<80x16xf32, #tpu.memory_space<vmem>>[vector<16xi32>, vector<16xi32>], vector<16xf32>,
      %mul3A_121 = arith.constant 16 : i32
      %mul3A_122 = arith.muli %scan3A_67, %mul3A_121 : i32
      %get3A_123 = arith.index_cast %mul3A_122 : i32 to index
      %get3A_124 = tpu.vector_load %arg13[%get3A_123] {strides = array<i32>} : memref<80xf32, #tpu.memory_space<vmem>>, vector<16xf32>,
      tpu.vector_store_idx %arg14[%add3A_76, %broadcast_in_dim3A_3], %get3A_124 : memref<80x16xf32, #tpu.memory_space<vmem>>[vector<16xi32>, vector<16xi32>], vector<16xf32>,
    }
    %scan3A_8 = arith.constant 5 : i32
    %dma_start3A = arith.constant 0 : i32
    %dma_start3A_9 = arith.constant 0 : i32
    %dma_start3A_10 = tpu.memref_slice %arg12[%dma_start3A, %dma_start3A_9] : memref<125x80xi32, #tpu.memory_space<vmem>> -> memref<1x80xi32, #tpu.memory_space<vmem>>
    %dma_start3A_11 = tpu.memref_squeeze %dma_start3A_10 : memref<1x80xi32, #tpu.memory_space<vmem>> -> memref<80xi32, #tpu.memory_space<vmem>>
    %dma_start3A_12 = arith.constant 0 : i32
    %dma_start3A_13 = arith.constant 0 : i32
    %dma_start3A_14 = tpu.memref_slice %arg21[%dma_start3A_12, %dma_start3A_13] : memref<10000x16xf32, #tpu.memory_space<vmem_shared>> -> memref<10000x16xf32, #tpu.memory_space<vmem_shared>>
    tpu.enqueue_indirect_dma source(%arg17 : memref<80x16xf32, #tpu.memory_space<vmem>>) target(%dma_start3A_14 : memref<10000x16xf32, #tpu.memory_space<vmem_shared>>) offsets(%dma_start3A_11 : memref<80xi32, #tpu.memory_space<vmem>>) semaphore(%arg23 : memref<!tpu.dma_semaphore, #tpu.memory_space<semaphore_mem>>) {add = true}
    %dma_start3A_15 = arith.constant 0 : i32
    %dma_start3A_16 = arith.constant 0 : i32
    %dma_start3A_17 = tpu.memref_slice %arg11[%dma_start3A_15, %dma_start3A_16] : memref<125x80xi32, #tpu.memory_space<vmem>> -> memref<1x80xi32, #tpu.memory_space<vmem>>
    %dma_start3A_18 = tpu.memref_squeeze %dma_start3A_17 : memref<1x80xi32, #tpu.memory_space<vmem>> -> memref<80xi32, #tpu.memory_space<vmem>>
    %dma_start3A_19 = arith.constant 0 : i32
    %dma_start3A_20 = arith.constant 0 : i32
    %dma_start3A_21 = tpu.memref_slice %arg22[%dma_start3A_19, %dma_start3A_20] : memref<10000x16xf32, #tpu.memory_space<vmem_shared>> -> memref<10000x16xf32, #tpu.memory_space<vmem_shared>>
    tpu.enqueue_indirect_dma source(%arg14 : memref<80x16xf32, #tpu.memory_space<vmem>>) target(%dma_start3A_21 : memref<10000x16xf32, #tpu.memory_space<vmem_shared>>) offsets(%dma_start3A_18 : memref<80xi32, #tpu.memory_space<vmem>>) semaphore(%arg24 : memref<!tpu.dma_semaphore, #tpu.memory_space<semaphore_mem>>) {add = true}
    %scan3A_22 = arith.constant 0 : i32
    %scan3A_23 = arith.constant 0 : i32
    %scan3A_24 = arith.constant 62 : i32
    %scan3A_25 = arith.addi %scan3A_23, %scan3A_24 : i32
    %scan3A_26 = arith.constant 1 : i32
    scf.for %scan3A_67 = %scan3A_23 to %scan3A_25 step %scan3A_26  : i32 {
      %mul3A_68 = arith.constant 2 : i32
      %mul3A_69 = arith.muli %mul3A_68, %scan3A_67 : i32
      %add3A_70 = arith.constant 1 : i32
      %add3A_71 = arith.addi %mul3A_69, %add3A_70 : i32
      %mul3A_72 = arith.constant 80 : i32
      %mul3A_73 = arith.muli %add3A_71, %mul3A_72 : i32
      "tpu.region"() ({
        %run_scoped3A = tpu.sem_alloc : memref<!tpu.dma_semaphore, #tpu.memory_space<semaphore_mem>>
        %dma_start3A_127 = tpu.memref_slice %arg5[%add3A, %mul3A_73] : memref<32x10000xf32, #tpu.memory_space<hbm>> -> memref<1x80xf32, #tpu.memory_space<hbm>>
        %dma_start3A_128 = tpu.memref_squeeze %dma_start3A_127 : memref<1x80xf32, #tpu.memory_space<hbm>> -> memref<80xf32, #tpu.memory_space<hbm>>
        %dma_start3A_129 = tpu.memref_slice %arg5[%add3A, %mul3A_73] : memref<32x10000xf32, #tpu.memory_space<hbm>> -> memref<1x80xf32, #tpu.memory_space<hbm>>
        %dma_start3A_130 = tpu.memref_squeeze %dma_start3A_129 : memref<1x80xf32, #tpu.memory_space<hbm>> -> memref<80xf32, #tpu.memory_space<hbm>>
        tpu.enqueue_dma source(%dma_start3A_130 : memref<80xf32, #tpu.memory_space<hbm>>) target(%arg13 : memref<80xf32, #tpu.memory_space<vmem>>) target_semaphore(%run_scoped3A : memref<!tpu.dma_semaphore, #tpu.memory_space<semaphore_mem>>)
        %dma_wait3A_131 = tpu.memref_slice %arg5[%add3A, %mul3A_73] : memref<32x10000xf32, #tpu.memory_space<hbm>> -> memref<1x80xf32, #tpu.memory_space<hbm>>
        %dma_wait3A_132 = tpu.memref_squeeze %dma_wait3A_131 : memref<1x80xf32, #tpu.memory_space<hbm>> -> memref<80xf32, #tpu.memory_space<hbm>>
        %dma_wait3A_133 = tpu.memref_slice %arg5[%add3A, %mul3A_73] : memref<32x10000xf32, #tpu.memory_space<hbm>> -> memref<1x80xf32, #tpu.memory_space<hbm>>
        %dma_wait3A_134 = tpu.memref_squeeze %dma_wait3A_133 : memref<1x80xf32, #tpu.memory_space<hbm>> -> memref<80xf32, #tpu.memory_space<hbm>>
        tpu.wait_dma2 semaphore(%run_scoped3A : memref<!tpu.dma_semaphore, #tpu.memory_space<semaphore_mem>>) src(%dma_wait3A_134 : memref<80xf32, #tpu.memory_space<hbm>>) dst(%arg13 : memref<80xf32, #tpu.memory_space<vmem>>)
        tpu.yield
      }) : () -> ()
      %scan3A_74 = arith.constant 0 : i32
      %scan3A_75 = arith.constant 0 : i32
      %scan3A_76 = arith.constant 5 : i32
      %scan3A_77 = arith.addi %scan3A_75, %scan3A_76 : i32
      %scan3A_78 = arith.constant 1 : i32
      scf.for %scan3A_127 = %scan3A_75 to %scan3A_77 step %scan3A_78  : i32 {
        %mul3A_128 = arith.constant 16 : i32
        %mul3A_129 = arith.muli %scan3A_127, %mul3A_128 : i32
        %get3A = arith.index_cast %add3A_71 : i32 to index
        %get3A_130 = arith.index_cast %mul3A_129 : i32 to index
        %get3A_131 = tpu.vector_load %arg11[%get3A, %get3A_130] {strides = array<i32>} : memref<125x80xi32, #tpu.memory_space<vmem>>, vector<16xi32>,
        %mul3A_132 = arith.constant 16 : i32
        %mul3A_133 = arith.muli %scan3A_127, %mul3A_132 : i32
        %add3A_134 = vector.broadcast %mul3A_133 : i32 to vector<16xi32>
        %add3A_135 = arith.addi %add3A_134, %iota3A : vector<16xi32>
        %mul3A_136 = arith.constant 5 : i32
        %mul3A_137 = vector.broadcast %mul3A_136 : i32 to vector<16xi32>
        %mul3A_138 = arith.muli %get3A_131, %mul3A_137 : vector<16xi32>
        %add3A_139 = arith.constant 0 : i32
        %add3A_140 = vector.broadcast %add3A_139 : i32 to vector<16xi32>
        %add3A_141 = arith.addi %mul3A_138, %add3A_140 : vector<16xi32>
        %gather3A = tpu.vector_load_idx %arg16[%add3A_141] : memref<50000xf32, #tpu.memory_space<vmem>>[vector<16xi32>], vector<16xf32>,
        %broadcast_in_dim3A_142 = arith.constant 0 : i32
        %broadcast_in_dim3A_143 = vector.broadcast %broadcast_in_dim3A_142 : i32 to vector<16xi32>
        tpu.vector_store_idx %arg18[%add3A_135, %broadcast_in_dim3A_143], %gather3A : memref<80x16xf32, #tpu.memory_space<vmem>>[vector<16xi32>, vector<16xi32>], vector<16xf32>,
        %mul3A_144 = arith.constant 5 : i32
        %mul3A_145 = vector.broadcast %mul3A_144 : i32 to vector<16xi32>
        %mul3A_146 = arith.muli %get3A_131, %mul3A_145 : vector<16xi32>
        %add3A_147 = arith.constant 1 : i32
        %add3A_148 = vector.broadcast %add3A_147 : i32 to vector<16xi32>
        %add3A_149 = arith.addi %mul3A_146, %add3A_148 : vector<16xi32>
        %gather3A_150 = tpu.vector_load_idx %arg16[%add3A_149] : memref<50000xf32, #tpu.memory_space<vmem>>[vector<16xi32>], vector<16xf32>,
        %broadcast_in_dim3A_151 = arith.constant 1 : i32
        %broadcast_in_dim3A_152 = vector.broadcast %broadcast_in_dim3A_151 : i32 to vector<16xi32>
        tpu.vector_store_idx %arg18[%add3A_135, %broadcast_in_dim3A_152], %gather3A_150 : memref<80x16xf32, #tpu.memory_space<vmem>>[vector<16xi32>, vector<16xi32>], vector<16xf32>,
        %mul3A_153 = arith.constant 5 : i32
        %mul3A_154 = vector.broadcast %mul3A_153 : i32 to vector<16xi32>
        %mul3A_155 = arith.muli %get3A_131, %mul3A_154 : vector<16xi32>
        %add3A_156 = arith.constant 2 : i32
        %add3A_157 = vector.broadcast %add3A_156 : i32 to vector<16xi32>
        %add3A_158 = arith.addi %mul3A_155, %add3A_157 : vector<16xi32>
        %gather3A_159 = tpu.vector_load_idx %arg16[%add3A_158] : memref<50000xf32, #tpu.memory_space<vmem>>[vector<16xi32>], vector<16xf32>,
        %broadcast_in_dim3A_160 = arith.constant 2 : i32
        %broadcast_in_dim3A_161 = vector.broadcast %broadcast_in_dim3A_160 : i32 to vector<16xi32>
        tpu.vector_store_idx %arg18[%add3A_135, %broadcast_in_dim3A_161], %gather3A_159 : memref<80x16xf32, #tpu.memory_space<vmem>>[vector<16xi32>, vector<16xi32>], vector<16xf32>,
        %mul3A_162 = arith.constant 5 : i32
        %mul3A_163 = vector.broadcast %mul3A_162 : i32 to vector<16xi32>
        %mul3A_164 = arith.muli %get3A_131, %mul3A_163 : vector<16xi32>
        %add3A_165 = arith.constant 3 : i32
        %add3A_166 = vector.broadcast %add3A_165 : i32 to vector<16xi32>
        %add3A_167 = arith.addi %mul3A_164, %add3A_166 : vector<16xi32>
        %gather3A_168 = tpu.vector_load_idx %arg16[%add3A_167] : memref<50000xf32, #tpu.memory_space<vmem>>[vector<16xi32>], vector<16xf32>,
        %broadcast_in_dim3A_169 = arith.constant 3 : i32
        %broadcast_in_dim3A_170 = vector.broadcast %broadcast_in_dim3A_169 : i32 to vector<16xi32>
        tpu.vector_store_idx %arg18[%add3A_135, %broadcast_in_dim3A_170], %gather3A_168 : memref<80x16xf32, #tpu.memory_space<vmem>>[vector<16xi32>, vector<16xi32>], vector<16xf32>,
        %mul3A_171 = arith.constant 5 : i32
        %mul3A_172 = vector.broadcast %mul3A_171 : i32 to vector<16xi32>
        %mul3A_173 = arith.muli %get3A_131, %mul3A_172 : vector<16xi32>
        %add3A_174 = arith.constant 4 : i32
        %add3A_175 = vector.broadcast %add3A_174 : i32 to vector<16xi32>
        %add3A_176 = arith.addi %mul3A_173, %add3A_175 : vector<16xi32>
        %gather3A_177 = tpu.vector_load_idx %arg16[%add3A_176] : memref<50000xf32, #tpu.memory_space<vmem>>[vector<16xi32>], vector<16xf32>,
        %broadcast_in_dim3A_178 = arith.constant 4 : i32
        %broadcast_in_dim3A_179 = vector.broadcast %broadcast_in_dim3A_178 : i32 to vector<16xi32>
        tpu.vector_store_idx %arg18[%add3A_135, %broadcast_in_dim3A_179], %gather3A_177 : memref<80x16xf32, #tpu.memory_space<vmem>>[vector<16xi32>, vector<16xi32>], vector<16xf32>,
        %mul3A_180 = arith.constant 16 : i32
        %mul3A_181 = arith.muli %scan3A_127, %mul3A_180 : i32
        %get3A_182 = arith.index_cast %mul3A_181 : i32 to index
        %get3A_183 = tpu.vector_load %arg13[%get3A_182] {strides = array<i32>} : memref<80xf32, #tpu.memory_space<vmem>>, vector<16xf32>,
        tpu.vector_store_idx %arg15[%add3A_135, %broadcast_in_dim3A_3], %get3A_183 : memref<80x16xf32, #tpu.memory_space<vmem>>[vector<16xi32>, vector<16xi32>], vector<16xf32>,
      }
      %scan3A_79 = arith.constant 5 : i32
      %add3A_80 = arith.constant 1 : i32
      %add3A_81 = arith.addi %mul3A_69, %add3A_80 : i32
      %dma_start3A_82 = arith.constant 0 : i32
      %dma_start3A_83 = tpu.memref_slice %arg12[%add3A_81, %dma_start3A_82] : memref<125x80xi32, #tpu.memory_space<vmem>> -> memref<1x80xi32, #tpu.memory_space<vmem>>
      %dma_start3A_84 = tpu.memref_squeeze %dma_start3A_83 : memref<1x80xi32, #tpu.memory_space<vmem>> -> memref<80xi32, #tpu.memory_space<vmem>>
      %dma_start3A_85 = arith.constant 0 : i32
      %dma_start3A_86 = arith.constant 0 : i32
      %dma_start3A_87 = tpu.memref_slice %arg21[%dma_start3A_85, %dma_start3A_86] : memref<10000x16xf32, #tpu.memory_space<vmem_shared>> -> memref<10000x16xf32, #tpu.memory_space<vmem_shared>>
      tpu.enqueue_indirect_dma source(%arg18 : memref<80x16xf32, #tpu.memory_space<vmem>>) target(%dma_start3A_87 : memref<10000x16xf32, #tpu.memory_space<vmem_shared>>) offsets(%dma_start3A_84 : memref<80xi32, #tpu.memory_space<vmem>>) semaphore(%arg25 : memref<!tpu.dma_semaphore, #tpu.memory_space<semaphore_mem>>) {add = true}
      %dma_start3A_88 = arith.constant 0 : i32
      %dma_start3A_89 = tpu.memref_slice %arg11[%add3A_81, %dma_start3A_88] : memref<125x80xi32, #tpu.memory_space<vmem>> -> memref<1x80xi32, #tpu.memory_space<vmem>>
      %dma_start3A_90 = tpu.memref_squeeze %dma_start3A_89 : memref<1x80xi32, #tpu.memory_space<vmem>> -> memref<80xi32, #tpu.memory_space<vmem>>
      %dma_start3A_91 = arith.constant 0 : i32
      %dma_start3A_92 = arith.constant 0 : i32
      %dma_start3A_93 = tpu.memref_slice %arg22[%dma_start3A_91, %dma_start3A_92] : memref<10000x16xf32, #tpu.memory_space<vmem_shared>> -> memref<10000x16xf32, #tpu.memory_space<vmem_shared>>
      tpu.enqueue_indirect_dma source(%arg15 : memref<80x16xf32, #tpu.memory_space<vmem>>) target(%dma_start3A_93 : memref<10000x16xf32, #tpu.memory_space<vmem_shared>>) offsets(%dma_start3A_90 : memref<80xi32, #tpu.memory_space<vmem>>) semaphore(%arg26 : memref<!tpu.dma_semaphore, #tpu.memory_space<semaphore_mem>>) {add = true}
      %dma_wait3A_94 = arith.constant 0 : i32
      %dma_wait3A_95 = tpu.memref_slice %arg12[%mul3A_69, %dma_wait3A_94] : memref<125x80xi32, #tpu.memory_space<vmem>> -> memref<1x80xi32, #tpu.memory_space<vmem>>
      %dma_wait3A_96 = tpu.memref_squeeze %dma_wait3A_95 : memref<1x80xi32, #tpu.memory_space<vmem>> -> memref<80xi32, #tpu.memory_space<vmem>>
      %dma_wait3A_97 = arith.constant 0 : i32
      %dma_wait3A_98 = arith.constant 0 : i32
      %dma_wait3A_99 = tpu.memref_slice %arg21[%dma_wait3A_97, %dma_wait3A_98] : memref<10000x16xf32, #tpu.memory_space<vmem_shared>> -> memref<10000x16xf32, #tpu.memory_space<vmem_shared>>
      tpu.wait_indirect_dma semaphore(%arg23 : memref<!tpu.dma_semaphore, #tpu.memory_space<semaphore_mem>>) src(%arg17 : memref<80x16xf32, #tpu.memory_space<vmem>>) dst(%dma_wait3A_99 : memref<10000x16xf32, #tpu.memory_space<vmem_shared>>)
      %dma_wait3A_100 = arith.constant 0 : i32
      %dma_wait3A_101 = tpu.memref_slice %arg11[%mul3A_69, %dma_wait3A_100] : memref<125x80xi32, #tpu.memory_space<vmem>> -> memref<1x80xi32, #tpu.memory_space<vmem>>
      %dma_wait3A_102 = tpu.memref_squeeze %dma_wait3A_101 : memref<1x80xi32, #tpu.memory_space<vmem>> -> memref<80xi32, #tpu.memory_space<vmem>>
      %dma_wait3A_103 = arith.constant 0 : i32
      %dma_wait3A_104 = arith.constant 0 : i32
      %dma_wait3A_105 = tpu.memref_slice %arg22[%dma_wait3A_103, %dma_wait3A_104] : memref<10000x16xf32, #tpu.memory_space<vmem_shared>> -> memref<10000x16xf32, #tpu.memory_space<vmem_shared>>
      tpu.wait_indirect_dma semaphore(%arg24 : memref<!tpu.dma_semaphore, #tpu.memory_space<semaphore_mem>>) src(%arg14 : memref<80x16xf32, #tpu.memory_space<vmem>>) dst(%dma_wait3A_105 : memref<10000x16xf32, #tpu.memory_space<vmem_shared>>)
      %add3A_106 = arith.constant 1 : i32
      %add3A_107 = arith.addi %scan3A_67, %add3A_106 : i32
      %lt3A_108 = arith.constant 62 : i32
      %lt3A_109 = arith.cmpi slt, %add3A_107, %lt3A_108 : i32
      %convert_element_type3A_110 = arith.extui %lt3A_109 : i1 to i32
      %cond3A_111 = arith.constant 0 : i32
      %cond3A_112 = arith.cmpi ne, %convert_element_type3A_110, %cond3A_111 : i32
      scf.if %cond3A_112 {
        %add3A_127 = arith.constant 2 : i32
        %add3A_128 = arith.addi %mul3A_69, %add3A_127 : i32
        %mul3A_129 = arith.constant 80 : i32
        %mul3A_130 = arith.muli %add3A_128, %mul3A_129 : i32
        "tpu.region"() ({
          %run_scoped3A = tpu.sem_alloc : memref<!tpu.dma_semaphore, #tpu.memory_space<semaphore_mem>>
          %dma_start3A_151 = tpu.memref_slice %arg5[%add3A, %mul3A_130] : memref<32x10000xf32, #tpu.memory_space<hbm>> -> memref<1x80xf32, #tpu.memory_space<hbm>>
          %dma_start3A_152 = tpu.memref_squeeze %dma_start3A_151 : memref<1x80xf32, #tpu.memory_space<hbm>> -> memref<80xf32, #tpu.memory_space<hbm>>
          %dma_start3A_153 = tpu.memref_slice %arg5[%add3A, %mul3A_130] : memref<32x10000xf32, #tpu.memory_space<hbm>> -> memref<1x80xf32, #tpu.memory_space<hbm>>
          %dma_start3A_154 = tpu.memref_squeeze %dma_start3A_153 : memref<1x80xf32, #tpu.memory_space<hbm>> -> memref<80xf32, #tpu.memory_space<hbm>>
          tpu.enqueue_dma source(%dma_start3A_154 : memref<80xf32, #tpu.memory_space<hbm>>) target(%arg13 : memref<80xf32, #tpu.memory_space<vmem>>) target_semaphore(%run_scoped3A : memref<!tpu.dma_semaphore, #tpu.memory_space<semaphore_mem>>)
          %dma_wait3A_155 = tpu.memref_slice %arg5[%add3A, %mul3A_130] : memref<32x10000xf32, #tpu.memory_space<hbm>> -> memref<1x80xf32, #tpu.memory_space<hbm>>
          %dma_wait3A_156 = tpu.memref_squeeze %dma_wait3A_155 : memref<1x80xf32, #tpu.memory_space<hbm>> -> memref<80xf32, #tpu.memory_space<hbm>>
          %dma_wait3A_157 = tpu.memref_slice %arg5[%add3A, %mul3A_130] : memref<32x10000xf32, #tpu.memory_space<hbm>> -> memref<1x80xf32, #tpu.memory_space<hbm>>
          %dma_wait3A_158 = tpu.memref_squeeze %dma_wait3A_157 : memref<1x80xf32, #tpu.memory_space<hbm>> -> memref<80xf32, #tpu.memory_space<hbm>>
          tpu.wait_dma2 semaphore(%run_scoped3A : memref<!tpu.dma_semaphore, #tpu.memory_space<semaphore_mem>>) src(%dma_wait3A_158 : memref<80xf32, #tpu.memory_space<hbm>>) dst(%arg13 : memref<80xf32, #tpu.memory_space<vmem>>)
          tpu.yield
        }) : () -> ()
        %scan3A_131 = arith.constant 0 : i32
        %scan3A_132 = arith.constant 0 : i32
        %scan3A_133 = arith.constant 5 : i32
        %scan3A_134 = arith.addi %scan3A_132, %scan3A_133 : i32
        %scan3A_135 = arith.constant 1 : i32
        scf.for %scan3A_151 = %scan3A_132 to %scan3A_134 step %scan3A_135  : i32 {
          %mul3A_152 = arith.constant 16 : i32
          %mul3A_153 = arith.muli %scan3A_151, %mul3A_152 : i32
          %get3A = arith.index_cast %add3A_128 : i32 to index
          %get3A_154 = arith.index_cast %mul3A_153 : i32 to index
          %get3A_155 = tpu.vector_load %arg11[%get3A, %get3A_154] {strides = array<i32>} : memref<125x80xi32, #tpu.memory_space<vmem>>, vector<16xi32>,
          %mul3A_156 = arith.constant 16 : i32
          %mul3A_157 = arith.muli %scan3A_151, %mul3A_156 : i32
          %add3A_158 = vector.broadcast %mul3A_157 : i32 to vector<16xi32>
          %add3A_159 = arith.addi %add3A_158, %iota3A : vector<16xi32>
          %mul3A_160 = arith.constant 5 : i32
          %mul3A_161 = vector.broadcast %mul3A_160 : i32 to vector<16xi32>
          %mul3A_162 = arith.muli %get3A_155, %mul3A_161 : vector<16xi32>
          %add3A_163 = arith.constant 0 : i32
          %add3A_164 = vector.broadcast %add3A_163 : i32 to vector<16xi32>
          %add3A_165 = arith.addi %mul3A_162, %add3A_164 : vector<16xi32>
          %gather3A = tpu.vector_load_idx %arg16[%add3A_165] : memref<50000xf32, #tpu.memory_space<vmem>>[vector<16xi32>], vector<16xf32>,
          %broadcast_in_dim3A_166 = arith.constant 0 : i32
          %broadcast_in_dim3A_167 = vector.broadcast %broadcast_in_dim3A_166 : i32 to vector<16xi32>
          tpu.vector_store_idx %arg17[%add3A_159, %broadcast_in_dim3A_167], %gather3A : memref<80x16xf32, #tpu.memory_space<vmem>>[vector<16xi32>, vector<16xi32>], vector<16xf32>,
          %mul3A_168 = arith.constant 5 : i32
          %mul3A_169 = vector.broadcast %mul3A_168 : i32 to vector<16xi32>
          %mul3A_170 = arith.muli %get3A_155, %mul3A_169 : vector<16xi32>
          %add3A_171 = arith.constant 1 : i32
          %add3A_172 = vector.broadcast %add3A_171 : i32 to vector<16xi32>
          %add3A_173 = arith.addi %mul3A_170, %add3A_172 : vector<16xi32>
          %gather3A_174 = tpu.vector_load_idx %arg16[%add3A_173] : memref<50000xf32, #tpu.memory_space<vmem>>[vector<16xi32>], vector<16xf32>,
          %broadcast_in_dim3A_175 = arith.constant 1 : i32
          %broadcast_in_dim3A_176 = vector.broadcast %broadcast_in_dim3A_175 : i32 to vector<16xi32>
          tpu.vector_store_idx %arg17[%add3A_159, %broadcast_in_dim3A_176], %gather3A_174 : memref<80x16xf32, #tpu.memory_space<vmem>>[vector<16xi32>, vector<16xi32>], vector<16xf32>,
          %mul3A_177 = arith.constant 5 : i32
          %mul3A_178 = vector.broadcast %mul3A_177 : i32 to vector<16xi32>
          %mul3A_179 = arith.muli %get3A_155, %mul3A_178 : vector<16xi32>
          %add3A_180 = arith.constant 2 : i32
          %add3A_181 = vector.broadcast %add3A_180 : i32 to vector<16xi32>
          %add3A_182 = arith.addi %mul3A_179, %add3A_181 : vector<16xi32>
          %gather3A_183 = tpu.vector_load_idx %arg16[%add3A_182] : memref<50000xf32, #tpu.memory_space<vmem>>[vector<16xi32>], vector<16xf32>,
          %broadcast_in_dim3A_184 = arith.constant 2 : i32
          %broadcast_in_dim3A_185 = vector.broadcast %broadcast_in_dim3A_184 : i32 to vector<16xi32>
          tpu.vector_store_idx %arg17[%add3A_159, %broadcast_in_dim3A_185], %gather3A_183 : memref<80x16xf32, #tpu.memory_space<vmem>>[vector<16xi32>, vector<16xi32>], vector<16xf32>,
          %mul3A_186 = arith.constant 5 : i32
          %mul3A_187 = vector.broadcast %mul3A_186 : i32 to vector<16xi32>
          %mul3A_188 = arith.muli %get3A_155, %mul3A_187 : vector<16xi32>
          %add3A_189 = arith.constant 3 : i32
          %add3A_190 = vector.broadcast %add3A_189 : i32 to vector<16xi32>
          %add3A_191 = arith.addi %mul3A_188, %add3A_190 : vector<16xi32>
          %gather3A_192 = tpu.vector_load_idx %arg16[%add3A_191] : memref<50000xf32, #tpu.memory_space<vmem>>[vector<16xi32>], vector<16xf32>,
          %broadcast_in_dim3A_193 = arith.constant 3 : i32
          %broadcast_in_dim3A_194 = vector.broadcast %broadcast_in_dim3A_193 : i32 to vector<16xi32>
          tpu.vector_store_idx %arg17[%add3A_159, %broadcast_in_dim3A_194], %gather3A_192 : memref<80x16xf32, #tpu.memory_space<vmem>>[vector<16xi32>, vector<16xi32>], vector<16xf32>,
          %mul3A_195 = arith.constant 5 : i32
          %mul3A_196 = vector.broadcast %mul3A_195 : i32 to vector<16xi32>
          %mul3A_197 = arith.muli %get3A_155, %mul3A_196 : vector<16xi32>
          %add3A_198 = arith.constant 4 : i32
          %add3A_199 = vector.broadcast %add3A_198 : i32 to vector<16xi32>
          %add3A_200 = arith.addi %mul3A_197, %add3A_199 : vector<16xi32>
          %gather3A_201 = tpu.vector_load_idx %arg16[%add3A_200] : memref<50000xf32, #tpu.memory_space<vmem>>[vector<16xi32>], vector<16xf32>,
          %broadcast_in_dim3A_202 = arith.constant 4 : i32
          %broadcast_in_dim3A_203 = vector.broadcast %broadcast_in_dim3A_202 : i32 to vector<16xi32>
          tpu.vector_store_idx %arg17[%add3A_159, %broadcast_in_dim3A_203], %gather3A_201 : memref<80x16xf32, #tpu.memory_space<vmem>>[vector<16xi32>, vector<16xi32>], vector<16xf32>,
          %mul3A_204 = arith.constant 16 : i32
          %mul3A_205 = arith.muli %scan3A_151, %mul3A_204 : i32
          %get3A_206 = arith.index_cast %mul3A_205 : i32 to index
          %get3A_207 = tpu.vector_load %arg13[%get3A_206] {strides = array<i32>} : memref<80xf32, #tpu.memory_space<vmem>>, vector<16xf32>,
          tpu.vector_store_idx %arg14[%add3A_159, %broadcast_in_dim3A_3], %get3A_207 : memref<80x16xf32, #tpu.memory_space<vmem>>[vector<16xi32>, vector<16xi32>], vector<16xf32>,
        }
        %scan3A_136 = arith.constant 5 : i32
        %add3A_137 = arith.constant 2 : i32
        %add3A_138 = arith.addi %mul3A_69, %add3A_137 : i32
        %dma_start3A_139 = arith.constant 0 : i32
        %dma_start3A_140 = tpu.memref_slice %arg12[%add3A_138, %dma_start3A_139] : memref<125x80xi32, #tpu.memory_space<vmem>> -> memref<1x80xi32, #tpu.memory_space<vmem>>
        %dma_start3A_141 = tpu.memref_squeeze %dma_start3A_140 : memref<1x80xi32, #tpu.memory_space<vmem>> -> memref<80xi32, #tpu.memory_space<vmem>>
        %dma_start3A_142 = arith.constant 0 : i32
        %dma_start3A_143 = arith.constant 0 : i32
        %dma_start3A_144 = tpu.memref_slice %arg21[%dma_start3A_142, %dma_start3A_143] : memref<10000x16xf32, #tpu.memory_space<vmem_shared>> -> memref<10000x16xf32, #tpu.memory_space<vmem_shared>>
        tpu.enqueue_indirect_dma source(%arg17 : memref<80x16xf32, #tpu.memory_space<vmem>>) target(%dma_start3A_144 : memref<10000x16xf32, #tpu.memory_space<vmem_shared>>) offsets(%dma_start3A_141 : memref<80xi32, #tpu.memory_space<vmem>>) semaphore(%arg23 : memref<!tpu.dma_semaphore, #tpu.memory_space<semaphore_mem>>) {add = true}
        %dma_start3A_145 = arith.constant 0 : i32
        %dma_start3A_146 = tpu.memref_slice %arg11[%add3A_138, %dma_start3A_145] : memref<125x80xi32, #tpu.memory_space<vmem>> -> memref<1x80xi32, #tpu.memory_space<vmem>>
        %dma_start3A_147 = tpu.memref_squeeze %dma_start3A_146 : memref<1x80xi32, #tpu.memory_space<vmem>> -> memref<80xi32, #tpu.memory_space<vmem>>
        %dma_start3A_148 = arith.constant 0 : i32
        %dma_start3A_149 = arith.constant 0 : i32
        %dma_start3A_150 = tpu.memref_slice %arg22[%dma_start3A_148, %dma_start3A_149] : memref<10000x16xf32, #tpu.memory_space<vmem_shared>> -> memref<10000x16xf32, #tpu.memory_space<vmem_shared>>
        tpu.enqueue_indirect_dma source(%arg14 : memref<80x16xf32, #tpu.memory_space<vmem>>) target(%dma_start3A_150 : memref<10000x16xf32, #tpu.memory_space<vmem_shared>>) offsets(%dma_start3A_147 : memref<80xi32, #tpu.memory_space<vmem>>) semaphore(%arg24 : memref<!tpu.dma_semaphore, #tpu.memory_space<semaphore_mem>>) {add = true}
      } else {
      }
      %add3A_113 = arith.constant 1 : i32
      %add3A_114 = arith.addi %mul3A_69, %add3A_113 : i32
      %dma_wait3A_115 = arith.constant 0 : i32
      %dma_wait3A_116 = tpu.memref_slice %arg12[%add3A_114, %dma_wait3A_115] : memref<125x80xi32, #tpu.memory_space<vmem>> -> memref<1x80xi32, #tpu.memory_space<vmem>>
      %dma_wait3A_117 = tpu.memref_squeeze %dma_wait3A_116 : memref<1x80xi32, #tpu.memory_space<vmem>> -> memref<80xi32, #tpu.memory_space<vmem>>
      %dma_wait3A_118 = arith.constant 0 : i32
      %dma_wait3A_119 = arith.constant 0 : i32
      %dma_wait3A_120 = tpu.memref_slice %arg21[%dma_wait3A_118, %dma_wait3A_119] : memref<10000x16xf32, #tpu.memory_space<vmem_shared>> -> memref<10000x16xf32, #tpu.memory_space<vmem_shared>>
      tpu.wait_indirect_dma semaphore(%arg25 : memref<!tpu.dma_semaphore, #tpu.memory_space<semaphore_mem>>) src(%arg18 : memref<80x16xf32, #tpu.memory_space<vmem>>) dst(%dma_wait3A_120 : memref<10000x16xf32, #tpu.memory_space<vmem_shared>>)
      %dma_wait3A_121 = arith.constant 0 : i32
      %dma_wait3A_122 = tpu.memref_slice %arg11[%add3A_114, %dma_wait3A_121] : memref<125x80xi32, #tpu.memory_space<vmem>> -> memref<1x80xi32, #tpu.memory_space<vmem>>
      %dma_wait3A_123 = tpu.memref_squeeze %dma_wait3A_122 : memref<1x80xi32, #tpu.memory_space<vmem>> -> memref<80xi32, #tpu.memory_space<vmem>>
      %dma_wait3A_124 = arith.constant 0 : i32
      %dma_wait3A_125 = arith.constant 0 : i32
      %dma_wait3A_126 = tpu.memref_slice %arg22[%dma_wait3A_124, %dma_wait3A_125] : memref<10000x16xf32, #tpu.memory_space<vmem_shared>> -> memref<10000x16xf32, #tpu.memory_space<vmem_shared>>
      tpu.wait_indirect_dma semaphore(%arg26 : memref<!tpu.dma_semaphore, #tpu.memory_space<semaphore_mem>>) src(%arg15 : memref<80x16xf32, #tpu.memory_space<vmem>>) dst(%dma_wait3A_126 : memref<10000x16xf32, #tpu.memory_space<vmem_shared>>)
    }
    %scan3A_27 = arith.constant 62 : i32
    "tpu.region"() ({
      %run_scoped3A = tpu.sem_alloc : memref<!tpu.dma_semaphore, #tpu.memory_space<semaphore_mem>>
      %dma_start3A_67 = arith.constant 9920 : i32
      %dma_start3A_68 = tpu.memref_slice %arg5[%add3A, %dma_start3A_67] : memref<32x10000xf32, #tpu.memory_space<hbm>> -> memref<1x80xf32, #tpu.memory_space<hbm>>
      %dma_start3A_69 = tpu.memref_squeeze %dma_start3A_68 : memref<1x80xf32, #tpu.memory_space<hbm>> -> memref<80xf32, #tpu.memory_space<hbm>>
      %dma_start3A_70 = arith.constant 9920 : i32
      %dma_start3A_71 = tpu.memref_slice %arg5[%add3A, %dma_start3A_70] : memref<32x10000xf32, #tpu.memory_space<hbm>> -> memref<1x80xf32, #tpu.memory_space<hbm>>
      %dma_start3A_72 = tpu.memref_squeeze %dma_start3A_71 : memref<1x80xf32, #tpu.memory_space<hbm>> -> memref<80xf32, #tpu.memory_space<hbm>>
      tpu.enqueue_dma source(%dma_start3A_72 : memref<80xf32, #tpu.memory_space<hbm>>) target(%arg13 : memref<80xf32, #tpu.memory_space<vmem>>) target_semaphore(%run_scoped3A : memref<!tpu.dma_semaphore, #tpu.memory_space<semaphore_mem>>)
      %dma_wait3A_73 = arith.constant 9920 : i32
      %dma_wait3A_74 = tpu.memref_slice %arg5[%add3A, %dma_wait3A_73] : memref<32x10000xf32, #tpu.memory_space<hbm>> -> memref<1x80xf32, #tpu.memory_space<hbm>>
      %dma_wait3A_75 = tpu.memref_squeeze %dma_wait3A_74 : memref<1x80xf32, #tpu.memory_space<hbm>> -> memref<80xf32, #tpu.memory_space<hbm>>
      %dma_wait3A_76 = arith.constant 9920 : i32
      %dma_wait3A_77 = tpu.memref_slice %arg5[%add3A, %dma_wait3A_76] : memref<32x10000xf32, #tpu.memory_space<hbm>> -> memref<1x80xf32, #tpu.memory_space<hbm>>
      %dma_wait3A_78 = tpu.memref_squeeze %dma_wait3A_77 : memref<1x80xf32, #tpu.memory_space<hbm>> -> memref<80xf32, #tpu.memory_space<hbm>>
      tpu.wait_dma2 semaphore(%run_scoped3A : memref<!tpu.dma_semaphore, #tpu.memory_space<semaphore_mem>>) src(%dma_wait3A_78 : memref<80xf32, #tpu.memory_space<hbm>>) dst(%arg13 : memref<80xf32, #tpu.memory_space<vmem>>)
      tpu.yield
    }) : () -> ()
    %scan3A_28 = arith.constant 0 : i32
    %scan3A_29 = arith.constant 0 : i32
    %scan3A_30 = arith.constant 5 : i32
    %scan3A_31 = arith.addi %scan3A_29, %scan3A_30 : i32
    %scan3A_32 = arith.constant 1 : i32
    scf.for %scan3A_67 = %scan3A_29 to %scan3A_31 step %scan3A_32  : i32 {
      %mul3A_68 = arith.constant 16 : i32
      %mul3A_69 = arith.muli %scan3A_67, %mul3A_68 : i32
      %get3A = arith.constant 124 : i32
      %get3A_70 = arith.index_cast %get3A : i32 to index
      %get3A_71 = arith.index_cast %mul3A_69 : i32 to index
      %get3A_72 = tpu.vector_load %arg11[%get3A_70, %get3A_71] {strides = array<i32>} : memref<125x80xi32, #tpu.memory_space<vmem>>, vector<16xi32>,
      %mul3A_73 = arith.constant 16 : i32
      %mul3A_74 = arith.muli %scan3A_67, %mul3A_73 : i32
      %add3A_75 = vector.broadcast %mul3A_74 : i32 to vector<16xi32>
      %add3A_76 = arith.addi %add3A_75, %iota3A : vector<16xi32>
      %mul3A_77 = arith.constant 5 : i32
      %mul3A_78 = vector.broadcast %mul3A_77 : i32 to vector<16xi32>
      %mul3A_79 = arith.muli %get3A_72, %mul3A_78 : vector<16xi32>
      %add3A_80 = arith.constant 0 : i32
      %add3A_81 = vector.broadcast %add3A_80 : i32 to vector<16xi32>
      %add3A_82 = arith.addi %mul3A_79, %add3A_81 : vector<16xi32>
      %gather3A = tpu.vector_load_idx %arg16[%add3A_82] : memref<50000xf32, #tpu.memory_space<vmem>>[vector<16xi32>], vector<16xf32>,
      %broadcast_in_dim3A_83 = arith.constant 0 : i32
      %broadcast_in_dim3A_84 = vector.broadcast %broadcast_in_dim3A_83 : i32 to vector<16xi32>
      tpu.vector_store_idx %arg17[%add3A_76, %broadcast_in_dim3A_84], %gather3A : memref<80x16xf32, #tpu.memory_space<vmem>>[vector<16xi32>, vector<16xi32>], vector<16xf32>,
      %mul3A_85 = arith.constant 5 : i32
      %mul3A_86 = vector.broadcast %mul3A_85 : i32 to vector<16xi32>
      %mul3A_87 = arith.muli %get3A_72, %mul3A_86 : vector<16xi32>
      %add3A_88 = arith.constant 1 : i32
      %add3A_89 = vector.broadcast %add3A_88 : i32 to vector<16xi32>
      %add3A_90 = arith.addi %mul3A_87, %add3A_89 : vector<16xi32>
      %gather3A_91 = tpu.vector_load_idx %arg16[%add3A_90] : memref<50000xf32, #tpu.memory_space<vmem>>[vector<16xi32>], vector<16xf32>,
      %broadcast_in_dim3A_92 = arith.constant 1 : i32
      %broadcast_in_dim3A_93 = vector.broadcast %broadcast_in_dim3A_92 : i32 to vector<16xi32>
      tpu.vector_store_idx %arg17[%add3A_76, %broadcast_in_dim3A_93], %gather3A_91 : memref<80x16xf32, #tpu.memory_space<vmem>>[vector<16xi32>, vector<16xi32>], vector<16xf32>,
      %mul3A_94 = arith.constant 5 : i32
      %mul3A_95 = vector.broadcast %mul3A_94 : i32 to vector<16xi32>
      %mul3A_96 = arith.muli %get3A_72, %mul3A_95 : vector<16xi32>
      %add3A_97 = arith.constant 2 : i32
      %add3A_98 = vector.broadcast %add3A_97 : i32 to vector<16xi32>
      %add3A_99 = arith.addi %mul3A_96, %add3A_98 : vector<16xi32>
      %gather3A_100 = tpu.vector_load_idx %arg16[%add3A_99] : memref<50000xf32, #tpu.memory_space<vmem>>[vector<16xi32>], vector<16xf32>,
      %broadcast_in_dim3A_101 = arith.constant 2 : i32
      %broadcast_in_dim3A_102 = vector.broadcast %broadcast_in_dim3A_101 : i32 to vector<16xi32>
      tpu.vector_store_idx %arg17[%add3A_76, %broadcast_in_dim3A_102], %gather3A_100 : memref<80x16xf32, #tpu.memory_space<vmem>>[vector<16xi32>, vector<16xi32>], vector<16xf32>,
      %mul3A_103 = arith.constant 5 : i32
      %mul3A_104 = vector.broadcast %mul3A_103 : i32 to vector<16xi32>
      %mul3A_105 = arith.muli %get3A_72, %mul3A_104 : vector<16xi32>
      %add3A_106 = arith.constant 3 : i32
      %add3A_107 = vector.broadcast %add3A_106 : i32 to vector<16xi32>
      %add3A_108 = arith.addi %mul3A_105, %add3A_107 : vector<16xi32>
      %gather3A_109 = tpu.vector_load_idx %arg16[%add3A_108] : memref<50000xf32, #tpu.memory_space<vmem>>[vector<16xi32>], vector<16xf32>,
      %broadcast_in_dim3A_110 = arith.constant 3 : i32
      %broadcast_in_dim3A_111 = vector.broadcast %broadcast_in_dim3A_110 : i32 to vector<16xi32>
      tpu.vector_store_idx %arg17[%add3A_76, %broadcast_in_dim3A_111], %gather3A_109 : memref<80x16xf32, #tpu.memory_space<vmem>>[vector<16xi32>, vector<16xi32>], vector<16xf32>,
      %mul3A_112 = arith.constant 5 : i32
      %mul3A_113 = vector.broadcast %mul3A_112 : i32 to vector<16xi32>
      %mul3A_114 = arith.muli %get3A_72, %mul3A_113 : vector<16xi32>
      %add3A_115 = arith.constant 4 : i32
      %add3A_116 = vector.broadcast %add3A_115 : i32 to vector<16xi32>
      %add3A_117 = arith.addi %mul3A_114, %add3A_116 : vector<16xi32>
      %gather3A_118 = tpu.vector_load_idx %arg16[%add3A_117] : memref<50000xf32, #tpu.memory_space<vmem>>[vector<16xi32>], vector<16xf32>,
      %broadcast_in_dim3A_119 = arith.constant 4 : i32
      %broadcast_in_dim3A_120 = vector.broadcast %broadcast_in_dim3A_119 : i32 to vector<16xi32>
      tpu.vector_store_idx %arg17[%add3A_76, %broadcast_in_dim3A_120], %gather3A_118 : memref<80x16xf32, #tpu.memory_space<vmem>>[vector<16xi32>, vector<16xi32>], vector<16xf32>,
      %mul3A_121 = arith.constant 16 : i32
      %mul3A_122 = arith.muli %scan3A_67, %mul3A_121 : i32
      %get3A_123 = arith.index_cast %mul3A_122 : i32 to index
      %get3A_124 = tpu.vector_load %arg13[%get3A_123] {strides = array<i32>} : memref<80xf32, #tpu.memory_space<vmem>>, vector<16xf32>,
      tpu.vector_store_idx %arg14[%add3A_76, %broadcast_in_dim3A_3], %get3A_124 : memref<80x16xf32, #tpu.memory_space<vmem>>[vector<16xi32>, vector<16xi32>], vector<16xf32>,
    }
    %scan3A_33 = arith.constant 5 : i32
    %dma_start3A_34 = arith.constant 124 : i32
    %dma_start3A_35 = arith.constant 0 : i32
    %dma_start3A_36 = tpu.memref_slice %arg12[%dma_start3A_34, %dma_start3A_35] : memref<125x80xi32, #tpu.memory_space<vmem>> -> memref<1x80xi32, #tpu.memory_space<vmem>>
    %dma_start3A_37 = tpu.memref_squeeze %dma_start3A_36 : memref<1x80xi32, #tpu.memory_space<vmem>> -> memref<80xi32, #tpu.memory_space<vmem>>
    %dma_start3A_38 = arith.constant 0 : i32
    %dma_start3A_39 = arith.constant 0 : i32
    %dma_start3A_40 = tpu.memref_slice %arg21[%dma_start3A_38, %dma_start3A_39] : memref<10000x16xf32, #tpu.memory_space<vmem_shared>> -> memref<10000x16xf32, #tpu.memory_space<vmem_shared>>
    tpu.enqueue_indirect_dma source(%arg17 : memref<80x16xf32, #tpu.memory_space<vmem>>) target(%dma_start3A_40 : memref<10000x16xf32, #tpu.memory_space<vmem_shared>>) offsets(%dma_start3A_37 : memref<80xi32, #tpu.memory_space<vmem>>) semaphore(%arg23 : memref<!tpu.dma_semaphore, #tpu.memory_space<semaphore_mem>>) {add = true}
    %dma_start3A_41 = arith.constant 124 : i32
    %dma_start3A_42 = arith.constant 0 : i32
    %dma_start3A_43 = tpu.memref_slice %arg11[%dma_start3A_41, %dma_start3A_42] : memref<125x80xi32, #tpu.memory_space<vmem>> -> memref<1x80xi32, #tpu.memory_space<vmem>>
    %dma_start3A_44 = tpu.memref_squeeze %dma_start3A_43 : memref<1x80xi32, #tpu.memory_space<vmem>> -> memref<80xi32, #tpu.memory_space<vmem>>
    %dma_start3A_45 = arith.constant 0 : i32
    %dma_start3A_46 = arith.constant 0 : i32
    %dma_start3A_47 = tpu.memref_slice %arg22[%dma_start3A_45, %dma_start3A_46] : memref<10000x16xf32, #tpu.memory_space<vmem_shared>> -> memref<10000x16xf32, #tpu.memory_space<vmem_shared>>
    tpu.enqueue_indirect_dma source(%arg14 : memref<80x16xf32, #tpu.memory_space<vmem>>) target(%dma_start3A_47 : memref<10000x16xf32, #tpu.memory_space<vmem_shared>>) offsets(%dma_start3A_44 : memref<80xi32, #tpu.memory_space<vmem>>) semaphore(%arg24 : memref<!tpu.dma_semaphore, #tpu.memory_space<semaphore_mem>>) {add = true}
    %dma_wait3A = arith.constant 124 : i32
    %dma_wait3A_48 = arith.constant 0 : i32
    %dma_wait3A_49 = tpu.memref_slice %arg12[%dma_wait3A, %dma_wait3A_48] : memref<125x80xi32, #tpu.memory_space<vmem>> -> memref<1x80xi32, #tpu.memory_space<vmem>>
    %dma_wait3A_50 = tpu.memref_squeeze %dma_wait3A_49 : memref<1x80xi32, #tpu.memory_space<vmem>> -> memref<80xi32, #tpu.memory_space<vmem>>
    %dma_wait3A_51 = arith.constant 0 : i32
    %dma_wait3A_52 = arith.constant 0 : i32
    %dma_wait3A_53 = tpu.memref_slice %arg21[%dma_wait3A_51, %dma_wait3A_52] : memref<10000x16xf32, #tpu.memory_space<vmem_shared>> -> memref<10000x16xf32, #tpu.memory_space<vmem_shared>>
    tpu.wait_indirect_dma semaphore(%arg23 : memref<!tpu.dma_semaphore, #tpu.memory_space<semaphore_mem>>) src(%arg17 : memref<80x16xf32, #tpu.memory_space<vmem>>) dst(%dma_wait3A_53 : memref<10000x16xf32, #tpu.memory_space<vmem_shared>>)
    %dma_wait3A_54 = arith.constant 124 : i32
    %dma_wait3A_55 = arith.constant 0 : i32
    %dma_wait3A_56 = tpu.memref_slice %arg11[%dma_wait3A_54, %dma_wait3A_55] : memref<125x80xi32, #tpu.memory_space<vmem>> -> memref<1x80xi32, #tpu.memory_space<vmem>>
    %dma_wait3A_57 = tpu.memref_squeeze %dma_wait3A_56 : memref<1x80xi32, #tpu.memory_space<vmem>> -> memref<80xi32, #tpu.memory_space<vmem>>
    %dma_wait3A_58 = arith.constant 0 : i32
    %dma_wait3A_59 = arith.constant 0 : i32
    %dma_wait3A_60 = tpu.memref_slice %arg22[%dma_wait3A_58, %dma_wait3A_59] : memref<10000x16xf32, #tpu.memory_space<vmem_shared>> -> memref<10000x16xf32, #tpu.memory_space<vmem_shared>>
    tpu.wait_indirect_dma semaphore(%arg24 : memref<!tpu.dma_semaphore, #tpu.memory_space<semaphore_mem>>) src(%arg14 : memref<80x16xf32, #tpu.memory_space<vmem>>) dst(%dma_wait3A_60 : memref<10000x16xf32, #tpu.memory_space<vmem_shared>>)
    %barrier3A_61 = arith.constant 0 : index
    tpu.barrier barrier_id(%barrier3A_61)
    %lt3A_62 = arith.constant 10 : i32
    %lt3A_63 = arith.cmpi slt, %arg1, %lt3A_62 : i32
    %convert_element_type3A_64 = arith.extui %lt3A_63 : i1 to i32
    %cond3A_65 = arith.constant 0 : i32
    %cond3A_66 = arith.cmpi ne, %convert_element_type3A_64, %cond3A_65 : i32
    scf.if %cond3A_66 {
      %mul3A_67 = arith.constant 1000 : i32
      %mul3A_68 = arith.muli %arg1, %mul3A_67 : i32
      "tpu.region"() ({
        %run_scoped3A = tpu.sem_alloc : memref<!tpu.dma_semaphore, #tpu.memory_space<semaphore_mem>>
        %dma_start3A_69 = arith.constant 0 : i32
        %dma_start3A_70 = tpu.memref_slice %arg21[%mul3A_68, %dma_start3A_69] : memref<10000x16xf32, #tpu.memory_space<vmem_shared>> -> memref<1000x16xf32, #tpu.memory_space<vmem_shared>>
        %dma_start3A_71 = arith.constant 0 : i32
        %dma_start3A_72 = tpu.memref_slice %arg21[%mul3A_68, %dma_start3A_71] : memref<10000x16xf32, #tpu.memory_space<vmem_shared>> -> memref<1000x16xf32, #tpu.memory_space<vmem_shared>>
        tpu.enqueue_dma source(%dma_start3A_72 : memref<1000x16xf32, #tpu.memory_space<vmem_shared>>) target(%arg19 : memref<1000x16xf32, #tpu.memory_space<vmem>>) target_semaphore(%run_scoped3A : memref<!tpu.dma_semaphore, #tpu.memory_space<semaphore_mem>>)
        %dma_wait3A_73 = arith.constant 0 : i32
        %dma_wait3A_74 = tpu.memref_slice %arg21[%mul3A_68, %dma_wait3A_73] : memref<10000x16xf32, #tpu.memory_space<vmem_shared>> -> memref<1000x16xf32, #tpu.memory_space<vmem_shared>>
        %dma_wait3A_75 = arith.constant 0 : i32
        %dma_wait3A_76 = tpu.memref_slice %arg21[%mul3A_68, %dma_wait3A_75] : memref<10000x16xf32, #tpu.memory_space<vmem_shared>> -> memref<1000x16xf32, #tpu.memory_space<vmem_shared>>
        tpu.wait_dma2 semaphore(%run_scoped3A : memref<!tpu.dma_semaphore, #tpu.memory_space<semaphore_mem>>) src(%dma_wait3A_76 : memref<1000x16xf32, #tpu.memory_space<vmem_shared>>) dst(%arg19 : memref<1000x16xf32, #tpu.memory_space<vmem>>)
        tpu.yield
      }) : () -> ()
      "tpu.region"() ({
        %run_scoped3A = tpu.sem_alloc : memref<!tpu.dma_semaphore, #tpu.memory_space<semaphore_mem>>
        %dma_start3A_69 = arith.constant 0 : i32
        %dma_start3A_70 = tpu.memref_slice %arg9[%arg0, %mul3A_68, %dma_start3A_69] : memref<2x10000x16xf32, #tpu.memory_space<hbm>> -> memref<1x1000x16xf32, #tpu.memory_space<hbm>>
        %dma_start3A_71 = tpu.memref_squeeze %dma_start3A_70 : memref<1x1000x16xf32, #tpu.memory_space<hbm>> -> memref<1000x16xf32, #tpu.memory_space<hbm>>
        %dma_start3A_72 = arith.constant 0 : i32
        %dma_start3A_73 = tpu.memref_slice %arg9[%arg0, %mul3A_68, %dma_start3A_72] : memref<2x10000x16xf32, #tpu.memory_space<hbm>> -> memref<1x1000x16xf32, #tpu.memory_space<hbm>>
        %dma_start3A_74 = tpu.memref_squeeze %dma_start3A_73 : memref<1x1000x16xf32, #tpu.memory_space<hbm>> -> memref<1000x16xf32, #tpu.memory_space<hbm>>
        tpu.enqueue_dma source(%arg19 : memref<1000x16xf32, #tpu.memory_space<vmem>>) target(%dma_start3A_74 : memref<1000x16xf32, #tpu.memory_space<hbm>>) target_semaphore(%run_scoped3A : memref<!tpu.dma_semaphore, #tpu.memory_space<semaphore_mem>>)
        %dma_wait3A_75 = arith.constant 0 : i32
        %dma_wait3A_76 = tpu.memref_slice %arg9[%arg0, %mul3A_68, %dma_wait3A_75] : memref<2x10000x16xf32, #tpu.memory_space<hbm>> -> memref<1x1000x16xf32, #tpu.memory_space<hbm>>
        %dma_wait3A_77 = tpu.memref_squeeze %dma_wait3A_76 : memref<1x1000x16xf32, #tpu.memory_space<hbm>> -> memref<1000x16xf32, #tpu.memory_space<hbm>>
        %dma_wait3A_78 = arith.constant 0 : i32
        %dma_wait3A_79 = tpu.memref_slice %arg9[%arg0, %mul3A_68, %dma_wait3A_78] : memref<2x10000x16xf32, #tpu.memory_space<hbm>> -> memref<1x1000x16xf32, #tpu.memory_space<hbm>>
        %dma_wait3A_80 = tpu.memref_squeeze %dma_wait3A_79 : memref<1x1000x16xf32, #tpu.memory_space<hbm>> -> memref<1000x16xf32, #tpu.memory_space<hbm>>
        tpu.wait_dma2 semaphore(%run_scoped3A : memref<!tpu.dma_semaphore, #tpu.memory_space<semaphore_mem>>) src(%arg19 : memref<1000x16xf32, #tpu.memory_space<vmem>>) dst(%dma_wait3A_80 : memref<1000x16xf32, #tpu.memory_space<hbm>>)
        tpu.yield
      }) : () -> ()
      "tpu.region"() ({
        %run_scoped3A = tpu.sem_alloc : memref<!tpu.dma_semaphore, #tpu.memory_space<semaphore_mem>>
        %dma_start3A_69 = arith.constant 0 : i32
        %dma_start3A_70 = tpu.memref_slice %arg22[%mul3A_68, %dma_start3A_69] : memref<10000x16xf32, #tpu.memory_space<vmem_shared>> -> memref<1000x16xf32, #tpu.memory_space<vmem_shared>>
        %dma_start3A_71 = arith.constant 0 : i32
        %dma_start3A_72 = tpu.memref_slice %arg22[%mul3A_68, %dma_start3A_71] : memref<10000x16xf32, #tpu.memory_space<vmem_shared>> -> memref<1000x16xf32, #tpu.memory_space<vmem_shared>>
        tpu.enqueue_dma source(%dma_start3A_72 : memref<1000x16xf32, #tpu.memory_space<vmem_shared>>) target(%arg20 : memref<1000x16xf32, #tpu.memory_space<vmem>>) target_semaphore(%run_scoped3A : memref<!tpu.dma_semaphore, #tpu.memory_space<semaphore_mem>>)
        %dma_wait3A_73 = arith.constant 0 : i32
        %dma_wait3A_74 = tpu.memref_slice %arg22[%mul3A_68, %dma_wait3A_73] : memref<10000x16xf32, #tpu.memory_space<vmem_shared>> -> memref<1000x16xf32, #tpu.memory_space<vmem_shared>>
        %dma_wait3A_75 = arith.constant 0 : i32
        %dma_wait3A_76 = tpu.memref_slice %arg22[%mul3A_68, %dma_wait3A_75] : memref<10000x16xf32, #tpu.memory_space<vmem_shared>> -> memref<1000x16xf32, #tpu.memory_space<vmem_shared>>
        tpu.wait_dma2 semaphore(%run_scoped3A : memref<!tpu.dma_semaphore, #tpu.memory_space<semaphore_mem>>) src(%dma_wait3A_76 : memref<1000x16xf32, #tpu.memory_space<vmem_shared>>) dst(%arg20 : memref<1000x16xf32, #tpu.memory_space<vmem>>)
        tpu.yield
      }) : () -> ()
      "tpu.region"() ({
        %run_scoped3A = tpu.sem_alloc : memref<!tpu.dma_semaphore, #tpu.memory_space<semaphore_mem>>
        %dma_start3A_69 = arith.constant 0 : i32
        %dma_start3A_70 = tpu.memref_slice %arg10[%arg0, %mul3A_68, %dma_start3A_69] : memref<2x10000x16xf32, #tpu.memory_space<hbm>> -> memref<1x1000x16xf32, #tpu.memory_space<hbm>>
        %dma_start3A_71 = tpu.memref_squeeze %dma_start3A_70 : memref<1x1000x16xf32, #tpu.memory_space<hbm>> -> memref<1000x16xf32, #tpu.memory_space<hbm>>
        %dma_start3A_72 = arith.constant 0 : i32
        %dma_start3A_73 = tpu.memref_slice %arg10[%arg0, %mul3A_68, %dma_start3A_72] : memref<2x10000x16xf32, #tpu.memory_space<hbm>> -> memref<1x1000x16xf32, #tpu.memory_space<hbm>>
        %dma_start3A_74 = tpu.memref_squeeze %dma_start3A_73 : memref<1x1000x16xf32, #tpu.memory_space<hbm>> -> memref<1000x16xf32, #tpu.memory_space<hbm>>
        tpu.enqueue_dma source(%arg20 : memref<1000x16xf32, #tpu.memory_space<vmem>>) target(%dma_start3A_74 : memref<1000x16xf32, #tpu.memory_space<hbm>>) target_semaphore(%run_scoped3A : memref<!tpu.dma_semaphore, #tpu.memory_space<semaphore_mem>>)
        %dma_wait3A_75 = arith.constant 0 : i32
        %dma_wait3A_76 = tpu.memref_slice %arg10[%arg0, %mul3A_68, %dma_wait3A_75] : memref<2x10000x16xf32, #tpu.memory_space<hbm>> -> memref<1x1000x16xf32, #tpu.memory_space<hbm>>
        %dma_wait3A_77 = tpu.memref_squeeze %dma_wait3A_76 : memref<1x1000x16xf32, #tpu.memory_space<hbm>> -> memref<1000x16xf32, #tpu.memory_space<hbm>>
        %dma_wait3A_78 = arith.constant 0 : i32
        %dma_wait3A_79 = tpu.memref_slice %arg10[%arg0, %mul3A_68, %dma_wait3A_78] : memref<2x10000x16xf32, #tpu.memory_space<hbm>> -> memref<1x1000x16xf32, #tpu.memory_space<hbm>>
        %dma_wait3A_80 = tpu.memref_squeeze %dma_wait3A_79 : memref<1x1000x16xf32, #tpu.memory_space<hbm>> -> memref<1000x16xf32, #tpu.memory_space<hbm>>
        tpu.wait_dma2 semaphore(%run_scoped3A : memref<!tpu.dma_semaphore, #tpu.memory_space<semaphore_mem>>) src(%arg20 : memref<1000x16xf32, #tpu.memory_space<vmem>>) dst(%dma_wait3A_80 : memref<1000x16xf32, #tpu.memory_space<hbm>>)
        tpu.yield
      }) : () -> ()
    } else {
    }
    return
  }
}

module attributes {stable_mosaic.version = 14 : i64} {
  func.func @_tc_body(%arg0: i32, %arg1: memref<2x2000x16xf32, #tpu.memory_space<vmem>>, %arg2: memref<2x2000x16xf32, #tpu.memory_space<vmem>>, %arg3: memref<2000x5xf32, #tpu.memory_space<vmem>>, %arg4: memref<8x192xf32, #tpu.memory_space<vmem>>, %arg5: memref<5x192xf32, #tpu.memory_space<vmem>>, %arg6: memref<1x192xf32, #tpu.memory_space<vmem>>, %arg7: memref<64x64xf32, #tpu.memory_space<vmem>>, %arg8: memref<64x64xf32, #tpu.memory_space<vmem>>, %arg9: memref<1x64xf32, #tpu.memory_space<vmem>>, %arg10: memref<64x256xf32, #tpu.memory_space<vmem>>, %arg11: memref<1x256xf32, #tpu.memory_space<vmem>>, %arg12: memref<256x8xf32, #tpu.memory_space<vmem>>, %arg13: memref<1x8xf32, #tpu.memory_space<vmem>>, %arg14: memref<2000x128xf32, #tpu.memory_space<vmem>>, %arg15: memref<1x1xf32, #tpu.memory_space<smem>>, %arg16: memref<1x8xf32, #tpu.memory_space<vmem>>, %arg17: memref<128x64xf32, #tpu.memory_space<vmem>>, %arg18: memref<1xf32, #tpu.memory_space<smem>>) attributes {dimension_semantics = [#tpu.dimension_semantics<arbitrary>], iteration_bounds = array<i64: 5>, scalar_prefetch = 0 : i64, scratch_operands = 2 : i64, tpu.core_type = #tpu.core_type<tc>, window_params = [{transform_indices = @transform_0, window_bounds = array<i64: 2, 2000, 16>}, {transform_indices = @transform_1, window_bounds = array<i64: 2, 2000, 16>}, {transform_indices = @transform_2, window_bounds = array<i64: 2000, 5>}, {pipeline_mode = #tpu.pipeline_mode<synchronous>, transform_indices = @transform_3, window_bounds = array<i64: 8, 192>}, {pipeline_mode = #tpu.pipeline_mode<synchronous>, transform_indices = @transform_4, window_bounds = array<i64: 5, 192>}, {pipeline_mode = #tpu.pipeline_mode<synchronous>, transform_indices = @transform_5, window_bounds = array<i64: 1, 192>}, {pipeline_mode = #tpu.pipeline_mode<synchronous>, transform_indices = @transform_6, window_bounds = array<i64: 64, 64>}, {pipeline_mode = #tpu.pipeline_mode<synchronous>, transform_indices = @transform_7, window_bounds = array<i64: 64, 64>}, {pipeline_mode = #tpu.pipeline_mode<synchronous>, transform_indices = @transform_8, window_bounds = array<i64: 1, 64>}, {pipeline_mode = #tpu.pipeline_mode<synchronous>, transform_indices = @transform_9, window_bounds = array<i64: 64, 256>}, {pipeline_mode = #tpu.pipeline_mode<synchronous>, transform_indices = @transform_10, window_bounds = array<i64: 1, 256>}, {pipeline_mode = #tpu.pipeline_mode<synchronous>, transform_indices = @transform_11, window_bounds = array<i64: 256, 8>}, {pipeline_mode = #tpu.pipeline_mode<synchronous>, transform_indices = @transform_12, window_bounds = array<i64: 1, 8>}, {transform_indices = @transform_13, window_bounds = array<i64: 2000, 128>}, {transform_indices = @transform_14, window_bounds = array<i64: 1, 1>}, {pipeline_mode = #tpu.pipeline_mode<synchronous>, transform_indices = @transform_15, window_bounds = array<i64: 1, 8>}]} {
    %eq3A = arith.constant 0 : i32
    %eq3A_0 = arith.cmpi eq, %arg0, %eq3A : i32
    %convert_element_type3A = arith.extui %eq3A_0 : i1 to i32
    %cond3A = arith.constant 0 : i32
    %cond3A_1 = arith.cmpi ne, %convert_element_type3A, %cond3A : i32
    scf.if %cond3A_1 {
      %broadcast_in_dim3A_91 = arith.constant 0.000000e+00 : f32
      %broadcast_in_dim3A_92 = vector.broadcast %broadcast_in_dim3A_91 : f32 to vector<128x64xf32>
      %swap3A_93 = arith.constant 0 : index
      %swap3A_94 = arith.constant 0 : index
      %swap3A_95 = vector.load %arg17[%swap3A_93, %swap3A_94] : memref<128x64xf32, #tpu.memory_space<vmem>>, vector<128x64xf32>
      tpu.vector_store %arg17[%swap3A_93, %swap3A_94], %broadcast_in_dim3A_92 {strides = array<i32>} : memref<128x64xf32, #tpu.memory_space<vmem>>, vector<128x64xf32>,
      %swap3A_96 = arith.constant 0.000000e+00 : f32
      %swap3A_97 = arith.constant 0 : index
      %swap3A_98 = memref.load %arg18[%swap3A_97] : memref<1xf32, #tpu.memory_space<smem>>
      memref.store %swap3A_96, %arg18[%swap3A_97] : memref<1xf32, #tpu.memory_space<smem>>
    } else {
    }
    %get3A = arith.constant 0 : index
    %get3A_2 = arith.constant 0 : index
    %get3A_3 = arith.constant 0 : index
    %get3A_4 = vector.load %arg1[%get3A, %get3A_2, %get3A_3] : memref<2x2000x16xf32, #tpu.memory_space<vmem>>, vector<1x2000x16xf32>
    %get3A_5 = vector.shape_cast %get3A_4 : vector<1x2000x16xf32> to vector<2000x16xf32>
    %get3A_6 = arith.constant 1 : index
    %get3A_7 = arith.constant 0 : index
    %get3A_8 = arith.constant 0 : index
    %get3A_9 = vector.load %arg1[%get3A_6, %get3A_7, %get3A_8] : memref<2x2000x16xf32, #tpu.memory_space<vmem>>, vector<1x2000x16xf32>
    %get3A_10 = vector.shape_cast %get3A_9 : vector<1x2000x16xf32> to vector<2000x16xf32>
    %add3A = arith.addf %get3A_5, %get3A_10 : vector<2000x16xf32>
    %slice3A = vector.extract_strided_slice %add3A {offsets = [0, 5], sizes = [2000, 1], strides = [1, 1]} : vector<2000x16xf32> to vector<2000x1xf32>
    %max3A = arith.constant 1.000000e+00 : f32
    %max3A_11 = vector.broadcast %max3A : f32 to vector<2000x1xf32>
    %max3A_12 = arith.maximumf %slice3A, %max3A_11 : vector<2000x1xf32>
    %slice3A_13 = vector.extract_strided_slice %add3A {offsets = [0, 0], sizes = [2000, 8], strides = [1, 1]} : vector<2000x16xf32> to vector<2000x8xf32>
    %div3A = vector.broadcast %max3A_12 : vector<2000x1xf32> to vector<2000x8xf32>
    %div3A_14 = arith.divf %slice3A_13, %div3A : vector<2000x8xf32>
    %get3A_15 = arith.constant 0 : index
    %get3A_16 = arith.constant 0 : index
    %get3A_17 = vector.load %arg3[%get3A_15, %get3A_16] : memref<2000x5xf32, #tpu.memory_space<vmem>>, vector<2000x5xf32>
    %get3A_18 = arith.constant 0 : index
    %get3A_19 = arith.constant 0 : index
    %get3A_20 = vector.load %arg4[%get3A_18, %get3A_19] : memref<8x192xf32, #tpu.memory_space<vmem>>, vector<8x192xf32>
    %dot_general3A = arith.constant dense<0.000000e+00> : vector<2000x192xf32>
    %dot_general3A_21 = tpu.matmul %div3A_14, %get3A_20, %dot_general3A {dimension_numbers = #tpu.dot_dimension_numbers<[1], [0], [0], [1], [0, 0, 1, 1], [], []>, transpose_lhs_hint = false} : vector<2000x8xf32>, vector<8x192xf32>, vector<2000x192xf32> -> vector<2000x192xf32>
    %get3A_22 = arith.constant 0 : index
    %get3A_23 = arith.constant 0 : index
    %get3A_24 = vector.load %arg5[%get3A_22, %get3A_23] : memref<5x192xf32, #tpu.memory_space<vmem>>, vector<5x192xf32>
    %dot_general3A_25 = arith.constant dense<0.000000e+00> : vector<2000x192xf32>
    %dot_general3A_26 = tpu.matmul %get3A_17, %get3A_24, %dot_general3A_25 {dimension_numbers = #tpu.dot_dimension_numbers<[1], [0], [0], [1], [0, 0, 1, 1], [], []>, transpose_lhs_hint = false} : vector<2000x5xf32>, vector<5x192xf32>, vector<2000x192xf32> -> vector<2000x192xf32>
    %add3A_27 = arith.addf %dot_general3A_21, %dot_general3A_26 : vector<2000x192xf32>
    %get3A_28 = arith.constant 0 : index
    %get3A_29 = arith.constant 0 : index
    %get3A_30 = vector.load %arg6[%get3A_28, %get3A_29] : memref<1x192xf32, #tpu.memory_space<vmem>>, vector<1x192xf32>
    %add3A_31 = vector.broadcast %get3A_30 : vector<1x192xf32> to vector<2000x192xf32>
    %add3A_32 = arith.addf %add3A_27, %add3A_31 : vector<2000x192xf32>
    %slice3A_33 = vector.extract_strided_slice %add3A_32 {offsets = [0, 0], sizes = [2000, 128], strides = [1, 1]} : vector<2000x192xf32> to vector<2000x128xf32>
    %slice3A_34 = vector.extract_strided_slice %add3A_32 {offsets = [0, 128], sizes = [2000, 64], strides = [1, 1]} : vector<2000x192xf32> to vector<2000x64xf32>
    %max3A_35 = arith.constant 0.000000e+00 : f32
    %max3A_36 = vector.broadcast %max3A_35 : f32 to vector<2000x64xf32>
    %max3A_37 = arith.maximumf %slice3A_34, %max3A_36 : vector<2000x64xf32>
    %reduce_max3A = arith.constant dense<0xFF800000> : vector<2000xf32>
    %reduce_max3A_38 = vector.multi_reduction <maximumf>, %slice3A_33, %reduce_max3A [1] : vector<2000x128xf32> to vector<2000xf32>
    %broadcast_in_dim3A = vector.shape_cast %reduce_max3A_38 : vector<2000xf32> to vector<2000x1xf32>
    %sub3A = vector.broadcast %broadcast_in_dim3A : vector<2000x1xf32> to vector<2000x128xf32>
    %sub3A_39 = arith.subf %slice3A_33, %sub3A : vector<2000x128xf32>
    %exp3A = math.exp %sub3A_39 : vector<2000x128xf32>
    %reduce_sum3A = arith.constant dense<0.000000e+00> : vector<2000xf32>
    %reduce_sum3A_40 = vector.multi_reduction <add>, %exp3A, %reduce_sum3A [1] : vector<2000x128xf32> to vector<2000xf32>
    %broadcast_in_dim3A_41 = vector.shape_cast %reduce_sum3A_40 : vector<2000xf32> to vector<2000x1xf32>
    %div3A_42 = vector.broadcast %broadcast_in_dim3A_41 : vector<2000x1xf32> to vector<2000x128xf32>
    %div3A_43 = arith.divf %exp3A, %div3A_42 : vector<2000x128xf32>
    %get3A_44 = arith.constant 0 : index
    %get3A_45 = arith.constant 0 : index
    %get3A_46 = arith.constant 0 : index
    %get3A_47 = vector.load %arg2[%get3A_44, %get3A_45, %get3A_46] : memref<2x2000x16xf32, #tpu.memory_space<vmem>>, vector<1x2000x16xf32>
    %get3A_48 = vector.shape_cast %get3A_47 : vector<1x2000x16xf32> to vector<2000x16xf32>
    %slice3A_49 = vector.extract_strided_slice %get3A_48 {offsets = [0, 0], sizes = [2000, 1], strides = [1, 1]} : vector<2000x16xf32> to vector<2000x1xf32>
    %get3A_50 = arith.constant 1 : index
    %get3A_51 = arith.constant 0 : index
    %get3A_52 = arith.constant 0 : index
    %get3A_53 = vector.load %arg2[%get3A_50, %get3A_51, %get3A_52] : memref<2x2000x16xf32, #tpu.memory_space<vmem>>, vector<1x2000x16xf32>
    %get3A_54 = vector.shape_cast %get3A_53 : vector<1x2000x16xf32> to vector<2000x16xf32>
    %slice3A_55 = vector.extract_strided_slice %get3A_54 {offsets = [0, 0], sizes = [2000, 1], strides = [1, 1]} : vector<2000x16xf32> to vector<2000x1xf32>
    %add3A_56 = arith.addf %slice3A_49, %slice3A_55 : vector<2000x1xf32>
    %gt3A = arith.constant 0.000000e+00 : f32
    %gt3A_57 = vector.broadcast %gt3A : f32 to vector<2000x1xf32>
    %gt3A_58 = arith.cmpf ogt, %add3A_56, %gt3A_57 : vector<2000x1xf32>
    %max3A_59 = arith.constant 9.99999996E-13 : f32
    %max3A_60 = vector.broadcast %max3A_59 : f32 to vector<2000x1xf32>
    %max3A_61 = arith.maximumf %add3A_56, %max3A_60 : vector<2000x1xf32>
    %rsqrt3A = math.rsqrt %max3A_61 : vector<2000x1xf32>
    %jit3A = arith.constant 0.000000e+00 : f32
    %broadcast_in_dim3A_62 = vector.broadcast %jit3A : f32 to vector<2000x1xf32>
    %select_n3A = arith.select %gt3A_58, %rsqrt3A, %broadcast_in_dim3A_62 : vector<2000x1xi1>, vector<2000x1xf32>
    %mul3A = vector.broadcast %select_n3A : vector<2000x1xf32> to vector<2000x128xf32>
    %mul3A_63 = arith.mulf %mul3A, %div3A_43 : vector<2000x128xf32>
    %swap3A = arith.constant 0 : index
    %swap3A_64 = arith.constant 0 : index
    %swap3A_65 = vector.load %arg14[%swap3A, %swap3A_64] : memref<2000x128xf32, #tpu.memory_space<vmem>>, vector<2000x128xf32>
    tpu.vector_store %arg14[%swap3A, %swap3A_64], %mul3A_63 {strides = array<i32>} : memref<2000x128xf32, #tpu.memory_space<vmem>>, vector<2000x128xf32>,
    %get3A_66 = arith.constant 0 : index
    %get3A_67 = memref.load %arg18[%get3A_66] : memref<1xf32, #tpu.memory_space<smem>>
    %mul3A_68 = arith.mulf %div3A_43, %div3A_43 : vector<2000x128xf32>
    %reduce_sum3A_69 = vector.shape_cast %mul3A_68 : vector<2000x128xf32> to vector<1x2000x128xf32>
    %reduce_sum3A_70 = arith.constant dense<0.000000e+00> : vector<1xf32>
    %reduce_sum3A_71 = vector.multi_reduction <add>, %reduce_sum3A_69, %reduce_sum3A_70 [1, 2] : vector<1x2000x128xf32> to vector<1xf32>
    %reduce_sum3A_72 = vector.shape_cast %reduce_sum3A_71 : vector<1xf32> to vector<1x1x1xf32>
    %reduce_sum3A_73 = vector.extract %reduce_sum3A_72[0, 0, 0] : f32 from vector<1x1x1xf32>
    %add3A_74 = arith.addf %get3A_67, %reduce_sum3A_73 : f32
    %swap3A_75 = arith.constant 0 : index
    %swap3A_76 = memref.load %arg18[%swap3A_75] : memref<1xf32, #tpu.memory_space<smem>>
    memref.store %add3A_74, %arg18[%swap3A_75] : memref<1xf32, #tpu.memory_space<smem>>
    %get3A_77 = arith.constant 0 : index
    %get3A_78 = arith.constant 0 : index
    %get3A_79 = vector.load %arg17[%get3A_77, %get3A_78] : memref<128x64xf32, #tpu.memory_space<vmem>>, vector<128x64xf32>
    %dot_general3A_80 = arith.constant dense<0.000000e+00> : vector<128x64xf32>
    %dot_general3A_81 = tpu.matmul %div3A_43, %max3A_37, %dot_general3A_80 {dimension_numbers = #tpu.dot_dimension_numbers<[0], [0], [1], [1], [0, 1, 1, 1], [], []>, transpose_lhs_hint = false} : vector<2000x128xf32>, vector<2000x64xf32>, vector<128x64xf32> -> vector<128x64xf32>
    %add3A_82 = arith.addf %get3A_79, %dot_general3A_81 : vector<128x64xf32>
    %swap3A_83 = arith.constant 0 : index
    %swap3A_84 = arith.constant 0 : index
    %swap3A_85 = vector.load %arg17[%swap3A_83, %swap3A_84] : memref<128x64xf32, #tpu.memory_space<vmem>>, vector<128x64xf32>
    tpu.vector_store %arg17[%swap3A_83, %swap3A_84], %add3A_82 {strides = array<i32>} : memref<128x64xf32, #tpu.memory_space<vmem>>, vector<128x64xf32>,
    %eq3A_86 = arith.constant 4 : i32
    %eq3A_87 = arith.cmpi eq, %arg0, %eq3A_86 : i32
    %convert_element_type3A_88 = arith.extui %eq3A_87 : i1 to i32
    %cond3A_89 = arith.constant 0 : i32
    %cond3A_90 = arith.cmpi ne, %convert_element_type3A_88, %cond3A_89 : i32
    scf.if %cond3A_90 {
      %get3A_91 = arith.constant 0 : index
      %get3A_92 = arith.constant 0 : index
      %get3A_93 = vector.load %arg17[%get3A_91, %get3A_92] : memref<128x64xf32, #tpu.memory_space<vmem>>, vector<128x64xf32>
      %reduce_sum3A_94 = arith.constant dense<0.000000e+00> : vector<64xf32>
      %reduce_sum3A_95 = vector.multi_reduction <add>, %get3A_93, %reduce_sum3A_94 [0] : vector<128x64xf32> to vector<64xf32>
      %broadcast_in_dim3A_96 = vector.shape_cast %reduce_sum3A_95 : vector<64xf32> to vector<1x64xf32>
      %div3A_97 = arith.constant 1.280000e+02 : f32
      %div3A_98 = vector.broadcast %div3A_97 : f32 to vector<1x64xf32>
      %div3A_99 = arith.divf %broadcast_in_dim3A_96, %div3A_98 : vector<1x64xf32>
      %get3A_100 = arith.constant 0 : index
      %get3A_101 = arith.constant 0 : index
      %get3A_102 = vector.load %arg7[%get3A_100, %get3A_101] : memref<64x64xf32, #tpu.memory_space<vmem>>, vector<64x64xf32>
      %dot_general3A_103 = arith.constant dense<0.000000e+00> : vector<1x64xf32>
      %dot_general3A_104 = tpu.matmul %div3A_99, %get3A_102, %dot_general3A_103 {dimension_numbers = #tpu.dot_dimension_numbers<[1], [0], [0], [1], [0, 0, 1, 1], [], []>, transpose_lhs_hint = false} : vector<1x64xf32>, vector<64x64xf32>, vector<1x64xf32> -> vector<1x64xf32>
      %get3A_105 = arith.constant 0 : index
      %get3A_106 = arith.constant 0 : index
      %get3A_107 = vector.load %arg8[%get3A_105, %get3A_106] : memref<64x64xf32, #tpu.memory_space<vmem>>, vector<64x64xf32>
      %dot_general3A_108 = arith.constant dense<0.000000e+00> : vector<128x64xf32>
      %dot_general3A_109 = tpu.matmul %get3A_93, %get3A_107, %dot_general3A_108 {dimension_numbers = #tpu.dot_dimension_numbers<[1], [0], [0], [1], [0, 0, 1, 1], [], []>, transpose_lhs_hint = false} : vector<128x64xf32>, vector<64x64xf32>, vector<128x64xf32> -> vector<128x64xf32>
      %add3A_110 = vector.broadcast %dot_general3A_104 : vector<1x64xf32> to vector<128x64xf32>
      %add3A_111 = arith.addf %add3A_110, %dot_general3A_109 : vector<128x64xf32>
      %get3A_112 = arith.constant 0 : index
      %get3A_113 = arith.constant 0 : index
      %get3A_114 = vector.load %arg9[%get3A_112, %get3A_113] : memref<1x64xf32, #tpu.memory_space<vmem>>, vector<1x64xf32>
      %add3A_115 = vector.broadcast %get3A_114 : vector<1x64xf32> to vector<128x64xf32>
      %add3A_116 = arith.addf %add3A_111, %add3A_115 : vector<128x64xf32>
      %max3A_117 = arith.constant 0.000000e+00 : f32
      %max3A_118 = vector.broadcast %max3A_117 : f32 to vector<128x64xf32>
      %max3A_119 = arith.maximumf %add3A_116, %max3A_118 : vector<128x64xf32>
      %reduce_sum3A_120 = arith.constant dense<0.000000e+00> : vector<64xf32>
      %reduce_sum3A_121 = vector.multi_reduction <add>, %max3A_119, %reduce_sum3A_120 [0] : vector<128x64xf32> to vector<64xf32>
      %broadcast_in_dim3A_122 = vector.shape_cast %reduce_sum3A_121 : vector<64xf32> to vector<1x64xf32>
      %get3A_123 = arith.constant 0 : index
      %get3A_124 = arith.constant 0 : index
      %get3A_125 = vector.load %arg10[%get3A_123, %get3A_124] : memref<64x256xf32, #tpu.memory_space<vmem>>, vector<64x256xf32>
      %dot_general3A_126 = arith.constant dense<0.000000e+00> : vector<1x256xf32>
      %dot_general3A_127 = tpu.matmul %broadcast_in_dim3A_122, %get3A_125, %dot_general3A_126 {dimension_numbers = #tpu.dot_dimension_numbers<[1], [0], [0], [1], [0, 0, 1, 1], [], []>, transpose_lhs_hint = false} : vector<1x64xf32>, vector<64x256xf32>, vector<1x256xf32> -> vector<1x256xf32>
      %get3A_128 = arith.constant 0 : index
      %get3A_129 = arith.constant 0 : index
      %get3A_130 = vector.load %arg11[%get3A_128, %get3A_129] : memref<1x256xf32, #tpu.memory_space<vmem>>, vector<1x256xf32>
      %add3A_131 = arith.addf %dot_general3A_127, %get3A_130 : vector<1x256xf32>
      %max3A_132 = arith.constant 0.000000e+00 : f32
      %max3A_133 = vector.broadcast %max3A_132 : f32 to vector<1x256xf32>
      %max3A_134 = arith.maximumf %add3A_131, %max3A_133 : vector<1x256xf32>
      %get3A_135 = arith.constant 0 : index
      %get3A_136 = arith.constant 0 : index
      %get3A_137 = vector.load %arg12[%get3A_135, %get3A_136] : memref<256x8xf32, #tpu.memory_space<vmem>>, vector<256x8xf32>
      %dot_general3A_138 = arith.constant dense<0.000000e+00> : vector<1x8xf32>
      %dot_general3A_139 = tpu.matmul %max3A_134, %get3A_137, %dot_general3A_138 {dimension_numbers = #tpu.dot_dimension_numbers<[1], [0], [0], [1], [0, 0, 1, 1], [], []>, transpose_lhs_hint = false} : vector<1x256xf32>, vector<256x8xf32>, vector<1x8xf32> -> vector<1x8xf32>
      %get3A_140 = arith.constant 0 : index
      %get3A_141 = arith.constant 0 : index
      %get3A_142 = vector.load %arg13[%get3A_140, %get3A_141] : memref<1x8xf32, #tpu.memory_space<vmem>>, vector<1x8xf32>
      %add3A_143 = arith.addf %dot_general3A_139, %get3A_142 : vector<1x8xf32>
      %reduce_max3A_144 = arith.constant dense<0xFF800000> : vector<1xf32>
      %reduce_max3A_145 = vector.multi_reduction <maximumf>, %add3A_143, %reduce_max3A_144 [1] : vector<1x8xf32> to vector<1xf32>
      %broadcast_in_dim3A_146 = vector.shape_cast %reduce_max3A_145 : vector<1xf32> to vector<1x1xf32>
      %sub3A_147 = vector.broadcast %broadcast_in_dim3A_146 : vector<1x1xf32> to vector<1x8xf32>
      %sub3A_148 = arith.subf %add3A_143, %sub3A_147 : vector<1x8xf32>
      %exp3A_149 = math.exp %sub3A_148 : vector<1x8xf32>
      %reduce_sum3A_150 = arith.constant dense<0.000000e+00> : vector<1xf32>
      %reduce_sum3A_151 = vector.multi_reduction <add>, %exp3A_149, %reduce_sum3A_150 [1] : vector<1x8xf32> to vector<1xf32>
      %broadcast_in_dim3A_152 = vector.shape_cast %reduce_sum3A_151 : vector<1xf32> to vector<1x1xf32>
      %log3A = math.log %broadcast_in_dim3A_152 : vector<1x1xf32>
      %add3A_153 = arith.addf %broadcast_in_dim3A_146, %log3A : vector<1x1xf32>
      %sub3A_154 = vector.broadcast %add3A_153 : vector<1x1xf32> to vector<1x8xf32>
      %sub3A_155 = arith.subf %add3A_143, %sub3A_154 : vector<1x8xf32>
      %swap3A_156 = arith.constant 0 : index
      %swap3A_157 = arith.constant 0 : index
      %swap3A_158 = vector.load %arg16[%swap3A_156, %swap3A_157] : memref<1x8xf32, #tpu.memory_space<vmem>>, vector<1x8xf32>
      tpu.vector_store %arg16[%swap3A_156, %swap3A_157], %sub3A_155 {strides = array<i32>} : memref<1x8xf32, #tpu.memory_space<vmem>>, vector<1x8xf32>,
      %get3A_159 = arith.constant 0 : index
      %get3A_160 = memref.load %arg18[%get3A_159] : memref<1xf32, #tpu.memory_space<smem>>
      %swap3A_161 = arith.constant 0 : index
      %swap3A_162 = arith.constant 0 : index
      %swap3A_163 = memref.load %arg15[%swap3A_161, %swap3A_162] : memref<1x1xf32, #tpu.memory_space<smem>>
      memref.store %get3A_160, %arg15[%swap3A_161, %swap3A_162] : memref<1x1xf32, #tpu.memory_space<smem>>
    } else {
    }
    return
  }
  func.func @transform_0(%arg0: i32) -> (i32, i32, i32) {
    %c0_i32 = arith.constant 0 : i32
    %c0_i32_0 = arith.constant 0 : i32
    %c0_i32_1 = arith.constant 0 : i32
    return %c0_i32, %arg0, %c0_i32_0 : i32, i32, i32
  }
  func.func @transform_1(%arg0: i32) -> (i32, i32, i32) {
    %c0_i32 = arith.constant 0 : i32
    %c0_i32_0 = arith.constant 0 : i32
    %c0_i32_1 = arith.constant 0 : i32
    return %c0_i32, %arg0, %c0_i32_0 : i32, i32, i32
  }
  func.func @transform_2(%arg0: i32) -> (i32, i32) {
    %c0_i32 = arith.constant 0 : i32
    %c0_i32_0 = arith.constant 0 : i32
    return %arg0, %c0_i32 : i32, i32
  }
  func.func @transform_3(%arg0: i32) -> (i32, i32) {
    %c0_i32 = arith.constant 0 : i32
    %c0_i32_0 = arith.constant 0 : i32
    %c0_i32_1 = arith.constant 0 : i32
    return %c0_i32, %c0_i32_0 : i32, i32
  }
  func.func @transform_4(%arg0: i32) -> (i32, i32) {
    %c0_i32 = arith.constant 0 : i32
    %c0_i32_0 = arith.constant 0 : i32
    %c0_i32_1 = arith.constant 0 : i32
    return %c0_i32, %c0_i32_0 : i32, i32
  }
  func.func @transform_5(%arg0: i32) -> (i32, i32) {
    %c0_i32 = arith.constant 0 : i32
    %c0_i32_0 = arith.constant 0 : i32
    %c0_i32_1 = arith.constant 0 : i32
    return %c0_i32, %c0_i32_0 : i32, i32
  }
  func.func @transform_6(%arg0: i32) -> (i32, i32) {
    %c0_i32 = arith.constant 0 : i32
    %c0_i32_0 = arith.constant 0 : i32
    %c0_i32_1 = arith.constant 0 : i32
    return %c0_i32, %c0_i32_0 : i32, i32
  }
  func.func @transform_7(%arg0: i32) -> (i32, i32) {
    %c0_i32 = arith.constant 0 : i32
    %c0_i32_0 = arith.constant 0 : i32
    %c0_i32_1 = arith.constant 0 : i32
    return %c0_i32, %c0_i32_0 : i32, i32
  }
  func.func @transform_8(%arg0: i32) -> (i32, i32) {
    %c0_i32 = arith.constant 0 : i32
    %c0_i32_0 = arith.constant 0 : i32
    %c0_i32_1 = arith.constant 0 : i32
    return %c0_i32, %c0_i32_0 : i32, i32
  }
  func.func @transform_9(%arg0: i32) -> (i32, i32) {
    %c0_i32 = arith.constant 0 : i32
    %c0_i32_0 = arith.constant 0 : i32
    %c0_i32_1 = arith.constant 0 : i32
    return %c0_i32, %c0_i32_0 : i32, i32
  }
  func.func @transform_10(%arg0: i32) -> (i32, i32) {
    %c0_i32 = arith.constant 0 : i32
    %c0_i32_0 = arith.constant 0 : i32
    %c0_i32_1 = arith.constant 0 : i32
    return %c0_i32, %c0_i32_0 : i32, i32
  }
  func.func @transform_11(%arg0: i32) -> (i32, i32) {
    %c0_i32 = arith.constant 0 : i32
    %c0_i32_0 = arith.constant 0 : i32
    %c0_i32_1 = arith.constant 0 : i32
    return %c0_i32, %c0_i32_0 : i32, i32
  }
  func.func @transform_12(%arg0: i32) -> (i32, i32) {
    %c0_i32 = arith.constant 0 : i32
    %c0_i32_0 = arith.constant 0 : i32
    %c0_i32_1 = arith.constant 0 : i32
    return %c0_i32, %c0_i32_0 : i32, i32
  }
  func.func @transform_13(%arg0: i32) -> (i32, i32) {
    %c0_i32 = arith.constant 0 : i32
    %c0_i32_0 = arith.constant 0 : i32
    return %arg0, %c0_i32 : i32, i32
  }
  func.func @transform_14(%arg0: i32) -> (i32, i32) {
    %c0_i32 = arith.constant 0 : i32
    %c0_i32_0 = arith.constant 0 : i32
    %c0_i32_1 = arith.constant 0 : i32
    return %c0_i32, %c0_i32_0 : i32, i32
  }
  func.func @transform_15(%arg0: i32) -> (i32, i32) {
    %c0_i32 = arith.constant 0 : i32
    %c0_i32_0 = arith.constant 0 : i32
    %c0_i32_1 = arith.constant 0 : i32
    return %c0_i32, %c0_i32_0 : i32, i32
  }
}

</mosaic_0001>

<sc_bundles>
// kernel: kernel.5.cloned.1.call-start
scs
__scs_entry_jumppad:
0x0: {  	(pc) =	sbr.rel $0x88, $3  }
0x1: {  	(tag) =	ssettag $0x0;
	lr =	simm.s32 $0x1  }
0x2: {  	[smem:$0x3F91] =	sst lr;
	_ =	strace $0xD0000000  }
0x3: {  	_ = 	snop  }
0x4: {  	_ = 	snop  }
0x5: {  	_ = 	snop  }
0x6: {  	_ = 	snop  }
0x7: {  	_ = 	snop  }
__scs_overlays_trampoline_lowered:
0x8: {  	[smem:$0x3FA0] =	sst s0  }
0x9: {  	[smem:$0x3FA1] =	sst s1  }
0xa: {  	[smem:$0x3FA2] =	sst s2  }
0xb: {  	[smem:$0x3FA3] =	sst s3  }
0xc: {  	[smem:$0x3FA4] =	sst s4  }
0xd: {  	[smem:$0x3FA5] =	sst s5  }
0xe: {  	[smem:$0x3FA6] =	sst s6  }
0xf: {  	[smem:$0x3FA7] =	sst s7  }
0x10: {  	[smem:$0x3FA8] =	sst s8  }
0x11: {  	[smem:$0x3FA9] =	sst s9;
	s0 =	simm.s32 @!p0 $0x0  }
0x12: {  	s1 =	sld [smem:$0x3F8F];
	s0 =	simm.s32 @p0 $0x1  }
0x13: {  	[smem:$0x3FAA] =	sst s0;
	s0 =	simm.s32 @!p1 $0x0  }
0x14: {  	s2 =	sld [smem:$0x3F8E];
	s0 =	simm.s32 @p1 $0x1  }
0x15: {  	[smem:$0x3FAB] =	sst s0;
	s0 =	simm.s32 @!p2 $0x0  }
0x16: {  	s3 =	sld [smem:$0x3FDB];
	s0 =	simm.s32 @p2 $0x1  }
0x17: {  	s4 =	simm.s32 $0x1BF5;
	[smem:$0x3FAD] =	sst s0  }
0x18: {  	s0 =	sld [smem:$0x3F90];
	_ =	swait.ge [sflag:s4], $0x0  }
0x19: {  	s7 =	sld [smem:$0x3F91]  }
0x1a: {  	s8 =	sadd.s32 $0xFFFFE003, lr  }
0x1b: {  	s9 =	sadd.s32 $0xFFFFFEF7, lr;
	s5 =	simm.s32 $0xFFFFFFFF;
	p2 =	slt.u32 s8, $0xFFFFF086  }
0x1c: {  	p1 =	slt.u32 s9, $0xF7A;
	s5 =	simm.s32 @!p2 $0x0  }
0x1d: {  	s5 =	simm.s32 @p1 $0x1;
	p0 =	seq.s32 s7, s2  }
0x1e: {  	s7 =	smul.u32 @!p0 $0xF7A, s2;
	p2 =	seq.s32 @!p0 s5, $0x0  }
0x1f: {  	s9 =	smul.u32 $0xF7A, s1;
	s8 =	simm.s32 @!p0 $0x1BF5;
	p2 =	por !p2, p0  }
0x20: {  	[sflag:s8] =	ssyncset.s32 @!p0 $0xFFFFF086;
	s6 =	sadd.s32 @!p0 s3, s7;
	s7 =	simm.s32 @!p0 $0x108  }
0x21: {  	s3 =	sadd.s32 s3, s9;
	s6 =	sadd.s32 @!p0 $0x88, s6;
	s7 =	simm.s32 @p2 $0x1082  }
0x22: {  	[simem:s7], [sflag:s8] =	dma.local @!p0 [hbm:s6], $0xF7A  }
0x23: {  	s9 =	sor.u32 $0xD0000000, s2;
	s6 =	simm.s32 $0x108;
	_ =	swait.ge @!p0 [sflag:s8], $0x0  }
0x24: {  	s3 =	sadd.s32 $0x88, s3;
	s6 =	simm.s32 @!p1 $0x1082;
	[sflag:s4] =	ssyncset.s32 $0xFFFFF086  }
0x25: {  	[simem:s6], [sflag:s4] =	dma.local [hbm:s3], $0xF7A  }
0x26: {  	[smem:$0x3F91] =	sst s1;
	(tag) =	ssettag s2;
	_ =	strace s9  }
0x27: {  	s1 =	sld [smem:$0x3FA1]  }
0x28: {  	s2 =	sld [smem:$0x3FA2]  }
0x29: {  	s4 =	sld [smem:$0x3FA4]  }
0x2a: {  	p0 =	seq.s32 s5, $0x0;
	s5 =	sld [smem:$0x3FA5]  }
0x2b: {  	s6 =	sld [smem:$0x3FA6]  }
0x2c: {  	s7 =	sld [smem:$0x3FA7]  }
0x2d: {  	s3 =	simm.s32 $0x108;
	s8 =	sld [smem:$0x3FA8]  }
0x2e: {  	s3 =	simm.s32 @!p0 $0x1082;
	s9 =	sld [smem:$0x3FA9]  }
0x2f: {  	lr =	sadd.s32 s0, s3;
	s0 =	sld [smem:$0x3FA0]  }
0x30: {  	s3 =	sld [smem:$0x3FA3]  }
0x31: {  	[smem:$0x3FAC] =	sst s10  }
0x32: {  	s10 =	sld [smem:$0x3FAA];
	_ =	sdelay $0x3  }
0x33: {  	p0 =	seq.s32 s10, $0x1;
	s10 =	sld [smem:$0x3FAC];
	_ =	sdelay $0x3  }
0x34: {  	[smem:$0x3FAC] =	sst s10  }
0x35: {  	s10 =	sld [smem:$0x3FAB];
	_ =	sdelay $0x3  }
0x36: {  	p1 =	seq.s32 s10, $0x1;
	s10 =	sld [smem:$0x3FAC];
	_ =	sdelay $0x3  }
0x37: {  	[smem:$0x3FAC] =	sst s10  }
0x38: {  	s10 =	sld [smem:$0x3FAD]  }
0x39: {  	_ = 	snop;
	(pc) =	sbr.ind lr, $3  }
0x3a: {  	_ = 	snop  }
0x3b: {  	_ = 	snop  }
0x3c: {  	p2 =	seq.s32 s10, $0x1;
	s10 =	sld [smem:$0x3FAC]  }
0x3d: {  	_ =	shalt  }
0x3e: {  	_ =	shalt  }
0x3f: {  	_ =	shalt  }
0x40: {  	_ =	shalt  }
0x41: {  	_ =	shalt  }
0x42: {  	_ =	shalt  }
0x43: {  	_ =	shalt  }
0x44: {  	_ =	shalt  }
0x45: {  	_ =	shalt  }
0x46: {  	_ =	shalt  }
0x47: {  	_ =	shalt  }
0x48: {  	_ =	shalt  }
0x49: {  	_ =	shalt  }
0x4a: {  	_ =	shalt  }
0x4b: {  	_ =	shalt  }
0x4c: {  	_ =	shalt  }
0x4d: {  	_ =	shalt  }
0x4e: {  	_ =	shalt  }
0x4f: {  	_ =	shalt  }
0x50: {  	_ =	shalt  }
0x51: {  	_ =	shalt  }
0x52: {  	_ =	shalt  }
0x53: {  	_ =	shalt  }
0x54: {  	_ =	shalt  }
0x55: {  	_ =	shalt  }
0x56: {  	_ =	shalt  }
0x57: {  	_ =	shalt  }
0x58: {  	_ =	shalt  }
0x59: {  	_ =	shalt  }
0x5a: {  	_ =	shalt  }
0x5b: {  	_ =	shalt  }
0x5c: {  	_ =	shalt  }
0x5d: {  	_ =	shalt  }
0x5e: {  	_ =	shalt  }
0x5f: {  	_ =	shalt  }
0x60: {  	_ =	shalt  }
0x61: {  	_ =	shalt  }
0x62: {  	_ =	shalt  }
0x63: {  	_ =	shalt  }
0x64: {  	_ =	shalt  }
0x65: {  	_ =	shalt  }
0x66: {  	_ =	shalt  }
0x67: {  	_ =	shalt  }
0x68: {  	_ =	shalt  }
0x69: {  	_ =	shalt  }
0x6a: {  	_ =	shalt  }
0x6b: {  	_ =	shalt  }
0x6c: {  	_ =	shalt  }
0x6d: {  	_ =	shalt  }
0x6e: {  	_ =	shalt  }
0x6f: {  	_ =	shalt  }
0x70: {  	_ =	shalt  }
0x71: {  	_ =	shalt  }
0x72: {  	_ =	shalt  }
0x73: {  	_ =	shalt  }
0x74: {  	_ =	shalt  }
0x75: {  	_ =	shalt  }
0x76: {  	_ =	shalt  }
0x77: {  	_ =	shalt  }
0x78: {  	_ =	shalt  }
0x79: {  	_ =	shalt  }
0x7a: {  	_ =	shalt  }
0x7b: {  	_ =	shalt  }
0x7c: {  	_ =	shalt  }
0x7d: {  	_ =	shalt  }
0x7e: {  	_ =	shalt  }
0x7f: {  	_ =	shalt  }
0x80: {  	_ =	shalt  }
0x81: {  	_ =	shalt  }
0x82: {  	_ =	shalt  }
0x83: {  	_ =	shalt  }
0x84: {  	_ =	shalt  }
0x85: {  	_ =	shalt  }
0x86: {  	_ =	shalt  }
0x87: {  	_ =	shalt  }
.Lfunc_end0:
.L_simem_size_0:
called_computation_lowered:
.L_overlay_start_0:
0x88: {  	s2 =	sld [smem:$0x3FD9]  }
0x89: {  	s3 =	sld [smem:$0x3FFE];
	_ =	sdelay $0x1  }
0x8a: {  	s1 =	srdreg.scid  }
0x8b: {  	s0 =	sand.u32 $0x1, s1  }
0x8c: {  	s16 =	sshll.u32 s0, $0xA;
	s2 =	sadd.s32 s3, s2  }
0x8d: {  	s2 =	sadd.s32 s2, s16  }
0x8e: {  	[smem:$0x3FB8] =	sst s2  }
0x8f: {  	_ = 	snop  }
0x90: {  	(tm) =	ssettm $0x1  }
0x91: {  	s17 =	sld [smem:$0x3FFB];
	_ =	sdelay $0x3  }
0x92: {  	_ =	strace s17  }
0x93: {  	s2 =	sld [smem:$0x3FFC];
	_ =	sdelay $0x3  }
0x94: {  	_ =	strace s2  }
0x95: {  	s2 =	sld [smem:$0x3FFD];
	_ =	sdelay $0x3  }
0x96: {  	_ =	strace s2  }
0x97: {  	_ =	strace $0x8FFFFFFF  }
0x98: {  	s18 =	sld [smem:$0x3FDB];
	_ =	sdelay $0x1  }
0x99: {  	s19 =	simm.s32 $_scs_section_size  }
0x9a: {  	s4 =	simm.s32 $_size__tile_overlayer_lowered;
	s5 =	simm.s32 $_tile_overlayer_lowered  }
0x9b: {  	s22 =	simm.s32 $0x1BFF;
	s21 =	sshll.u32 s5, $0x1;
	s2 =	sadd.s32 s19, s18  }
0x9c: {  	s6 =	simm.s32 $0x0;
	s20 =	sshll.u32 s4, $0x1;
	s4 =	sadd.s32 s21, s2  }
0x9d: {  	[timem:s6], [sflag:s22] =	dma.local [hbm:s4], s20  }
0x9e: {  	_ =	swait.ge [sflag:s22], s20  }
0x9f: {  	s3 =	ssub.s32 $0x0, s20;
	[sflag:s22] =	ssyncset.done $0x0  }
0xa0: {  	[sflag:s22] =	ssyncadd.s32 s3;
	_ =	sdelay $0x1  }
0xa1: {  	s23 =	simm.s32 $0x1B8B  }
0xa2: {  	_ =	swait.ge [sflag:s23], $0x1  }
0xa3: {  	[sflag:s23] =	ssyncset.done $0x0  }
0xa4: {  	s25 =	simm.s32 $0x1B8E;
	s24 =	sld [smem:$0x3FFE];
	[sflag:s23] =	ssyncadd.s32 $0xFFFFFFFF  }
0xa5: {  	s26 =	simm.s32 $execute0_lowered;
	[smem:$0x3FD2] =	sst s25  }
0xa6: {  	s4 =	sshll.u32 s26, $0x1;
	_ =	strace $0x80000046;
	[dreg:$0x1] =	wrdreg $0xFFFFFFFF  }
0xa7: {  	s28 =	simm.s32 $_size_execute0_lowered;
	s2 =	sadd.s32 s2, s4;
	[dreg:$0x0] =	wrdreg $0x0  }
0xa8: {  	s4 =	sshll.u32 s28, $0x1;
	[dreg:$0x2] =	wrdreg s2  }
0xa9: {  	[dreg:$0x3] =	wrdreg s4  }
0xaa: {  	[dreg:$0x4] =	wrdreg $0xC0  }
0xab: {  	_ =	task [dreg:s6], $0x5FFFF  }
0xac: {  	[dreg:$0x1] =	wrdreg $0xFFFFFFFF  }
0xad: {  	[dreg:$0x0] =	wrdreg $0x60  }
0xae: {  	[dreg:$0x2] =	wrdreg s24  }
0xaf: {  	[dreg:$0x3] =	wrdreg $0x1A2C00  }
0xb0: {  	[dreg:$0x4] =	wrdreg $0x1C9D00  }
0xb1: {  	[dreg:$0x5] =	wrdreg $0x9  }
0xb2: {  	_ =	task.clear_ibuf [dreg:s6], $0x6FFFF;
	_ =	strace $0x90000046  }
0xb3: {  	s29 =	simm.s32 $0x9;
	_ =	strace $0x80000048  }
0xb4: {  	_ =	swait.ge [sflag:s29], $0x1  }
0xb5: {  	[sflag:s29] =	ssyncadd.s32 $0xFFFFFFFF  }
0xb6: {  	_ =	strace $0x90000048  }
0xb7: {  	_ =	sfence  }
0xb8: {  	s30 =	sld [smem:$0x0];
	_ =	sdelay $0x2  }
0xb9: {  	s31 =	sshll.u32 s1, $0xD;
	s1 =	sshrl.u32 s1, $0x2  }
0xba: {  	s3 =	sand.u32 $0x4000, s31;
	s1 =	sadd.s32 s1, s30  }
0xbb: {  	s0 =	sor.u32 s3, s0;
	s1 =	sshll.u32 s1, $0x11  }
0xbc: {  	s0 =	sor.u32 s1, s0  }
0xbd: {  	s0 =	sadd.s32 $0x8F2B, s0  }
0xbe: {  	[sflag:s0] =	ssyncadd.remote.s32 $0x1  }
0xbf: {  	_ =	sfence.sel $0xFFFF  }
0xc0: {  	[dreg:$0x0] =	wrdreg $0xFFFFFFFF;
	(pc) =	sbr.abs _section_cstart, $3  }
0xc1: {  	[dreg:$0x1] =	wrdreg $0xFFFFFFFF  }
0xc2: {  	_ =	task.clear_ibuf [dreg:s6], $0x2FFFF;
	_ =	strace $0x9FFFFFFF  }
0xc3: {  	(tm) =	ssettm $0x7FFFFFFF  }
tec
execute0_lowered:
.L_overlay_start_1:
0x0: {  	(tag) =	ssettag $0x1  }
0x1: {  	s1 =	rddreg [dreg:$0x0]  }
0x2: {  	s0 =	srdreg.scid;
	s2 =	rddreg [dreg:$0x1]  }
0x3: {  	s13 =	stileid.u32;
	s3 =	rddreg [dreg:$0x2];
	s19 =	simm.s32 $0x4E70  }
0x4: {  	s20 =	simm.s32 $0x5;
	s21 =	simm.s32 $0x5370;
	s22 =	simm.s32 $0x5870  }
0x5: {  	s28 =	simm.s32 $0x1;
	s29 =	simm.s32 $0x2;
	s30 =	simm.s32 $0x3  }
0x6: {  	s0 =	sand.u32 $0x1, s0;
	s6 =	smul.u32 $0x3E80, s13;
	s7 =	sadd.s32 $0x15200, s1  }
0x7: {  	s8 =	sadd.s32 $0x20A00, s1;
	s4 =	sshll.u32 s0, $0x4;
	s9 =	smul.u32 $0x27100, s0  }
0x8: {  	s0 =	ssub.s32 $0x2, s0;
	s5 =	sor.u32 s13, s4;
	s4 =	simm.s32 $0x0  }
0x9: {  	s11 =	sshrl.u32 s0, $0x1;
	s5 =	smul.u32 $0x2710, s5;
	[smem:$0x7FF] =	sst s4  }
0xa: {  	s10 =	sadd.s32 s6, s9;
	s9 =	sadd.s32 $0x1400, s1;
	s0 =	ssub.s32 s0, s11  }
0xb: {  	s11 =	sadd.s32 s6, s3;
	_ =	strace $0x80000047;
	[dreg:$0x4] =	wrdreg s7  }
0xc: {  	s7 =	sadd.s32 $0x16C00, s1;
	s0 =	smax.u32 s0, $0x1;
	s12 =	sshrl.u32 s5, $0x3  }
0xd: {  	[dreg:$0xb] =	wrdreg s0;
	s14 =	sadd.s32 s12, s1;
	s24 =	sadd.s32 s7, s12  }
0xe: {  	s10 =	sshrl.u32 s10, $0x3;
	s23 =	sadd.s32 $0xB400, s14;
	[dreg:$0x6] =	wrdreg s24  }
0xf: {  	s1 =	sadd.s32 s10, s1;
	s25 =	sadd.s32 $0x1600, s14;
	[dreg:$0x5] =	wrdreg s23  }
0x10: {  	s10 =	sadd.s32 s6, s2;
	s6 =	sadd.s32 $0x4D8, s24;
	[dreg:$0x7] =	wrdreg s25  }
0x11: {  	s31 =	simm.s32 $0x4;
	s26 =	sadd.s32 $0x2B000, s1;
	[dreg:$0x8] =	wrdreg s6  }
0x12: {  	p0 =	sgt.u32 s13, $0x9;
	s1 =	sadd.s32 $0x21200, s1;
	[dreg:$0x9] =	wrdreg s26  }
0x13: {  	v0 =	vlaneseq.u32;
	s13 =	simm.s32 $0x2710;
	s24 =	simm.s32 $0x11BC0;
	[dreg:$0xa] =	wrdreg s1  }
0x14: {  	v0 =	vmul.u32 $0x10, v0;
	s25 =	simm.s32 $0x120C0;
	s26 =	simm.s32 $0x50;
	s1 =	simm.s32 $0x0  }
.LBB2_1:
0x15: {  	s0 =	simm.s32 @!p0 $0x0;
	s6 =	simm.s32 @!p0 $0x125C0;
	s12 =	simm.s32 @!p0 $0x5  }
0x16: {  	[tilespmem:s6], [sflag:$0x5] =	stream.linear.gather @!p0 [hbm4b:s8+s0], $0x3E80, $0x38;
	[tilespmem:$0x1F0E0] =	vst v63  }
0x17: {  	_ =	swait.ge @!p0 [sflag:s12], $0x3E80  }
0x18: {  	[sflag:s12] =	ssyncset.done @!p0 $0x0  }
0x19: {  	[sflag:s12] =	ssyncadd.s32 @!p0 $0xFFFFC180  }
0x1a: {  	[spmem:s10] =	stream.linear.scatter @!p0 [tilespmem:s6], [sflag:$0x5], $0x3E80, $0x38;
	[tilespmem:$0x1F0E0] =	vst v63  }
0x1b: {  	_ =	swait.ge @!p0 [sflag:s12], $0x3E80  }
0x1c: {  	[sflag:s12] =	ssyncset.done @!p0 $0x0  }
0x1d: {  	s6 =	simm.s32 @!p0 $0x16440;
	[sflag:s12] =	ssyncadd.s32 @!p0 $0xFFFFC180  }
0x1e: {  	[tilespmem:s6], [sflag:$0x5] =	stream.linear.gather @!p0 [hbm4b:s8+s0], $0x3E80, $0x38;
	[tilespmem:$0x1F0E0] =	vst v63  }
0x1f: {  	_ =	swait.ge @!p0 [sflag:s12], $0x3E80  }
0x20: {  	[sflag:s12] =	ssyncset.done @!p0 $0x0  }
0x21: {  	[sflag:s12] =	ssyncadd.s32 @!p0 $0xFFFFC180  }
0x22: {  	[spmem:s11] =	stream.linear.scatter @!p0 [tilespmem:s6], [sflag:$0x5], $0x3E80, $0x38;
	[tilespmem:$0x1F0E0] =	vst v63  }
0x23: {  	_ =	swait.ge @!p0 [sflag:s12], $0x3E80  }
0x24: {  	[sflag:s12] =	ssyncset.done @!p0 $0x0  }
0x25: {  	[sflag:s12] =	ssyncadd.s32 @!p0 $0xFFFFC180  }
0x26: {  	[tilespmem:s19], [sflag:$0x5] =	stream.linear.gather [hbm4b:s8+s4], $0x500, $0x38;
	[tilespmem:$0x1F0E0] =	vst v63  }
0x27: {  	_ =	swait.ge [sflag:s20], $0x500  }
0x28: {  	[sflag:s20] =	ssyncset.done $0x0  }
0x29: {  	[sflag:s20] =	ssyncadd.s32 $0xFFFFFB00  }
0x2a: {  	[tilespmem:s21], [sflag:$0x5] =	stream.linear.gather [hbm4b:s8+s4], $0x500, $0x38;
	[tilespmem:$0x1F0E0] =	vst v63  }
0x2b: {  	_ =	swait.ge [sflag:s20], $0x500  }
0x2c: {  	[sflag:s20] =	ssyncset.done $0x0  }
0x2d: {  	s16 =	rddreg [dreg:$0x4];
	[sflag:s20] =	ssyncadd.s32 $0xFFFFFB00  }
0x2e: {  	[tilespmem:s22], [sflag:$0x5] =	stream.linear.gather [hbm4b:s16+s4], $0xC350, $0x38;
	[tilespmem:$0x1F0E0] =	vst v63  }
0x2f: {  	_ =	swait.ge [sflag:s20], $0xC350  }
0x30: {  	[sflag:s20] =	ssyncset.done $0x0  }
0x31: {  	s17 =	rddreg [dreg:$0x5];
	[sflag:s20] =	ssyncadd.s32 $0xFFFF3CB0  }
0x32: {  	[tilespmem:s4], [sflag:$0x5] =	stream.linear.gather [hbm4b:s17+s4], $0x2710, $0x38;
	[tilespmem:$0x1F0E0] =	vst v63  }
0x33: {  	_ =	swait.ge [sflag:s20], $0x2710  }
0x34: {  	[sflag:s20] =	ssyncset.done $0x0  }
0x35: {  	s18 =	rddreg [dreg:$0x7];
	[sflag:s20] =	ssyncadd.s32 $0xFFFFD8F0  }
0x36: {  	[tilespmem:s13], [sflag:$0x5] =	stream.linear.gather [hbm4b:s18+s4], $0x2710, $0x38;
	[tilespmem:$0x1F0E0] =	vst v63  }
0x37: {  	_ =	swait.ge [sflag:s20], $0x2710  }
0x38: {  	[sflag:s20] =	ssyncset.done $0x0  }
0x39: {  	[sflag:s20] =	ssyncadd.s32 $0xFFFFD8F0  }
0x3a: {  	[tilespmem:s24], [sflag:$0x5] =	stream.linear.gather [hbm4b:s9+s4], $0x500, $0x38;
	[tilespmem:$0x1F0E0] =	vst v63  }
0x3b: {  	_ =	swait.ge [sflag:s20], $0x500  }
0x3c: {  	[sflag:s20] =	ssyncset.done $0x0  }
0x3d: {  	[sflag:s20] =	ssyncadd.s32 $0xFFFFFB00  }
0x3e: {  	[tilespmem:s25], [sflag:$0x5] =	stream.linear.gather [hbm4b:s9+s4], $0x500, $0x38;
	[tilespmem:$0x1F0E0] =	vst v63  }
0x3f: {  	_ =	swait.ge [sflag:s20], $0x500  }
0x40: {  	[sflag:s20] =	ssyncset.done $0x0  }
0x41: {  	[sflag:s20] =	ssyncadd.s32 $0xFFFFFB00  }
0x42: {  	[bflag:$0x0] =	sbarrier.arrive $0xFFFF  }
0x43: {  	s0 =	simm.s32 $0x4E20;
	s23 =	rddreg [dreg:$0x6]  }
0x44: {  	[tilespmem:s0], [sflag:$0x5] =	stream.linear.gather [hbm4b:s23+s4], $0x50, $0x38;
	[tilespmem:$0x1F0E0] =	vst v63  }
0x45: {  	_ =	swait.ge [sflag:s20], $0x50  }
0x46: {  	[sflag:s20] =	ssyncset.done $0x0  }
0x47: {  	[sflag:s20] =	ssyncadd.s32 $0xFFFFFFB0  }
0x48: {  	v1 =	vld [tilespmem:s4+$0x0];
	_ =	sdelay $0x4  }
0x49: {  	v2 =	vmul.u32 $0x5, v1;
	_ =	sdelay $0x3  }
0x4a: {  	v1 =	vmov s4  }
0x4b: {  	v1 =	vshll.u32 v1, $0x4  }
0x4c: {  	v1 =	vor.u32 v0, v1;
	v3 =	vld.idx.msk [tilespmem:v2+s22+$0x0], $0xffff  }
0x4d: {  	v4 =	vadd.s32 $0x1, v2;
	_ =	sdelay $0x3  }
0x4e: {  	[tilespmem:v1+s24+$0x0] =	vst.idx.msk $0xffff, v3  }
0x4f: {  	v60 =	vor.u32 $0x1, v1;
	v3 =	vld.idx.msk [tilespmem:v4+s22+$0x0], $0xffff  }
0x50: {  	v5 =	vadd.s32 $0x2, v2;
	_ =	sdelay $0x3  }
0x51: {  	[tilespmem:v60+s24+$0x0] =	vst.idx.msk $0xffff, v3  }
0x52: {  	v61 =	vor.u32 $0x2, v1;
	v3 =	vld.idx.msk [tilespmem:v5+s22+$0x0], $0xffff  }
0x53: {  	v62 =	vadd.s32 $0x3, v2;
	_ =	sdelay $0x3  }
0x54: {  	[tilespmem:v61+s24+$0x0] =	vst.idx.msk $0xffff, v3  }
0x55: {  	v63 =	vor.u32 $0x3, v1;
	v3 =	vld.idx.msk [tilespmem:v62+s22+$0x0], $0xffff  }
0x56: {  	v2 =	vadd.s32 $0x4, v2;
	_ =	sdelay $0x3  }
0x57: {  	[tilespmem:v63+s24+$0x0] =	vst.idx.msk $0xffff, v3  }
0x58: {  	v3 =	vor.u32 $0x4, v1;
	v2 =	vld.idx.msk [tilespmem:v2+s22+$0x0], $0xffff;
	_ =	sdelay $0x4  }
0x59: {  	[tilespmem:v3+s24+$0x0] =	vst.idx.msk $0xffff, v2  }
0x5a: {  	s6 =	simm.s32 $0x10;
	s12 =	simm.s32 $0x0;
	v2 =	vld [tilespmem:s0+$0x0]  }
.LBB2_2:
0x5b: {  	_ =	sdelay $0x3  }
0x5c: {  	p1 =	sne.s32 s6, $0x40;
	s12 =	sadd.s32 $0x10, s12;
	s0 =	sadd.s32 $0x10, s0;
	[tilespmem:v1+s19+$0x0] =	vst.idx.msk $0xffff, v2  }
0x5d: {  	s14 =	smov.u32 s6;
	s6 =	sadd.s32 $0x10, s6;
	v1 =	vld [tilespmem:s12+$0x0];
	_ =	sdelay $0x4  }
0x5e: {  	v2 =	vmul.u32 $0x5, v1;
	_ =	sdelay $0x4  }
0x5f: {  	v1 =	vmov s14  }
0x60: {  	v1 =	vshll.u32 v1, $0x4;
	v3 =	vld.idx.msk [tilespmem:v2+s22+$0x0], $0xffff  }
0x61: {  	v1 =	vor.u32 v0, v1  }
0x62: {  	v4 =	vadd.s32 $0x1, v2;
	_ =	sdelay $0x3  }
0x63: {  	[tilespmem:v1+s24+$0x0] =	vst.idx.msk $0xffff, v3  }
0x64: {  	v3 =	vld.idx.msk [tilespmem:v4+s22+$0x0], $0xffff  }
0x65: {  	v4 =	vor.u32 $0x1, v1  }
0x66: {  	v5 =	vadd.s32 $0x2, v2;
	_ =	sdelay $0x3  }
0x67: {  	[tilespmem:v4+s24+$0x0] =	vst.idx.msk $0xffff, v3  }
0x68: {  	v3 =	vld.idx.msk [tilespmem:v5+s22+$0x0], $0xffff  }
0x69: {  	v4 =	vor.u32 $0x2, v1  }
0x6a: {  	v5 =	vadd.s32 $0x3, v2;
	_ =	sdelay $0x3  }
0x6b: {  	[tilespmem:v4+s24+$0x0] =	vst.idx.msk $0xffff, v3  }
0x6c: {  	v3 =	vld.idx.msk [tilespmem:v5+s22+$0x0], $0xffff  }
0x6d: {  	v4 =	vor.u32 $0x3, v1  }
0x6e: {  	v2 =	vadd.s32 $0x4, v2;
	_ =	sdelay $0x3  }
0x6f: {  	[tilespmem:v4+s24+$0x0] =	vst.idx.msk $0xffff, v3  }
0x70: {  	v2 =	vld.idx.msk [tilespmem:v2+s22+$0x0], $0xffff  }
0x71: {  	v3 =	vor.u32 $0x4, v1;
	_ =	sdelay $0x1  }
.Ltmp0:
0x72: {  	(pc) =	sbr.rel @p1 .LBB2_2-.Ltmp0, $3  }
0x73: {  	_ =	sdelay $0x1  }
0x74: {  	[tilespmem:v3+s24+$0x0] =	vst.idx.msk $0xffff, v2  }
0x75: {  	v2 =	vld [tilespmem:s0+$0x0]  }
0x76: {  	_ =	sdelay $0x2  }
.Ltmp1:
0x77: {  	_ = 	snop;
	(pc) =	sbr.rel .LBB2_4-.Ltmp1, $4  }
0x78: {  	s18 =	simm.s32 $0x50;
	[tilespmem:v1+s19+$0x0] =	vst.idx.msk $0xffff, v2  }
0x79: {  	[spmem:s2] =	stream.indirect.scatter.add.f32 [tilespmem:s24], [sflag:$0x1], $0x10, s13, s18, $0xb8;
	[tilespmem:$0x1F0E0] =	vst v63  }
0x7a: {  	s6 =	simm.s32 $0x0;
	s12 =	simm.s32 $0xA0;
	s14 =	simm.s32 $0x0  }
0x7b: {  	[spmem:s3] =	stream.indirect.scatter.add.f32 [tilespmem:s19], [sflag:$0x2], $0x10, s6, s18, $0xb8;
	[tilespmem:$0x1F0E0] =	vst v63  }
.LBB2_10:
0x7c: {  	s14 =	sadd.s32 $0x1, s14  }
0x7d: {  	_ =	swait.ge [sflag:s30], $0x500;
	p1 =	sne.s32 s14, $0x3E  }
.Ltmp2:
0x7e: {  	[sflag:s30] =	ssyncset.done $0x0;
	(pc) =	sbr.rel @!p1 .LBB2_11-.Ltmp2, $4  }
0x7f: {  	[sflag:s30] =	ssyncadd.s32 $0xFFFFFB00  }
0x80: {  	_ =	swait.ge [sflag:s31], $0x500  }
0x81: {  	[sflag:s31] =	ssyncset.done $0x0  }
0x82: {  	s18 =	sadd.s32 $0xA0, s18;
	s12 =	sadd.s32 $0xA0, s12;
	[sflag:s31] =	ssyncadd.s32 $0xFFFFFB00  }
.LBB2_4:
0x83: {  	s23 =	smul.u32 $0xA0, s14;
	_ =	sdelay $0x1  }
0x84: {  	s15 =	sadd.s32 $0x50, s23  }
0x85: {  	s0 =	sadd.s32 s5, s15  }
0x86: {  	s0 =	sshrl.u32 s0, $0x3  }
0x87: {  	s16 =	simm.s32 $0x4E20;
	s0 =	sadd.s32 s7, s0  }
0x88: {  	[tilespmem:s16], [sflag:$0x5] =	stream.linear.gather [hbm4b:s0+s6], $0x50, $0x38;
	[tilespmem:$0x1F0E0] =	vst v63  }
0x89: {  	_ =	swait.ge [sflag:s20], $0x50  }
0x8a: {  	[sflag:s20] =	ssyncset.done $0x0  }
0x8b: {  	[sflag:s20] =	ssyncadd.s32 $0xFFFFFFB0  }
0x8c: {  	v1 =	vld [tilespmem:s18+$0x0];
	_ =	sdelay $0x4  }
0x8d: {  	v2 =	vmul.u32 $0x5, v1;
	_ =	sdelay $0x3  }
0x8e: {  	v1 =	vmov s6  }
0x8f: {  	v1 =	vshll.u32 v1, $0x4  }
0x90: {  	v1 =	vor.u32 v0, v1;
	v3 =	vld.idx.msk [tilespmem:v2+s22+$0x0], $0xffff  }
0x91: {  	v4 =	vadd.s32 $0x1, v2;
	_ =	sdelay $0x3  }
0x92: {  	[tilespmem:v1+s25+$0x0] =	vst.idx.msk $0xffff, v3  }
0x93: {  	v60 =	vor.u32 $0x1, v1;
	v3 =	vld.idx.msk [tilespmem:v4+s22+$0x0], $0xffff  }
0x94: {  	v5 =	vadd.s32 $0x2, v2;
	_ =	sdelay $0x3  }
0x95: {  	[tilespmem:v60+s25+$0x0] =	vst.idx.msk $0xffff, v3  }
0x96: {  	v61 =	vor.u32 $0x2, v1;
	v3 =	vld.idx.msk [tilespmem:v5+s22+$0x0], $0xffff  }
0x97: {  	v62 =	vadd.s32 $0x3, v2;
	_ =	sdelay $0x3  }
0x98: {  	[tilespmem:v61+s25+$0x0] =	vst.idx.msk $0xffff, v3  }
0x99: {  	v63 =	vor.u32 $0x3, v1;
	v3 =	vld.idx.msk [tilespmem:v62+s22+$0x0], $0xffff  }
0x9a: {  	v2 =	vadd.s32 $0x4, v2;
	_ =	sdelay $0x3  }
0x9b: {  	[tilespmem:v63+s25+$0x0] =	vst.idx.msk $0xffff, v3  }
0x9c: {  	v3 =	vor.u32 $0x4, v1;
	v2 =	vld.idx.msk [tilespmem:v2+s22+$0x0], $0xffff;
	_ =	sdelay $0x4  }
0x9d: {  	[tilespmem:v3+s25+$0x0] =	vst.idx.msk $0xffff, v2  }
0x9e: {  	s17 =	simm.s32 $0x10;
	s0 =	smov.u32 s18;
	v2 =	vld [tilespmem:s16+$0x0]  }
.LBB2_5:
0x9f: {  	_ =	sdelay $0x3  }
0xa0: {  	p1 =	sne.s32 s17, $0x40;
	s16 =	sadd.s32 $0x10, s16;
	s0 =	sadd.s32 $0x10, s0;
	[tilespmem:v1+s21+$0x0] =	vst.idx.msk $0xffff, v2  }
0xa1: {  	s13 =	smov.u32 s17;
	s17 =	sadd.s32 $0x10, s17;
	v1 =	vld [tilespmem:s0+$0x0];
	_ =	sdelay $0x4  }
0xa2: {  	v2 =	vmul.u32 $0x5, v1;
	_ =	sdelay $0x4  }
0xa3: {  	v1 =	vmov s13  }
0xa4: {  	v1 =	vshll.u32 v1, $0x4;
	v3 =	vld.idx.msk [tilespmem:v2+s22+$0x0], $0xffff  }
0xa5: {  	v1 =	vor.u32 v0, v1  }
0xa6: {  	v4 =	vadd.s32 $0x1, v2;
	_ =	sdelay $0x3  }
0xa7: {  	[tilespmem:v1+s25+$0x0] =	vst.idx.msk $0xffff, v3  }
0xa8: {  	v3 =	vld.idx.msk [tilespmem:v4+s22+$0x0], $0xffff  }
0xa9: {  	v4 =	vor.u32 $0x1, v1  }
0xaa: {  	v5 =	vadd.s32 $0x2, v2;
	_ =	sdelay $0x3  }
0xab: {  	[tilespmem:v4+s25+$0x0] =	vst.idx.msk $0xffff, v3  }
0xac: {  	v3 =	vld.idx.msk [tilespmem:v5+s22+$0x0], $0xffff  }
0xad: {  	v4 =	vor.u32 $0x2, v1  }
0xae: {  	v5 =	vadd.s32 $0x3, v2;
	_ =	sdelay $0x3  }
0xaf: {  	[tilespmem:v4+s25+$0x0] =	vst.idx.msk $0xffff, v3  }
0xb0: {  	v3 =	vld.idx.msk [tilespmem:v5+s22+$0x0], $0xffff  }
0xb1: {  	v4 =	vor.u32 $0x3, v1  }
0xb2: {  	v2 =	vadd.s32 $0x4, v2;
	_ =	sdelay $0x3  }
0xb3: {  	[tilespmem:v4+s25+$0x0] =	vst.idx.msk $0xffff, v3  }
0xb4: {  	v2 =	vld.idx.msk [tilespmem:v2+s22+$0x0], $0xffff  }
0xb5: {  	v3 =	vor.u32 $0x4, v1;
	_ =	sdelay $0x1  }
.Ltmp3:
0xb6: {  	(pc) =	sbr.rel @p1 .LBB2_5-.Ltmp3, $3  }
0xb7: {  	_ =	sdelay $0x1  }
0xb8: {  	[tilespmem:v3+s25+$0x0] =	vst.idx.msk $0xffff, v2  }
0xb9: {  	v2 =	vld [tilespmem:s16+$0x0]  }
0xba: {  	_ =	sdelay $0x3  }
0xbb: {  	s0 =	sadd.s32 $0x2710, s15;
	[tilespmem:v1+s21+$0x0] =	vst.idx.msk $0xffff, v2  }
0xbc: {  	[spmem:s2] =	stream.indirect.scatter.add.f32 [tilespmem:s25], [sflag:$0x3], $0x10, s0, s26, $0xb8;
	[tilespmem:$0x1F0E0] =	vst v63  }
0xbd: {  	_ = 	snop  }
0xbe: {  	[spmem:s3] =	stream.indirect.scatter.add.f32 [tilespmem:s21], [sflag:$0x4], $0x10, s15, s26, $0xb8;
	[tilespmem:$0x1F0E0] =	vst v63  }
0xbf: {  	p1 =	seq.s32 s14, $0x3D;
	_ =	swait.ge [sflag:s28], $0x500  }
.Ltmp4:
0xc0: {  	[sflag:s28] =	ssyncset.done $0x0;
	(pc) =	sbr.rel @p1 .LBB2_10-.Ltmp4, $4  }
0xc1: {  	[sflag:s28] =	ssyncadd.s32 $0xFFFFFB00  }
0xc2: {  	_ =	swait.ge [sflag:s29], $0x500  }
0xc3: {  	[sflag:s29] =	ssyncset.done $0x0  }
0xc4: {  	[sflag:s29] =	ssyncadd.s32 $0xFFFFFB00  }
0xc5: {  	s23 =	sadd.s32 $0xA0, s23  }
0xc6: {  	s0 =	sadd.s32 s5, s23  }
0xc7: {  	s0 =	sshrl.u32 s0, $0x3  }
0xc8: {  	s13 =	simm.s32 $0x0;
	s15 =	simm.s32 $0x4E20;
	s0 =	sadd.s32 s7, s0  }
0xc9: {  	[tilespmem:s15], [sflag:$0x5] =	stream.linear.gather [hbm4b:s0+s13], $0x50, $0x38;
	[tilespmem:$0x1F0E0] =	vst v63  }
0xca: {  	_ =	swait.ge [sflag:s20], $0x50  }
0xcb: {  	[sflag:s20] =	ssyncset.done $0x0  }
0xcc: {  	[sflag:s20] =	ssyncadd.s32 $0xFFFFFFB0  }
0xcd: {  	v1 =	vld [tilespmem:s12+$0x0];
	_ =	sdelay $0x4  }
0xce: {  	v2 =	vmul.u32 $0x5, v1;
	_ =	sdelay $0x3  }
0xcf: {  	v1 =	vmov s13  }
0xd0: {  	v1 =	vshll.u32 v1, $0x4  }
0xd1: {  	v1 =	vor.u32 v0, v1;
	v3 =	vld.idx.msk [tilespmem:v2+s22+$0x0], $0xffff  }
0xd2: {  	v4 =	vadd.s32 $0x1, v2;
	_ =	sdelay $0x3  }
0xd3: {  	[tilespmem:v1+s24+$0x0] =	vst.idx.msk $0xffff, v3  }
0xd4: {  	v60 =	vor.u32 $0x1, v1;
	v3 =	vld.idx.msk [tilespmem:v4+s22+$0x0], $0xffff  }
0xd5: {  	v5 =	vadd.s32 $0x2, v2;
	_ =	sdelay $0x3  }
0xd6: {  	[tilespmem:v60+s24+$0x0] =	vst.idx.msk $0xffff, v3  }
0xd7: {  	v61 =	vor.u32 $0x2, v1;
	v3 =	vld.idx.msk [tilespmem:v5+s22+$0x0], $0xffff  }
0xd8: {  	v62 =	vadd.s32 $0x3, v2;
	_ =	sdelay $0x3  }
0xd9: {  	[tilespmem:v61+s24+$0x0] =	vst.idx.msk $0xffff, v3  }
0xda: {  	v63 =	vor.u32 $0x3, v1;
	v3 =	vld.idx.msk [tilespmem:v62+s22+$0x0], $0xffff  }
0xdb: {  	v2 =	vadd.s32 $0x4, v2;
	_ =	sdelay $0x3  }
0xdc: {  	[tilespmem:v63+s24+$0x0] =	vst.idx.msk $0xffff, v3  }
0xdd: {  	v3 =	vor.u32 $0x4, v1;
	v2 =	vld.idx.msk [tilespmem:v2+s22+$0x0], $0xffff;
	_ =	sdelay $0x4  }
0xde: {  	[tilespmem:v3+s24+$0x0] =	vst.idx.msk $0xffff, v2  }
0xdf: {  	s16 =	simm.s32 $0x10;
	s0 =	smov.u32 s12;
	v2 =	vld [tilespmem:s15+$0x0]  }
.LBB2_8:
0xe0: {  	_ =	sdelay $0x3  }
0xe1: {  	p1 =	sne.s32 s16, $0x40;
	s15 =	sadd.s32 $0x10, s15;
	s0 =	sadd.s32 $0x10, s0;
	[tilespmem:v1+s19+$0x0] =	vst.idx.msk $0xffff, v2  }
0xe2: {  	s13 =	smov.u32 s16;
	s16 =	sadd.s32 $0x10, s16;
	v1 =	vld [tilespmem:s0+$0x0];
	_ =	sdelay $0x4  }
0xe3: {  	v2 =	vmul.u32 $0x5, v1;
	_ =	sdelay $0x4  }
0xe4: {  	v1 =	vmov s13  }
0xe5: {  	v1 =	vshll.u32 v1, $0x4;
	v3 =	vld.idx.msk [tilespmem:v2+s22+$0x0], $0xffff  }
0xe6: {  	v1 =	vor.u32 v0, v1  }
0xe7: {  	v4 =	vadd.s32 $0x1, v2;
	_ =	sdelay $0x3  }
0xe8: {  	[tilespmem:v1+s24+$0x0] =	vst.idx.msk $0xffff, v3  }
0xe9: {  	v3 =	vld.idx.msk [tilespmem:v4+s22+$0x0], $0xffff  }
0xea: {  	v4 =	vor.u32 $0x1, v1  }
0xeb: {  	v5 =	vadd.s32 $0x2, v2;
	_ =	sdelay $0x3  }
0xec: {  	[tilespmem:v4+s24+$0x0] =	vst.idx.msk $0xffff, v3  }
0xed: {  	v3 =	vld.idx.msk [tilespmem:v5+s22+$0x0], $0xffff  }
0xee: {  	v4 =	vor.u32 $0x2, v1  }
0xef: {  	v5 =	vadd.s32 $0x3, v2;
	_ =	sdelay $0x3  }
0xf0: {  	[tilespmem:v4+s24+$0x0] =	vst.idx.msk $0xffff, v3  }
0xf1: {  	v3 =	vld.idx.msk [tilespmem:v5+s22+$0x0], $0xffff  }
0xf2: {  	v4 =	vor.u32 $0x3, v1  }
0xf3: {  	v2 =	vadd.s32 $0x4, v2;
	_ =	sdelay $0x3  }
0xf4: {  	[tilespmem:v4+s24+$0x0] =	vst.idx.msk $0xffff, v3  }
0xf5: {  	v2 =	vld.idx.msk [tilespmem:v2+s22+$0x0], $0xffff  }
0xf6: {  	v3 =	vor.u32 $0x4, v1;
	_ =	sdelay $0x1  }
.Ltmp5:
0xf7: {  	(pc) =	sbr.rel @p1 .LBB2_8-.Ltmp5, $3  }
0xf8: {  	_ =	sdelay $0x1  }
0xf9: {  	[tilespmem:v3+s24+$0x0] =	vst.idx.msk $0xffff, v2  }
0xfa: {  	v2 =	vld [tilespmem:s15+$0x0]  }
0xfb: {  	_ =	sdelay $0x2  }
.Ltmp6:
0xfc: {  	_ = 	snop;
	(pc) =	sbr.rel .LBB2_10-.Ltmp6, $4  }
0xfd: {  	s0 =	sadd.s32 $0x2710, s23;
	[tilespmem:v1+s19+$0x0] =	vst.idx.msk $0xffff, v2  }
0xfe: {  	[spmem:s2] =	stream.indirect.scatter.add.f32 [tilespmem:s24], [sflag:$0x1], $0x10, s0, s26, $0xb8;
	[tilespmem:$0x1F0E0] =	vst v63  }
0xff: {  	_ = 	snop  }
0x100: {  	[spmem:s3] =	stream.indirect.scatter.add.f32 [tilespmem:s19], [sflag:$0x2], $0x10, s23, s26, $0xb8;
	[tilespmem:$0x1F0E0] =	vst v63  }
.LBB2_11:
0x101: {  	s12 =	simm.s32 $0x0;
	s0 =	simm.s32 $0x4E20;
	s6 =	rddreg [dreg:$0x8]  }
0x102: {  	[tilespmem:s0], [sflag:$0x5] =	stream.linear.gather [hbm4b:s6+s12], $0x50, $0x38;
	[tilespmem:$0x1F0E0] =	vst v63  }
0x103: {  	_ =	swait.ge [sflag:s20], $0x50  }
0x104: {  	[sflag:s20] =	ssyncset.done $0x0  }
0x105: {  	s6 =	simm.s32 $0x26C0;
	[sflag:s20] =	ssyncadd.s32 $0xFFFFFFB0  }
0x106: {  	v1 =	vld [tilespmem:s6+$0x0];
	_ =	sdelay $0x4  }
0x107: {  	v2 =	vmul.u32 $0x5, v1;
	_ =	sdelay $0x3  }
0x108: {  	v1 =	vmov s12  }
0x109: {  	v1 =	vshll.u32 v1, $0x4  }
0x10a: {  	v1 =	vor.u32 v0, v1;
	v3 =	vld.idx.msk [tilespmem:v2+s22+$0x0], $0xffff  }
0x10b: {  	v4 =	vadd.s32 $0x1, v2;
	_ =	sdelay $0x3  }
0x10c: {  	[tilespmem:v1+s24+$0x0] =	vst.idx.msk $0xffff, v3  }
0x10d: {  	v60 =	vor.u32 $0x1, v1;
	v3 =	vld.idx.msk [tilespmem:v4+s22+$0x0], $0xffff  }
0x10e: {  	v5 =	vadd.s32 $0x2, v2;
	_ =	sdelay $0x3  }
0x10f: {  	[tilespmem:v60+s24+$0x0] =	vst.idx.msk $0xffff, v3  }
0x110: {  	v61 =	vor.u32 $0x2, v1;
	v3 =	vld.idx.msk [tilespmem:v5+s22+$0x0], $0xffff  }
0x111: {  	v62 =	vadd.s32 $0x3, v2;
	_ =	sdelay $0x3  }
0x112: {  	[tilespmem:v61+s24+$0x0] =	vst.idx.msk $0xffff, v3  }
0x113: {  	v63 =	vor.u32 $0x3, v1;
	v3 =	vld.idx.msk [tilespmem:v62+s22+$0x0], $0xffff  }
0x114: {  	v2 =	vadd.s32 $0x4, v2;
	_ =	sdelay $0x3  }
0x115: {  	[tilespmem:v63+s24+$0x0] =	vst.idx.msk $0xffff, v3  }
0x116: {  	v3 =	vor.u32 $0x4, v1;
	v2 =	vld.idx.msk [tilespmem:v2+s22+$0x0], $0xffff;
	_ =	sdelay $0x4  }
0x117: {  	[tilespmem:v3+s24+$0x0] =	vst.idx.msk $0xffff, v2  }
0x118: {  	s12 =	simm.s32 $0x10;
	v2 =	vld [tilespmem:s0+$0x0]  }
.LBB2_12:
0x119: {  	_ =	sdelay $0x3  }
0x11a: {  	p1 =	sne.s32 s12, $0x40;
	s0 =	sadd.s32 $0x10, s0;
	s6 =	sadd.s32 $0x10, s6;
	[tilespmem:v1+s19+$0x0] =	vst.idx.msk $0xffff, v2  }
0x11b: {  	s13 =	smov.u32 s12;
	s12 =	sadd.s32 $0x10, s12;
	v1 =	vld [tilespmem:s6+$0x0];
	_ =	sdelay $0x4  }
0x11c: {  	v2 =	vmul.u32 $0x5, v1;
	_ =	sdelay $0x4  }
0x11d: {  	v1 =	vmov s13  }
0x11e: {  	v1 =	vshll.u32 v1, $0x4;
	v3 =	vld.idx.msk [tilespmem:v2+s22+$0x0], $0xffff  }
0x11f: {  	v1 =	vor.u32 v0, v1  }
0x120: {  	v4 =	vadd.s32 $0x1, v2;
	_ =	sdelay $0x3  }
0x121: {  	[tilespmem:v1+s24+$0x0] =	vst.idx.msk $0xffff, v3  }
0x122: {  	v3 =	vld.idx.msk [tilespmem:v4+s22+$0x0], $0xffff  }
0x123: {  	v4 =	vor.u32 $0x1, v1  }
0x124: {  	v5 =	vadd.s32 $0x2, v2;
	_ =	sdelay $0x3  }
0x125: {  	[tilespmem:v4+s24+$0x0] =	vst.idx.msk $0xffff, v3  }
0x126: {  	v3 =	vld.idx.msk [tilespmem:v5+s22+$0x0], $0xffff  }
0x127: {  	v4 =	vor.u32 $0x2, v1  }
0x128: {  	v5 =	vadd.s32 $0x3, v2;
	_ =	sdelay $0x3  }
0x129: {  	[tilespmem:v4+s24+$0x0] =	vst.idx.msk $0xffff, v3  }
0x12a: {  	v3 =	vld.idx.msk [tilespmem:v5+s22+$0x0], $0xffff  }
0x12b: {  	v4 =	vor.u32 $0x3, v1  }
0x12c: {  	v2 =	vadd.s32 $0x4, v2;
	_ =	sdelay $0x3  }
0x12d: {  	[tilespmem:v4+s24+$0x0] =	vst.idx.msk $0xffff, v3  }
0x12e: {  	v2 =	vld.idx.msk [tilespmem:v2+s22+$0x0], $0xffff  }
0x12f: {  	v3 =	vor.u32 $0x4, v1;
	_ =	sdelay $0x1  }
.Ltmp7:
0x130: {  	(pc) =	sbr.rel @p1 .LBB2_12-.Ltmp7, $3  }
0x131: {  	_ =	sdelay $0x1  }
0x132: {  	[tilespmem:v3+s24+$0x0] =	vst.idx.msk $0xffff, v2  }
0x133: {  	v2 =	vld [tilespmem:s0+$0x0]  }
0x134: {  	_ =	sdelay $0x3  }
0x135: {  	s0 =	simm.s32 $0x4DD0;
	[tilespmem:v1+s19+$0x0] =	vst.idx.msk $0xffff, v2  }
0x136: {  	[spmem:s2] =	stream.indirect.scatter.add.f32 [tilespmem:s24], [sflag:$0x1], $0x10, s0, s26, $0xb8;
	[tilespmem:$0x1F0E0] =	vst v63  }
0x137: {  	s18 =	simm.s32 $0x26C0  }
0x138: {  	[spmem:s3] =	stream.indirect.scatter.add.f32 [tilespmem:s19], [sflag:$0x2], $0x10, s18, s26, $0xb8;
	[tilespmem:$0x1F0E0] =	vst v63  }
0x139: {  	_ =	swait.ge [sflag:s28], $0x500  }
0x13a: {  	[sflag:s28] =	ssyncset.done $0x0  }
0x13b: {  	[sflag:s28] =	ssyncadd.s32 $0xFFFFFB00  }
0x13c: {  	_ =	swait.ge [sflag:s29], $0x500  }
0x13d: {  	[sflag:s29] =	ssyncset.done $0x0  }
0x13e: {  	[sflag:s29] =	ssyncadd.s32 $0xFFFFFB00  }
0x13f: {  	s6 =	simm.s32 @!p0 $0x5;
	s0 =	simm.s32 @!p0 $0x125C0;
	[bflag:$0x0] =	sbarrier.arrive $0xFFFF  }
0x140: {  	[tilespmem:s0], [sflag:$0x5] =	stream.linear.gather @!p0 [spmem:s10], $0x3E80, $0x38;
	[tilespmem:$0x1F0E0] =	vst v63  }
0x141: {  	_ =	swait.ge @!p0 [sflag:s6], $0x3E80  }
0x142: {  	[sflag:s6] =	ssyncset.done @!p0 $0x0  }
0x143: {  	s12 =	simm.s32 @!p0 $0x0;
	s13 =	rddreg [dreg:$0x9];
	[sflag:s6] =	ssyncadd.s32 @!p0 $0xFFFFC180  }
0x144: {  	[hbm4b:s13+s12] =	stream.linear.scatter @!p0 [tilespmem:s0], [sflag:$0x5], $0x3E80, $0x38;
	[tilespmem:$0x1F0E0] =	vst v63  }
0x145: {  	_ =	swait.ge @!p0 [sflag:s6], $0x3E80  }
0x146: {  	[sflag:s6] =	ssyncset.done @!p0 $0x0  }
0x147: {  	s0 =	simm.s32 @!p0 $0x16440;
	[sflag:s6] =	ssyncadd.s32 @!p0 $0xFFFFC180  }
0x148: {  	[tilespmem:s0], [sflag:$0x5] =	stream.linear.gather @!p0 [spmem:s11], $0x3E80, $0x38;
	[tilespmem:$0x1F0E0] =	vst v63  }
0x149: {  	_ =	swait.ge @!p0 [sflag:s6], $0x3E80  }
0x14a: {  	[sflag:s6] =	ssyncset.done @!p0 $0x0  }
0x14b: {  	s13 =	rddreg [dreg:$0xa];
	[sflag:s6] =	ssyncadd.s32 @!p0 $0xFFFFC180  }
0x14c: {  	[hbm4b:s13+s12] =	stream.linear.scatter @!p0 [tilespmem:s0], [sflag:$0x5], $0x3E80, $0x38;
	[tilespmem:$0x1F0E0] =	vst v63  }
0x14d: {  	_ =	swait.ge @!p0 [sflag:s6], $0x3E80  }
0x14e: {  	s1 =	sadd.s32 $0x1, s1;
	s23 =	rddreg [dreg:$0xb]  }
0x14f: {  	p1 =	sne.s32 s1, s23  }
.Ltmp8:
0x150: {  	_ = 	snop;
	(pc) =	sbr.rel @p1 .LBB2_1-.Ltmp8, $3  }
0x151: {  	_ =	sdelay $0x1  }
0x152: {  	[sflag:s6] =	ssyncset.done @!p0 $0x0  }
0x153: {  	s13 =	simm.s32 $0x2710;
	[sflag:s6] =	ssyncadd.s32 @!p0 $0xFFFFC180  }
0x154: {  	_ =	sfence.sel $0x180000  }
0x155: {  	[bflag:$0x0] =	sbarrier.arrive $0xFFFF  }
0x156: {  	_ =	strace $0x90000047  }
0x157: {  	s0 =	stileid.u32;
	[bflag:$0x2] =	sbarrier.arrive $0xFFFF  }
0x158: {  	p0 =	sne.s32 s0, $0x0;
	s0 =	rddreg [dreg:$0x3]  }
0x159: {  	s0 =	sadd.s32 @!p0 $0x100000, s0  }
0x15a: {  	[sflag:s0] =	ssyncadd.tile.s32 @!p0 $0x1;
	_ =	shalt  }
.Lfunc_end2:
_tile_overlayer_lowered:
.L_overlay_start_2:
0x15b: {  	(tag) =	ssettag $0x2  }
0x15c: {  	s0 =	rddreg [dreg:$0x0];
	s2 =	stileid.u32  }
0x15d: {  	s1 =	rddreg [dreg:$0x1];
	p0 =	sne.s32 s2, $0x0  }
0x15e: {  	s3 =	rddreg [dreg:$0x2];
	[bflag:$0x3] =	sbarrier.arrive $0xFFFF;
	s2 =	simm.s32 @!p0 $0x1C05  }
0x15f: {  	[timem:s3], [sflag:s2] =	dma.local @!p0 [hbm:s0], s1  }
0x160: {  	s0 =	simm.s32 @!p0 $0x5  }
0x161: {  	_ =	swait.ge @!p0 [sflag:s0], s1  }
0x162: {  	s1 =	ssub.s32 @!p0 $0x0, s1;
	[sflag:s0] =	ssyncset.done @!p0 $0x0  }
0x163: {  	[sflag:s0] =	ssyncadd.s32 @!p0 s1  }
0x164: {  	[bflag:$0x3] =	sbarrier.arrive $0xFFFF  }
0x165: {  	_ =	shalt  }

// kernel: kernel.8.cloned.1.call-start
scs
__scs_entry_jumppad:
0x0: {  	(pc) =	sbr.rel $0x88, $3  }
0x1: {  	(tag) =	ssettag $0x0;
	lr =	simm.s32 $0x1  }
0x2: {  	[smem:$0x3F91] =	sst lr;
	_ =	strace $0xD0000000  }
0x3: {  	_ = 	snop  }
0x4: {  	_ = 	snop  }
0x5: {  	_ = 	snop  }
0x6: {  	_ = 	snop  }
0x7: {  	_ = 	snop  }
__scs_overlays_trampoline_lowered:
0x8: {  	[smem:$0x3FA0] =	sst s0  }
0x9: {  	[smem:$0x3FA1] =	sst s1  }
0xa: {  	[smem:$0x3FA2] =	sst s2  }
0xb: {  	[smem:$0x3FA3] =	sst s3  }
0xc: {  	[smem:$0x3FA4] =	sst s4  }
0xd: {  	[smem:$0x3FA5] =	sst s5  }
0xe: {  	[smem:$0x3FA6] =	sst s6  }
0xf: {  	[smem:$0x3FA7] =	sst s7  }
0x10: {  	[smem:$0x3FA8] =	sst s8  }
0x11: {  	[smem:$0x3FA9] =	sst s9;
	s0 =	simm.s32 @!p0 $0x0  }
0x12: {  	s1 =	sld [smem:$0x3F8F];
	s0 =	simm.s32 @p0 $0x1  }
0x13: {  	[smem:$0x3FAA] =	sst s0;
	s0 =	simm.s32 @!p1 $0x0  }
0x14: {  	s2 =	sld [smem:$0x3F8E];
	s0 =	simm.s32 @p1 $0x1  }
0x15: {  	[smem:$0x3FAB] =	sst s0;
	s0 =	simm.s32 @!p2 $0x0  }
0x16: {  	s3 =	sld [smem:$0x3FDB];
	s0 =	simm.s32 @p2 $0x1  }
0x17: {  	s4 =	simm.s32 $0x1BF5;
	[smem:$0x3FAD] =	sst s0  }
0x18: {  	s0 =	sld [smem:$0x3F90];
	_ =	swait.ge [sflag:s4], $0x0  }
0x19: {  	s7 =	sld [smem:$0x3F91]  }
0x1a: {  	s8 =	sadd.s32 $0xFFFFE003, lr  }
0x1b: {  	s9 =	sadd.s32 $0xFFFFFEF7, lr;
	s5 =	simm.s32 $0xFFFFFFFF;
	p2 =	slt.u32 s8, $0xFFFFF086  }
0x1c: {  	p1 =	slt.u32 s9, $0xF7A;
	s5 =	simm.s32 @!p2 $0x0  }
0x1d: {  	s5 =	simm.s32 @p1 $0x1;
	p0 =	seq.s32 s7, s2  }
0x1e: {  	s7 =	smul.u32 @!p0 $0xF7A, s2;
	p2 =	seq.s32 @!p0 s5, $0x0  }
0x1f: {  	s9 =	smul.u32 $0xF7A, s1;
	s8 =	simm.s32 @!p0 $0x1BF5;
	p2 =	por !p2, p0  }
0x20: {  	[sflag:s8] =	ssyncset.s32 @!p0 $0xFFFFF086;
	s6 =	sadd.s32 @!p0 s3, s7;
	s7 =	simm.s32 @!p0 $0x108  }
0x21: {  	s3 =	sadd.s32 s3, s9;
	s6 =	sadd.s32 @!p0 $0x88, s6;
	s7 =	simm.s32 @p2 $0x1082  }
0x22: {  	[simem:s7], [sflag:s8] =	dma.local @!p0 [hbm:s6], $0xF7A  }
0x23: {  	s9 =	sor.u32 $0xD0000000, s2;
	s6 =	simm.s32 $0x108;
	_ =	swait.ge @!p0 [sflag:s8], $0x0  }
0x24: {  	s3 =	sadd.s32 $0x88, s3;
	s6 =	simm.s32 @!p1 $0x1082;
	[sflag:s4] =	ssyncset.s32 $0xFFFFF086  }
0x25: {  	[simem:s6], [sflag:s4] =	dma.local [hbm:s3], $0xF7A  }
0x26: {  	[smem:$0x3F91] =	sst s1;
	(tag) =	ssettag s2;
	_ =	strace s9  }
0x27: {  	s1 =	sld [smem:$0x3FA1]  }
0x28: {  	s2 =	sld [smem:$0x3FA2]  }
0x29: {  	s4 =	sld [smem:$0x3FA4]  }
0x2a: {  	p0 =	seq.s32 s5, $0x0;
	s5 =	sld [smem:$0x3FA5]  }
0x2b: {  	s6 =	sld [smem:$0x3FA6]  }
0x2c: {  	s7 =	sld [smem:$0x3FA7]  }
0x2d: {  	s3 =	simm.s32 $0x108;
	s8 =	sld [smem:$0x3FA8]  }
0x2e: {  	s3 =	simm.s32 @!p0 $0x1082;
	s9 =	sld [smem:$0x3FA9]  }
0x2f: {  	lr =	sadd.s32 s0, s3;
	s0 =	sld [smem:$0x3FA0]  }
0x30: {  	s3 =	sld [smem:$0x3FA3]  }
0x31: {  	[smem:$0x3FAC] =	sst s10  }
0x32: {  	s10 =	sld [smem:$0x3FAA];
	_ =	sdelay $0x3  }
0x33: {  	p0 =	seq.s32 s10, $0x1;
	s10 =	sld [smem:$0x3FAC];
	_ =	sdelay $0x3  }
0x34: {  	[smem:$0x3FAC] =	sst s10  }
0x35: {  	s10 =	sld [smem:$0x3FAB];
	_ =	sdelay $0x3  }
0x36: {  	p1 =	seq.s32 s10, $0x1;
	s10 =	sld [smem:$0x3FAC];
	_ =	sdelay $0x3  }
0x37: {  	[smem:$0x3FAC] =	sst s10  }
0x38: {  	s10 =	sld [smem:$0x3FAD]  }
0x39: {  	_ = 	snop;
	(pc) =	sbr.ind lr, $3  }
0x3a: {  	_ = 	snop  }
0x3b: {  	_ = 	snop  }
0x3c: {  	p2 =	seq.s32 s10, $0x1;
	s10 =	sld [smem:$0x3FAC]  }
0x3d: {  	_ =	shalt  }
0x3e: {  	_ =	shalt  }
0x3f: {  	_ =	shalt  }
0x40: {  	_ =	shalt  }
0x41: {  	_ =	shalt  }
0x42: {  	_ =	shalt  }
0x43: {  	_ =	shalt  }
0x44: {  	_ =	shalt  }
0x45: {  	_ =	shalt  }
0x46: {  	_ =	shalt  }
0x47: {  	_ =	shalt  }
0x48: {  	_ =	shalt  }
0x49: {  	_ =	shalt  }
0x4a: {  	_ =	shalt  }
0x4b: {  	_ =	shalt  }
0x4c: {  	_ =	shalt  }
0x4d: {  	_ =	shalt  }
0x4e: {  	_ =	shalt  }
0x4f: {  	_ =	shalt  }
0x50: {  	_ =	shalt  }
0x51: {  	_ =	shalt  }
0x52: {  	_ =	shalt  }
0x53: {  	_ =	shalt  }
0x54: {  	_ =	shalt  }
0x55: {  	_ =	shalt  }
0x56: {  	_ =	shalt  }
0x57: {  	_ =	shalt  }
0x58: {  	_ =	shalt  }
0x59: {  	_ =	shalt  }
0x5a: {  	_ =	shalt  }
0x5b: {  	_ =	shalt  }
0x5c: {  	_ =	shalt  }
0x5d: {  	_ =	shalt  }
0x5e: {  	_ =	shalt  }
0x5f: {  	_ =	shalt  }
0x60: {  	_ =	shalt  }
0x61: {  	_ =	shalt  }
0x62: {  	_ =	shalt  }
0x63: {  	_ =	shalt  }
0x64: {  	_ =	shalt  }
0x65: {  	_ =	shalt  }
0x66: {  	_ =	shalt  }
0x67: {  	_ =	shalt  }
0x68: {  	_ =	shalt  }
0x69: {  	_ =	shalt  }
0x6a: {  	_ =	shalt  }
0x6b: {  	_ =	shalt  }
0x6c: {  	_ =	shalt  }
0x6d: {  	_ =	shalt  }
0x6e: {  	_ =	shalt  }
0x6f: {  	_ =	shalt  }
0x70: {  	_ =	shalt  }
0x71: {  	_ =	shalt  }
0x72: {  	_ =	shalt  }
0x73: {  	_ =	shalt  }
0x74: {  	_ =	shalt  }
0x75: {  	_ =	shalt  }
0x76: {  	_ =	shalt  }
0x77: {  	_ =	shalt  }
0x78: {  	_ =	shalt  }
0x79: {  	_ =	shalt  }
0x7a: {  	_ =	shalt  }
0x7b: {  	_ =	shalt  }
0x7c: {  	_ =	shalt  }
0x7d: {  	_ =	shalt  }
0x7e: {  	_ =	shalt  }
0x7f: {  	_ =	shalt  }
0x80: {  	_ =	shalt  }
0x81: {  	_ =	shalt  }
0x82: {  	_ =	shalt  }
0x83: {  	_ =	shalt  }
0x84: {  	_ =	shalt  }
0x85: {  	_ =	shalt  }
0x86: {  	_ =	shalt  }
0x87: {  	_ =	shalt  }
.Lfunc_end0:
.L_simem_size_0:
called_computation.1_lowered:
.L_overlay_start_0:
0x88: {  	s2 =	sld [smem:$0x3FD9]  }
0x89: {  	s3 =	sld [smem:$0x3FFE];
	_ =	sdelay $0x1  }
0x8a: {  	s1 =	srdreg.scid  }
0x8b: {  	s0 =	sand.u32 $0x1, s1  }
0x8c: {  	s16 =	sshll.u32 s0, $0xA;
	s2 =	sadd.s32 s3, s2  }
0x8d: {  	s2 =	sadd.s32 s2, s16  }
0x8e: {  	[smem:$0x3FB8] =	sst s2  }
0x8f: {  	_ = 	snop  }
0x90: {  	(tm) =	ssettm $0x1  }
0x91: {  	s17 =	sld [smem:$0x3FFB];
	_ =	sdelay $0x3  }
0x92: {  	_ =	strace s17  }
0x93: {  	s2 =	sld [smem:$0x3FFC];
	_ =	sdelay $0x3  }
0x94: {  	_ =	strace s2  }
0x95: {  	s2 =	sld [smem:$0x3FFD];
	_ =	sdelay $0x3  }
0x96: {  	_ =	strace s2  }
0x97: {  	_ =	strace $0x8FFFFFFF  }
0x98: {  	s18 =	sld [smem:$0x3FDB];
	_ =	sdelay $0x1  }
0x99: {  	s19 =	simm.s32 $_scs_section_size  }
0x9a: {  	s4 =	simm.s32 $_size__tile_overlayer_lowered;
	s5 =	simm.s32 $_tile_overlayer_lowered  }
0x9b: {  	s22 =	simm.s32 $0x1BFF;
	s21 =	sshll.u32 s5, $0x1;
	s2 =	sadd.s32 s19, s18  }
0x9c: {  	s6 =	simm.s32 $0x0;
	s20 =	sshll.u32 s4, $0x1;
	s4 =	sadd.s32 s21, s2  }
0x9d: {  	[timem:s6], [sflag:s22] =	dma.local [hbm:s4], s20  }
0x9e: {  	_ =	swait.ge [sflag:s22], s20  }
0x9f: {  	s3 =	ssub.s32 $0x0, s20;
	[sflag:s22] =	ssyncset.done $0x0  }
0xa0: {  	[sflag:s22] =	ssyncadd.s32 s3;
	_ =	sdelay $0x1  }
0xa1: {  	s23 =	simm.s32 $0x1B8B  }
0xa2: {  	_ =	swait.ge [sflag:s23], $0x1  }
0xa3: {  	[sflag:s23] =	ssyncset.done $0x0  }
0xa4: {  	s25 =	simm.s32 $0x1B8E;
	s24 =	sld [smem:$0x3FFE];
	[sflag:s23] =	ssyncadd.s32 $0xFFFFFFFF  }
0xa5: {  	s26 =	simm.s32 $execute0_lowered;
	[smem:$0x3FD2] =	sst s25  }
0xa6: {  	s4 =	sshll.u32 s26, $0x1;
	_ =	strace $0x80000049;
	[dreg:$0x1] =	wrdreg $0xFFFFFFFF  }
0xa7: {  	s28 =	simm.s32 $_size_execute0_lowered;
	s2 =	sadd.s32 s2, s4;
	[dreg:$0x0] =	wrdreg $0x0  }
0xa8: {  	s4 =	sshll.u32 s28, $0x1;
	[dreg:$0x2] =	wrdreg s2  }
0xa9: {  	[dreg:$0x3] =	wrdreg s4  }
0xaa: {  	[dreg:$0x4] =	wrdreg $0xC0  }
0xab: {  	_ =	task [dreg:s6], $0x5FFFF  }
0xac: {  	[dreg:$0x1] =	wrdreg $0xFFFFFFFF  }
0xad: {  	[dreg:$0x0] =	wrdreg $0x60  }
0xae: {  	[dreg:$0x2] =	wrdreg s24  }
0xaf: {  	[dreg:$0x3] =	wrdreg $0x9  }
0xb0: {  	_ =	task.clear_ibuf [dreg:s6], $0x4FFFF;
	_ =	strace $0x90000049  }
0xb1: {  	s29 =	simm.s32 $0x9;
	_ =	strace $0x8000004B  }
0xb2: {  	_ =	swait.ge [sflag:s29], $0x1  }
0xb3: {  	[sflag:s29] =	ssyncadd.s32 $0xFFFFFFFF  }
0xb4: {  	_ =	strace $0x9000004B  }
0xb5: {  	_ =	sfence  }
0xb6: {  	s30 =	sld [smem:$0x0];
	_ =	sdelay $0x2  }
0xb7: {  	s31 =	sshll.u32 s1, $0xD;
	s1 =	sshrl.u32 s1, $0x2  }
0xb8: {  	s3 =	sand.u32 $0x4000, s31;
	s1 =	sadd.s32 s1, s30  }
0xb9: {  	s0 =	sor.u32 s3, s0;
	s1 =	sshll.u32 s1, $0x11  }
0xba: {  	s0 =	sor.u32 s1, s0  }
0xbb: {  	s0 =	sadd.s32 $0x8F2B, s0  }
0xbc: {  	[sflag:s0] =	ssyncadd.remote.s32 $0x1  }
0xbd: {  	_ =	sfence.sel $0xFFFF  }
0xbe: {  	[dreg:$0x0] =	wrdreg $0xFFFFFFFF;
	(pc) =	sbr.abs _section_cstart, $3  }
0xbf: {  	[dreg:$0x1] =	wrdreg $0xFFFFFFFF  }
0xc0: {  	_ =	task.clear_ibuf [dreg:s6], $0x2FFFF;
	_ =	strace $0x9FFFFFFF  }
0xc1: {  	(tm) =	ssettm $0x7FFFFFFF  }
tec
execute0_lowered:
.L_overlay_start_1:
0x0: {  	(tag) =	ssettag $0x1  }
0x1: {  	s4 =	rddreg [dreg:$0x0];
	s1 =	srdreg.scid  }
0x2: {  	s2 =	simm.s32 $0x0;
	s0 =	stileid.u32;
	s10 =	simm.s32 $0x2710  }
0x3: {  	s11 =	simm.s32 $0x4E20;
	s12 =	simm.s32 $0x50;
	s13 =	simm.s32 $0x7530  }
0x4: {  	s14 =	simm.s32 $0x9D30;
	s15 =	simm.s32 $0xC530;
	s16 =	simm.s32 $0xED30  }
0x5: {  	s17 =	simm.s32 $0x1;
	s18 =	simm.s32 $0x2;
	s19 =	simm.s32 $0x3  }
0x6: {  	s20 =	simm.s32 $0x4;
	s21 =	simm.s32 $0x26C0;
	s22 =	simm.s32 $0x4DD0  }
0x7: {  	s23 =	simm.s32 $0x11530;
	s24 =	simm.s32 $0x0;
	s3 =	sand.u32 $0x1, s1  }
0x8: {  	[smem:$0x7FF] =	sst s2;
	s5 =	sshll.u32 s3, $0x4;
	s7 =	ssub.s32 $0x2, s3  }
0x9: {  	_ =	strace $0x8000004A;
	s5 =	sor.u32 s0, s5;
	s8 =	sshrl.u32 s7, $0x1  }
0xa: {  	s6 =	smul.u32 $0x4E2, s5;
	s5 =	sshll.u32 s5, $0x1;
	s8 =	ssub.s32 s7, s8  }
0xb: {  	s3 =	sadd.s32 $0x20A00, s4;
	s9 =	sadd.s32 s5, s4;
	s8 =	smax.u32 s8, $0x1  }
0xc: {  	s6 =	sadd.s32 s6, s4;
	s7 =	sadd.s32 $0x1400, s9;
	s9 =	simm.s32 $0x5  }
0xd: {  	s4 =	sadd.s32 $0xB400, s6;
	s5 =	sadd.s32 $0x1600, s6;
	s6 =	sadd.s32 $0x16C00, s6  }
.LBB2_1:
0xe: {  	[tilespmem:s2], [sflag:$0x5] =	stream.linear.gather [hbm4b:s4+s2], $0x2710, $0x38;
	[tilespmem:$0x11540] =	vst v63  }
0xf: {  	_ =	swait.ge [sflag:s9], $0x2710  }
0x10: {  	[sflag:s9] =	ssyncset.done $0x0  }
0x11: {  	[sflag:s9] =	ssyncadd.s32 $0xFFFFD8F0  }
0x12: {  	[tilespmem:s10], [sflag:$0x5] =	stream.linear.gather [hbm4b:s5+s2], $0x2710, $0x38;
	[tilespmem:$0x11540] =	vst v63  }
0x13: {  	_ =	swait.ge [sflag:s9], $0x2710  }
0x14: {  	[sflag:s9] =	ssyncset.done $0x0  }
0x15: {  	[sflag:s9] =	ssyncadd.s32 $0xFFFFD8F0  }
0x16: {  	[tilespmem:s11], [sflag:$0x5] =	stream.linear.gather [hbm4b:s6+s2], $0x2710, $0x38;
	[tilespmem:$0x11540] =	vst v63  }
0x17: {  	_ =	swait.ge [sflag:s9], $0x2710  }
0x18: {  	[sflag:s9] =	ssyncset.done $0x0  }
0x19: {  	[sflag:s9] =	ssyncadd.s32 $0xFFFFD8F0  }
0x1a: {  	[tilespmem:s13], [sflag:$0x1] =	stream.indirect.gather [hbm4b:s3+s12], $0x80, s2, s12, $0xb8;
	[tilespmem:$0x11540] =	vst v63  }
0x1b: {  	s25 =	simm.s32 $0x0;
	s26 =	simm.s32 $0x0  }
0x1c: {  	v0 =	vimm.f32 $0.0e+00;
	[tilespmem:s14], [sflag:$0x2] =	stream.indirect.gather [hbm4b:s3+s12], $0x80, s10, s12, $0xb8;
	[tilespmem:$0x11540] =	vst v63  }
.LBB2_3:
0x1d: {  	s28 =	smul.u32 $0xA0, s26;
	_ =	sdelay $0x1  }
0x1e: {  	s29 =	sadd.s32 $0x50, s28  }
0x1f: {  	[tilespmem:s15], [sflag:$0x3] =	stream.indirect.gather [hbm4b:s3+s12], $0x80, s29, s12, $0xb8;
	[tilespmem:$0x11540] =	vst v63  }
0x20: {  	s29 =	sadd.s32 $0x2760, s28  }
0x21: {  	[tilespmem:s16], [sflag:$0x4] =	stream.indirect.gather [hbm4b:s3+s12], $0x80, s29, s12, $0xb8;
	[tilespmem:$0x11540] =	vst v63  }
0x22: {  	_ =	swait.ge [sflag:s17], $0x2800  }
0x23: {  	[sflag:s17] =	ssyncset.done $0x0  }
0x24: {  	[sflag:s17] =	ssyncadd.s32 $0xFFFFD800  }
0x25: {  	_ =	swait.ge [sflag:s18], $0x2800  }
0x26: {  	[sflag:s18] =	ssyncset.done $0x0  }
0x27: {  	s30 =	simm.s32 $0x75B0;
	[sflag:s18] =	ssyncadd.s32 $0xFFFFD800  }
0x28: {  	s29 =	simm.s32 $0x9DB0;
	v1 =	vld [tilespmem:s30+$0xFFFFFFF0]  }
0x29: {  	v2 =	vld [tilespmem:s29+$0xFFFFFFF0]  }
0x2a: {  	v4 =	vld [tilespmem:s30+$0xFFFFFFE0]  }
0x2b: {  	v5 =	vld [tilespmem:s29+$0xFFFFFFE0]  }
0x2c: {  	v3 =	vld [tilespmem:s30+$0xFFFFFFD0]  }
0x2d: {  	v6 =	vld [tilespmem:s29+$0xFFFFFFD0]  }
0x2e: {  	v7 =	vld [tilespmem:s30+$0xFFFFFFC0]  }
0x2f: {  	v8 =	vld [tilespmem:s29+$0xFFFFFFC0]  }
0x30: {  	v9 =	vld [tilespmem:s30+$0xFFFFFFB0]  }
0x31: {  	v10 =	vld [tilespmem:s29+$0xFFFFFFB0]  }
0x32: {  	v11 =	vld [tilespmem:s30+$0xFFFFFFA0]  }
0x33: {  	v12 =	vld [tilespmem:s29+$0xFFFFFFA0]  }
0x34: {  	v13 =	vld [tilespmem:s30+$0x0]  }
0x35: {  	v14 =	vld [tilespmem:s29+$0x0]  }
0x36: {  	v15 =	vld [tilespmem:s30+$0xFFFFFF80]  }
0x37: {  	v16 =	vld [tilespmem:s29+$0xFFFFFF80]  }
0x38: {  	v17 =	vld [tilespmem:s30+$0xFFFFFF90]  }
0x39: {  	v18 =	vld [tilespmem:s29+$0xFFFFFF90]  }
0x3a: {  	v19 =	vld [tilespmem:s30+$0x10]  }
0x3b: {  	v20 =	vld [tilespmem:s29+$0x10]  }
0x3c: {  	s31 =	sadd.s32 $0xFFFFFFFE, s25;
	v21 =	vld [tilespmem:s30+$0x20]  }
0x3d: {  	s0 =	sadd.s32 $0x2, s31;
	v22 =	vld [tilespmem:s29+$0x20]  }
0x3e: {  	v23 =	vmov s0;
	v60 =	vld [tilespmem:s30+$0x30];
	v15 =	vmul.f32 v16, v15;
	v59 =	vmul.f32 v18, v17  }
0x3f: {  	v61 =	vand.u32 $0xFFFFFFFE, v23;
	v11 =	vmul.f32 v12, v11;
	v12 =	vld [tilespmem:s29+$0x30]  }
0x40: {  	v62 =	vld [tilespmem:s30+$0x40];
	v13 =	vmul.f32 v14, v13;
	v14 =	vmul.f32 v20, v19;
	v15 =	vadd.f32 v59, v15  }
0x41: {  	v18 =	vbroadcast v61, $0x0;
	v9 =	vmul.f32 v10, v9;
	v10 =	vld [tilespmem:s29+$0x40]  }
0x42: {  	v63 =	vld [tilespmem:s29+$0x50];
	v13 =	vadd.f32 v14, v13;
	v14 =	vmul.f32 v22, v21;
	v11 =	vadd.f32 v11, v15  }
0x43: {  	v8 =	vmul.f32 v8, v7;
	v15 =	vld [tilespmem:s30+$0x50]  }
0x44: {  	s1 =	sadd.s32 $0x3, s31;
	v7 =	vld [tilespmem:s30+$0x60];
	v13 =	vadd.f32 v14, v13;
	v12 =	vmul.f32 v12, v60;
	v11 =	vadd.f32 v9, v11  }
0x45: {  	v14 =	vmul.f32 v6, v3;
	v3 =	vmov s1;
	v9 =	vld [tilespmem:s29+$0x60]  }
0x46: {  	v6 =	vld [tilespmem:s30+$0x70];
	v16 =	vmul.f32 v10, v62;
	v13 =	vadd.f32 v12, v13;
	v11 =	vadd.f32 v8, v11  }
0x47: {  	v10 =	vmul.f32 v5, v4;
	v8 =	vld [tilespmem:s29+$0x70]  }
0x48: {  	s31 =	simm.s32 $0x76B0;
	s30 =	simm.s32 $0x0;
	v5 =	vld.idx.msk [tilespmem:v18+s11+$0x0], $0xffff;
	v12 =	vadd.f32 v14, v11;
	v11 =	vadd.f32 v16, v13;
	v13 =	vmul.f32 v63, v15  }
.LBB2_4:
0x49: {  	v4 =	vmul.f32 v2, v1;
	v1 =	vld [tilespmem:s31+$0xFFFFFFF0];
	s0 =	smov.u32 s30  }
0x4a: {  	s29 =	sadd.s32 $0x100, s29;
	v10 =	vadd.f32 v10, v12;
	v3 =	vld.idx.msk [tilespmem:v3+s11+$0x0], $0xffff;
	v11 =	vadd.f32 v13, v11;
	v7 =	vmul.f32 v9, v7  }
0x4b: {  	v2 =	vld [tilespmem:s29+$0xFFFFFFF0]  }
0x4c: {  	v12 =	vld [tilespmem:s31+$0xFFFFFFE0];
	v4 =	vadd.f32 v4, v10;
	v7 =	vadd.f32 v7, v11;
	v6 =	vmul.f32 v8, v6  }
0x4d: {  	v8 =	vld [tilespmem:s29+$0xFFFFFFE0]  }
0x4e: {  	v9 =	vld [tilespmem:s31+$0xFFFFFFD0];
	v4 =	vmul.f32 v4, v5;
	v5 =	vadd.f32 v6, v7  }
0x4f: {  	v6 =	vld [tilespmem:s29+$0xFFFFFFD0]  }
0x50: {  	v7 =	vld [tilespmem:s31+$0xFFFFFFC0];
	v0 =	vadd.f32 v4, v0;
	v3 =	vmul.f32 v5, v3  }
0x51: {  	v4 =	vld [tilespmem:s29+$0xFFFFFFC0]  }
0x52: {  	v5 =	vld [tilespmem:s31+$0xFFFFFFB0];
	v0 =	vadd.f32 v3, v0  }
0x53: {  	v3 =	vld [tilespmem:s29+$0xFFFFFFB0]  }
0x54: {  	v10 =	vld [tilespmem:s31+$0xFFFFFFA0]  }
0x55: {  	v11 =	vld [tilespmem:s29+$0xFFFFFFA0]  }
0x56: {  	v13 =	vld [tilespmem:s31+$0x0]  }
0x57: {  	v14 =	vld [tilespmem:s29+$0x0]  }
0x58: {  	v15 =	vld [tilespmem:s31+$0xFFFFFF80]  }
0x59: {  	v16 =	vld [tilespmem:s29+$0xFFFFFF80]  }
0x5a: {  	v17 =	vld [tilespmem:s31+$0xFFFFFF90]  }
0x5b: {  	s30 =	sadd.s32 $0x2, s30;
	v18 =	vld [tilespmem:s29+$0xFFFFFF90]  }
0x5c: {  	p0 =	slt.u32 s30, $0x4E;
	v19 =	vld [tilespmem:s31+$0x10]  }
0x5d: {  	v20 =	vld [tilespmem:s29+$0x10]  }
0x5e: {  	s0 =	sadd.s32 s0, s25;
	v21 =	vld [tilespmem:s31+$0x20]  }
0x5f: {  	s1 =	sadd.s32 $0x2, s0;
	v22 =	vld [tilespmem:s29+$0x20]  }
0x60: {  	v23 =	vmov s1;
	v15 =	vmul.f32 v16, v15;
	v16 =	vmul.f32 v18, v17;
	v17 =	vld [tilespmem:s31+$0x30]  }
0x61: {  	v10 =	vmul.f32 v11, v10;
	v18 =	vand.u32 $0xFFFFFFFE, v23;
	v11 =	vld [tilespmem:s29+$0x30]  }
0x62: {  	v13 =	vmul.f32 v14, v13;
	v15 =	vadd.f32 v16, v15;
	v14 =	vmul.f32 v20, v19;
	v16 =	vld [tilespmem:s31+$0x40]  }
0x63: {  	v3 =	vmul.f32 v3, v5;
	v18 =	vbroadcast v18, $0x0;
	v5 =	vld [tilespmem:s29+$0x40]  }
0x64: {  	v10 =	vadd.f32 v10, v15;
	v13 =	vadd.f32 v14, v13;
	v14 =	vmul.f32 v22, v21;
	v15 =	vld [tilespmem:s31+$0x50]  }
0x65: {  	v4 =	vmul.f32 v4, v7;
	v19 =	vld [tilespmem:s29+$0x50]  }
.Ltmp0:
0x66: {  	s0 =	sadd.s32 $0x3, s0;
	v10 =	vadd.f32 v3, v10;
	v13 =	vadd.f32 v14, v13;
	v11 =	vmul.f32 v11, v17;
	v7 =	vld [tilespmem:s31+$0x60];
	(pc) =	sbr.rel @p0 .LBB2_4-.Ltmp0, $4  }
0x67: {  	v14 =	vmul.f32 v6, v9;
	v3 =	vmov s0;
	v9 =	vld [tilespmem:s29+$0x60]  }
0x68: {  	v4 =	vadd.f32 v4, v10;
	v11 =	vadd.f32 v11, v13;
	v13 =	vmul.f32 v5, v16;
	v6 =	vld [tilespmem:s31+$0x70]  }
0x69: {  	v10 =	vmul.f32 v8, v12;
	v8 =	vld [tilespmem:s29+$0x70]  }
0x6a: {  	s31 =	sadd.s32 $0x100, s31;
	v5 =	vld.idx.msk [tilespmem:v18+s11+$0x0], $0xffff;
	v12 =	vadd.f32 v14, v4;
	v11 =	vadd.f32 v13, v11;
	v13 =	vmul.f32 v19, v15  }
0x6b: {  	_ =	sdelay $0x1  }
0x6c: {  	p0 =	seq.s32 s26, $0x3D  }
0x6d: {  	s0 =	sadd.s32 @!p0 $0xA0, s28;
	s1 =	simm.s32 @!p0 $0x50;
	s29 =	simm.s32 @!p0 $0x7530  }
0x6e: {  	v14 =	vld.idx.msk [tilespmem:v3+s11+$0x0], $0xffff;
	[tilespmem:s29], [sflag:$0x1] =	stream.indirect.gather @!p0 [hbm4b:s3+s1], $0x80, s0, s1, $0xb8  }
0x6f: {  	s0 =	sadd.s32 @!p0 $0x27B0, s28;
	s28 =	simm.s32 @!p0 $0x9D30  }
0x70: {  	[tilespmem:s28], [sflag:$0x2] =	stream.indirect.gather @!p0 [hbm4b:s3+s1], $0x80, s0, s1, $0xb8;
	[tilespmem:$0x11540] =	vst v63  }
0x71: {  	_ =	swait.ge [sflag:s19], $0x2800  }
0x72: {  	[sflag:s19] =	ssyncset.done $0x0  }
0x73: {  	[sflag:s19] =	ssyncadd.s32 $0xFFFFD800  }
0x74: {  	_ =	swait.ge [sflag:s20], $0x2800  }
0x75: {  	[sflag:s20] =	ssyncset.done $0x0  }
0x76: {  	s29 =	simm.s32 $0xC5B0;
	[sflag:s20] =	ssyncadd.s32 $0xFFFFD800  }
0x77: {  	s28 =	simm.s32 $0xEDB0;
	v3 =	vld [tilespmem:s29+$0xFFFFFFF0]  }
0x78: {  	v4 =	vld [tilespmem:s28+$0xFFFFFFF0]  }
0x79: {  	v15 =	vld [tilespmem:s29+$0xFFFFFFE0]  }
0x7a: {  	v16 =	vld [tilespmem:s28+$0xFFFFFFE0]  }
0x7b: {  	v17 =	vld [tilespmem:s29+$0xFFFFFFD0]  }
0x7c: {  	v18 =	vld [tilespmem:s28+$0xFFFFFFD0]  }
0x7d: {  	v19 =	vld [tilespmem:s29+$0xFFFFFFC0]  }
0x7e: {  	v20 =	vld [tilespmem:s28+$0xFFFFFFC0]  }
0x7f: {  	v21 =	vld [tilespmem:s29+$0xFFFFFFB0]  }
0x80: {  	v22 =	vld [tilespmem:s28+$0xFFFFFFB0]  }
0x81: {  	v23 =	vld [tilespmem:s29+$0xFFFFFFA0]  }
0x82: {  	v24 =	vld [tilespmem:s28+$0xFFFFFFA0]  }
0x83: {  	v25 =	vld [tilespmem:s29+$0x0]  }
0x84: {  	v26 =	vld [tilespmem:s29+$0xFFFFFF80]  }
0x85: {  	v27 =	vld [tilespmem:s28+$0xFFFFFF80]  }
0x86: {  	v28 =	vld [tilespmem:s29+$0xFFFFFF90]  }
0x87: {  	v29 =	vld [tilespmem:s28+$0xFFFFFF90]  }
0x88: {  	v30 =	vld [tilespmem:s28+$0x0]  }
0x89: {  	v31 =	vld [tilespmem:s29+$0x10]  }
0x8a: {  	v1 =	vmul.f32 v2, v1;
	v10 =	vadd.f32 v10, v12;
	v2 =	vld [tilespmem:s28+$0x10]  }
0x8b: {  	v11 =	vadd.f32 v13, v11;
	v7 =	vmul.f32 v9, v7;
	v9 =	vld [tilespmem:s29+$0x20]  }
0x8c: {  	v1 =	vadd.f32 v1, v10;
	v57 =	vld [tilespmem:s28+$0x20];
	v12 =	vmul.f32 v27, v26;
	v13 =	vmul.f32 v29, v28  }
0x8d: {  	v7 =	vadd.f32 v7, v11;
	v6 =	vmul.f32 v8, v6;
	s0 =	sadd.s32 $0xFFFFFFFE, s25;
	v10 =	vld [tilespmem:s29+$0x30]  }
0x8e: {  	s31 =	sadd.s32 $0x52, s0;
	v5 =	vmul.f32 v1, v5;
	v8 =	vmul.f32 v24, v23;
	v11 =	vadd.f32 v13, v12;
	v12 =	vld [tilespmem:s28+$0x30]  }
0x8f: {  	v58 =	vmov s31;
	v59 =	vld [tilespmem:s29+$0x40];
	v2 =	vmul.f32 v2, v31;
	v13 =	vmul.f32 v30, v25  }
0x90: {  	v60 =	vand.u32 $0xFFFFFFFE, v58;
	v21 =	vmul.f32 v22, v21;
	v8 =	vadd.f32 v8, v11;
	v11 =	vld [tilespmem:s28+$0x40]  }
0x91: {  	v61 =	vld [tilespmem:s29+$0x50];
	v9 =	vmul.f32 v57, v9;
	v2 =	vadd.f32 v2, v13;
	v13 =	vbroadcast v60, $0x0  }
0x92: {  	v6 =	vadd.f32 v6, v7;
	v62 =	vld [tilespmem:s28+$0x50];
	v7 =	vmul.f32 v20, v19;
	v8 =	vadd.f32 v21, v8  }
0x93: {  	s0 =	sadd.s32 $0x53, s0;
	v0 =	vadd.f32 v5, v0;
	v1 =	vld [tilespmem:s29+$0x60];
	v2 =	vadd.f32 v9, v2;
	v9 =	vmul.f32 v12, v10  }
0x94: {  	v6 =	vmul.f32 v6, v14;
	v5 =	vld [tilespmem:s28+$0x60];
	v12 =	vadd.f32 v7, v8;
	v8 =	vmov s0  }
0x95: {  	v10 =	vmul.f32 v18, v17;
	v7 =	vld [tilespmem:s28+$0x70];
	v14 =	vadd.f32 v9, v2;
	v63 =	vmul.f32 v11, v59  }
0x96: {  	v0 =	vadd.f32 v6, v0;
	v2 =	vld [tilespmem:s29+$0x70];
	v9 =	vmul.f32 v16, v15  }
0x97: {  	s26 =	sadd.s32 $0x1, s26;
	s30 =	simm.s32 $0xC6B0;
	s29 =	simm.s32 $0x0;
	v6 =	vld.idx.msk [tilespmem:v13+s11+$0x0], $0xffff;
	v11 =	vadd.f32 v10, v12;
	v12 =	vmul.f32 v62, v61;
	v10 =	vadd.f32 v63, v14  }
.LBB2_6:
0x98: {  	v13 =	vmul.f32 v4, v3;
	v3 =	vld [tilespmem:s30+$0xFFFFFFF0];
	s0 =	smov.u32 s29  }
0x99: {  	s28 =	sadd.s32 $0x100, s28;
	v9 =	vadd.f32 v9, v11;
	v8 =	vld.idx.msk [tilespmem:v8+s11+$0x0], $0xffff;
	v10 =	vadd.f32 v12, v10;
	v1 =	vmul.f32 v5, v1  }
0x9a: {  	v4 =	vld [tilespmem:s28+$0xFFFFFFF0]  }
0x9b: {  	v11 =	vld [tilespmem:s30+$0xFFFFFFE0];
	v5 =	vadd.f32 v13, v9;
	v1 =	vadd.f32 v1, v10;
	v2 =	vmul.f32 v7, v2  }
0x9c: {  	v7 =	vld [tilespmem:s28+$0xFFFFFFE0]  }
0x9d: {  	v9 =	vld [tilespmem:s30+$0xFFFFFFD0];
	v5 =	vmul.f32 v5, v6;
	v1 =	vadd.f32 v2, v1  }
0x9e: {  	v2 =	vld [tilespmem:s28+$0xFFFFFFD0]  }
0x9f: {  	v6 =	vld [tilespmem:s30+$0xFFFFFFC0];
	v0 =	vadd.f32 v5, v0;
	v1 =	vmul.f32 v1, v8  }
0xa0: {  	v5 =	vld [tilespmem:s28+$0xFFFFFFC0]  }
0xa1: {  	v8 =	vld [tilespmem:s30+$0xFFFFFFB0];
	v0 =	vadd.f32 v1, v0  }
0xa2: {  	v1 =	vld [tilespmem:s28+$0xFFFFFFB0]  }
0xa3: {  	v10 =	vld [tilespmem:s30+$0xFFFFFFA0]  }
0xa4: {  	v12 =	vld [tilespmem:s28+$0xFFFFFFA0]  }
0xa5: {  	v13 =	vld [tilespmem:s30+$0x0]  }
0xa6: {  	v14 =	vld [tilespmem:s28+$0x0]  }
0xa7: {  	v15 =	vld [tilespmem:s30+$0xFFFFFF80]  }
0xa8: {  	v16 =	vld [tilespmem:s28+$0xFFFFFF80]  }
0xa9: {  	v17 =	vld [tilespmem:s30+$0xFFFFFF90]  }
0xaa: {  	s29 =	sadd.s32 $0x2, s29;
	v18 =	vld [tilespmem:s28+$0xFFFFFF90]  }
0xab: {  	p0 =	slt.u32 s29, $0x4E;
	v19 =	vld [tilespmem:s30+$0x10]  }
0xac: {  	v20 =	vld [tilespmem:s28+$0x10]  }
0xad: {  	s0 =	sadd.s32 s0, s25;
	v21 =	vld [tilespmem:s30+$0x20]  }
0xae: {  	s1 =	sadd.s32 $0x52, s0;
	v22 =	vld [tilespmem:s28+$0x20]  }
0xaf: {  	v23 =	vmov s1;
	v15 =	vmul.f32 v16, v15;
	v16 =	vmul.f32 v18, v17;
	v17 =	vld [tilespmem:s30+$0x30]  }
0xb0: {  	v10 =	vmul.f32 v12, v10;
	v18 =	vand.u32 $0xFFFFFFFE, v23;
	v12 =	vld [tilespmem:s28+$0x30]  }
0xb1: {  	v13 =	vmul.f32 v14, v13;
	v15 =	vadd.f32 v16, v15;
	v14 =	vmul.f32 v20, v19;
	v16 =	vld [tilespmem:s30+$0x40]  }
0xb2: {  	v1 =	vmul.f32 v1, v8;
	v18 =	vbroadcast v18, $0x0;
	v19 =	vld [tilespmem:s28+$0x40]  }
0xb3: {  	v8 =	vadd.f32 v10, v15;
	v10 =	vadd.f32 v14, v13;
	v13 =	vmul.f32 v22, v21;
	v14 =	vld [tilespmem:s30+$0x50]  }
0xb4: {  	v6 =	vmul.f32 v5, v6;
	v15 =	vld [tilespmem:s28+$0x50]  }
.Ltmp1:
0xb5: {  	s0 =	sadd.s32 $0x53, s0;
	v20 =	vadd.f32 v1, v8;
	v10 =	vadd.f32 v13, v10;
	v12 =	vmul.f32 v12, v17;
	v1 =	vld [tilespmem:s30+$0x60];
	(pc) =	sbr.rel @p0 .LBB2_6-.Ltmp1, $4  }
0xb6: {  	v13 =	vmul.f32 v2, v9;
	v8 =	vmov s0;
	v5 =	vld [tilespmem:s28+$0x60]  }
0xb7: {  	v17 =	vadd.f32 v6, v20;
	v10 =	vadd.f32 v12, v10;
	v12 =	vmul.f32 v19, v16;
	v2 =	vld [tilespmem:s30+$0x70]  }
0xb8: {  	v9 =	vmul.f32 v7, v11;
	v7 =	vld [tilespmem:s28+$0x70]  }
0xb9: {  	s30 =	sadd.s32 $0x100, s30;
	v6 =	vld.idx.msk [tilespmem:v18+s11+$0x0], $0xffff;
	v11 =	vadd.f32 v13, v17;
	v10 =	vadd.f32 v12, v10;
	v12 =	vmul.f32 v15, v14  }
0xba: {  	_ =	sdelay $0x1  }
0xbb: {  	v3 =	vmul.f32 v4, v3  }
0xbc: {  	v61 =	vadd.f32 v9, v11;
	v62 =	vadd.f32 v12, v10;
	v1 =	vmul.f32 v5, v1  }
0xbd: {  	v63 =	vld.idx.msk [tilespmem:v8+s11+$0x0], $0xffff  }
0xbe: {  	v3 =	vadd.f32 v3, v61;
	v1 =	vadd.f32 v1, v62;
	v2 =	vmul.f32 v7, v2;
	_ =	sdelay $0x1  }
0xbf: {  	v3 =	vmul.f32 v3, v6;
	v1 =	vadd.f32 v2, v1;
	_ =	sdelay $0x1  }
0xc0: {  	v0 =	vadd.f32 v3, v0;
	v1 =	vmul.f32 v1, v63;
	_ =	sdelay $0x1  }
0xc1: {  	v0 =	vadd.f32 v1, v0  }
0xc2: {  	p0 =	seq.s32 s26, $0x3E  }
.Ltmp2:
0xc3: {  	_ = 	snop;
	(pc) =	sbr.rel @!p0 .LBB2_3-.Ltmp2, $2  }
0xc4: {  	_ =	sdelay $0x2  }
0xc5: {  	s25 =	sadd.s32 $0xA0, s25  }
0xc6: {  	[tilespmem:s13], [sflag:$0x1] =	stream.indirect.gather [hbm4b:s3+s12], $0x80, s21, s12, $0xb8;
	[tilespmem:$0x11540] =	vst v63  }
0xc7: {  	_ = 	snop  }
0xc8: {  	[tilespmem:s14], [sflag:$0x2] =	stream.indirect.gather [hbm4b:s3+s12], $0x80, s22, s12, $0xb8;
	[tilespmem:$0x11540] =	vst v63  }
0xc9: {  	_ =	swait.ge [sflag:s17], $0x2800  }
0xca: {  	[sflag:s17] =	ssyncset.done $0x0  }
0xcb: {  	[sflag:s17] =	ssyncadd.s32 $0xFFFFD800  }
0xcc: {  	_ =	swait.ge [sflag:s18], $0x2800  }
0xcd: {  	[sflag:s18] =	ssyncset.done $0x0  }
0xce: {  	s0 =	simm.s32 $0x75B0;
	[sflag:s18] =	ssyncadd.s32 $0xFFFFD800  }
0xcf: {  	s25 =	simm.s32 $0x9DB0;
	v1 =	vld [tilespmem:s0+$0xFFFFFFF0]  }
0xd0: {  	v2 =	vld [tilespmem:s25+$0xFFFFFFF0]  }
0xd1: {  	v6 =	vld [tilespmem:s0+$0xFFFFFFE0]  }
0xd2: {  	v7 =	vld [tilespmem:s25+$0xFFFFFFE0]  }
0xd3: {  	v4 =	vld [tilespmem:s0+$0xFFFFFFD0]  }
0xd4: {  	v5 =	vld [tilespmem:s25+$0xFFFFFFD0]  }
0xd5: {  	v3 =	vld [tilespmem:s0+$0xFFFFFFC0]  }
0xd6: {  	v8 =	vld [tilespmem:s25+$0xFFFFFFC0]  }
0xd7: {  	v9 =	vld [tilespmem:s0+$0xFFFFFFB0]  }
0xd8: {  	v10 =	vld [tilespmem:s25+$0xFFFFFFB0]  }
0xd9: {  	v11 =	vld [tilespmem:s0+$0xFFFFFFA0]  }
0xda: {  	v12 =	vld [tilespmem:s25+$0xFFFFFFA0]  }
0xdb: {  	v13 =	vld [tilespmem:s0+$0x0]  }
0xdc: {  	v15 =	vld [tilespmem:s0+$0xFFFFFF80]  }
0xdd: {  	v16 =	vld [tilespmem:s25+$0xFFFFFF80]  }
0xde: {  	v17 =	vld [tilespmem:s0+$0xFFFFFF90]  }
0xdf: {  	v18 =	vld [tilespmem:s25+$0xFFFFFF90]  }
0xe0: {  	v14 =	vld [tilespmem:s25+$0x0]  }
0xe1: {  	v19 =	vld [tilespmem:s0+$0x10]  }
0xe2: {  	v20 =	vld [tilespmem:s25+$0x10]  }
0xe3: {  	v21 =	vld [tilespmem:s0+$0x20]  }
0xe4: {  	v22 =	vld [tilespmem:s25+$0x20];
	v15 =	vmul.f32 v16, v15;
	v59 =	vmul.f32 v18, v17  }
0xe5: {  	v60 =	vld [tilespmem:s0+$0x30]  }
0xe6: {  	s1 =	simm.s32 $0x26C0;
	v11 =	vmul.f32 v12, v11;
	v12 =	vld [tilespmem:s25+$0x30];
	v15 =	vadd.f32 v59, v15  }
0xe7: {  	v23 =	vmov s1;
	v62 =	vld [tilespmem:s0+$0x40];
	v13 =	vmul.f32 v14, v13;
	v14 =	vmul.f32 v20, v19  }
0xe8: {  	v61 =	vand.u32 $0xFFFFFFFE, v23;
	v9 =	vmul.f32 v10, v9;
	v10 =	vld [tilespmem:s25+$0x40];
	v11 =	vadd.f32 v11, v15  }
0xe9: {  	v63 =	vld [tilespmem:s25+$0x50];
	v18 =	vbroadcast v61, $0x0;
	v13 =	vadd.f32 v14, v13;
	v14 =	vmul.f32 v22, v21  }
0xea: {  	v8 =	vmul.f32 v8, v3;
	v15 =	vld [tilespmem:s0+$0x50];
	v9 =	vadd.f32 v9, v11  }
0xeb: {  	s31 =	simm.s32 $0x26C1;
	v3 =	vld [tilespmem:s0+$0x60];
	v12 =	vmul.f32 v12, v60;
	v11 =	vadd.f32 v14, v13  }
0xec: {  	v13 =	vmul.f32 v5, v4;
	v5 =	vld [tilespmem:s25+$0x60];
	v14 =	vadd.f32 v8, v9;
	v8 =	vmov s31  }
0xed: {  	v10 =	vmul.f32 v10, v62;
	v4 =	vld [tilespmem:s0+$0x70];
	v12 =	vadd.f32 v12, v11  }
0xee: {  	v9 =	vmul.f32 v7, v6;
	v7 =	vld [tilespmem:s25+$0x70]  }
0xef: {  	s26 =	simm.s32 $0x0;
	s28 =	simm.s32 $0x76B0;
	v6 =	vld.idx.msk [tilespmem:v18+s11+$0x0], $0xffff;
	v11 =	vadd.f32 v13, v14;
	v10 =	vadd.f32 v10, v12;
	v12 =	vmul.f32 v63, v15  }
.LBB2_9:
0xf0: {  	v13 =	vmul.f32 v2, v1;
	v1 =	vld [tilespmem:s28+$0xFFFFFFF0];
	s29 =	smov.u32 s26  }
0xf1: {  	s25 =	sadd.s32 $0x100, s25;
	v9 =	vadd.f32 v9, v11;
	v8 =	vld.idx.msk [tilespmem:v8+s11+$0x0], $0xffff;
	v10 =	vadd.f32 v12, v10;
	v3 =	vmul.f32 v5, v3  }
0xf2: {  	v2 =	vld [tilespmem:s25+$0xFFFFFFF0]  }
0xf3: {  	v11 =	vld [tilespmem:s28+$0xFFFFFFE0];
	v5 =	vadd.f32 v13, v9;
	v3 =	vadd.f32 v3, v10;
	v4 =	vmul.f32 v7, v4  }
0xf4: {  	v7 =	vld [tilespmem:s25+$0xFFFFFFE0]  }
0xf5: {  	v9 =	vld [tilespmem:s28+$0xFFFFFFD0];
	v5 =	vmul.f32 v5, v6;
	v3 =	vadd.f32 v4, v3  }
0xf6: {  	v4 =	vld [tilespmem:s25+$0xFFFFFFD0]  }
0xf7: {  	v6 =	vld [tilespmem:s28+$0xFFFFFFC0];
	v0 =	vadd.f32 v5, v0;
	v3 =	vmul.f32 v3, v8  }
0xf8: {  	v5 =	vld [tilespmem:s25+$0xFFFFFFC0]  }
0xf9: {  	v8 =	vld [tilespmem:s28+$0xFFFFFFB0];
	v0 =	vadd.f32 v3, v0  }
0xfa: {  	v3 =	vld [tilespmem:s25+$0xFFFFFFB0]  }
0xfb: {  	v10 =	vld [tilespmem:s28+$0xFFFFFFA0]  }
0xfc: {  	v12 =	vld [tilespmem:s25+$0xFFFFFFA0]  }
0xfd: {  	v13 =	vld [tilespmem:s28+$0x0]  }
0xfe: {  	v14 =	vld [tilespmem:s25+$0x0]  }
0xff: {  	v15 =	vld [tilespmem:s28+$0xFFFFFF80]  }
0x100: {  	v16 =	vld [tilespmem:s25+$0xFFFFFF80]  }
0x101: {  	v17 =	vld [tilespmem:s28+$0xFFFFFF90]  }
0x102: {  	s26 =	sadd.s32 $0x2, s26;
	v18 =	vld [tilespmem:s25+$0xFFFFFF90]  }
0x103: {  	p0 =	slt.u32 s26, $0x4E;
	v19 =	vld [tilespmem:s28+$0x10]  }
0x104: {  	v20 =	vld [tilespmem:s25+$0x10]  }
0x105: {  	v21 =	vld [tilespmem:s28+$0x20]  }
0x106: {  	s0 =	sadd.s32 $0x26C2, s29;
	v22 =	vld [tilespmem:s25+$0x20]  }
0x107: {  	v23 =	vmov s0;
	v15 =	vmul.f32 v16, v15;
	v16 =	vmul.f32 v18, v17;
	v17 =	vld [tilespmem:s28+$0x30]  }
0x108: {  	v10 =	vmul.f32 v12, v10;
	v18 =	vand.u32 $0xFFFFFFFE, v23;
	v12 =	vld [tilespmem:s25+$0x30]  }
0x109: {  	v13 =	vmul.f32 v14, v13;
	v15 =	vadd.f32 v16, v15;
	v14 =	vmul.f32 v20, v19;
	v16 =	vld [tilespmem:s28+$0x40]  }
0x10a: {  	v3 =	vmul.f32 v3, v8;
	v18 =	vbroadcast v18, $0x0;
	v19 =	vld [tilespmem:s25+$0x40]  }
0x10b: {  	v8 =	vadd.f32 v10, v15;
	v10 =	vadd.f32 v14, v13;
	v13 =	vmul.f32 v22, v21;
	v14 =	vld [tilespmem:s28+$0x50]  }
0x10c: {  	v6 =	vmul.f32 v5, v6;
	v15 =	vld [tilespmem:s25+$0x50]  }
.Ltmp3:
0x10d: {  	s0 =	sadd.s32 $0x26C3, s29;
	v20 =	vadd.f32 v3, v8;
	v10 =	vadd.f32 v13, v10;
	v12 =	vmul.f32 v12, v17;
	v3 =	vld [tilespmem:s28+$0x60];
	(pc) =	sbr.rel @p0 .LBB2_9-.Ltmp3, $4  }
0x10e: {  	v13 =	vmul.f32 v4, v9;
	v8 =	vmov s0;
	v5 =	vld [tilespmem:s25+$0x60]  }
0x10f: {  	v17 =	vadd.f32 v6, v20;
	v10 =	vadd.f32 v12, v10;
	v12 =	vmul.f32 v19, v16;
	v4 =	vld [tilespmem:s28+$0x70]  }
0x110: {  	v9 =	vmul.f32 v7, v11;
	v7 =	vld [tilespmem:s25+$0x70]  }
0x111: {  	s28 =	sadd.s32 $0x100, s28;
	v6 =	vld.idx.msk [tilespmem:v18+s11+$0x0], $0xffff;
	v11 =	vadd.f32 v13, v17;
	v10 =	vadd.f32 v12, v10;
	v12 =	vmul.f32 v15, v14  }
0x112: {  	_ =	sdelay $0x1  }
0x113: {  	v1 =	vmul.f32 v2, v1  }
0x114: {  	v58 =	vadd.f32 v9, v11;
	v59 =	vadd.f32 v12, v10;
	v3 =	vmul.f32 v5, v3  }
0x115: {  	v60 =	vld.idx.msk [tilespmem:v8+s11+$0x0], $0xffff  }
0x116: {  	v1 =	vadd.f32 v1, v58;
	v61 =	vadd.f32 v3, v59;
	v62 =	vmul.f32 v7, v4;
	_ =	sdelay $0x1  }
0x117: {  	v1 =	vmul.f32 v1, v6;
	v2 =	vadd.f32 v62, v61;
	_ =	sdelay $0x1  }
0x118: {  	v0 =	vadd.f32 v1, v0;
	v63 =	vmul.f32 v2, v60;
	_ =	sdelay $0x1  }
0x119: {  	s24 =	sadd.s32 $0x1, s24;
	v0 =	vadd.f32 v63, v0  }
0x11a: {  	p0 =	sne.s32 s24, s8  }
.Ltmp4:
0x11b: {  	[tilespmem:$0x11530] =	vst v0;
	(pc) =	sbr.rel @p0 .LBB2_1-.Ltmp4, $4  }
0x11c: {  	[hbm4b:s7+s2] =	stream.linear.scatter [tilespmem:s23], [sflag:$0x5], $0x10, $0x38;
	[tilespmem:$0x11540] =	vst v63  }
0x11d: {  	_ =	swait.ge [sflag:s9], $0x10  }
0x11e: {  	[sflag:s9] =	ssyncset.done $0x0  }
0x11f: {  	[sflag:s9] =	ssyncadd.s32 $0xFFFFFFF0  }
0x120: {  	_ =	sfence.sel $0x180000  }
0x121: {  	[bflag:$0x0] =	sbarrier.arrive $0xFFFF  }
0x122: {  	_ =	strace $0x9000004A  }
0x123: {  	s0 =	stileid.u32;
	[bflag:$0x2] =	sbarrier.arrive $0xFFFF  }
0x124: {  	p0 =	sne.s32 s0, $0x0;
	s0 =	rddreg [dreg:$0x1]  }
0x125: {  	s0 =	sadd.s32 @!p0 $0x100000, s0  }
0x126: {  	[sflag:s0] =	ssyncadd.tile.s32 @!p0 $0x1;
	_ =	shalt  }
.Lfunc_end2:
_tile_overlayer_lowered:
.L_overlay_start_2:
0x127: {  	(tag) =	ssettag $0x2  }
0x128: {  	s0 =	rddreg [dreg:$0x0];
	s2 =	stileid.u32  }
0x129: {  	s1 =	rddreg [dreg:$0x1];
	p0 =	sne.s32 s2, $0x0  }
0x12a: {  	s3 =	rddreg [dreg:$0x2];
	[bflag:$0x3] =	sbarrier.arrive $0xFFFF;
	s2 =	simm.s32 @!p0 $0x1C05  }
0x12b: {  	[timem:s3], [sflag:s2] =	dma.local @!p0 [hbm:s0], s1  }
0x12c: {  	s0 =	simm.s32 @!p0 $0x5  }
0x12d: {  	_ =	swait.ge @!p0 [sflag:s0], s1  }
0x12e: {  	s1 =	ssub.s32 @!p0 $0x0, s1;
	[sflag:s0] =	ssyncset.done @!p0 $0x0  }
0x12f: {  	[sflag:s0] =	ssyncadd.s32 @!p0 s1  }
0x130: {  	[bflag:$0x3] =	sbarrier.arrive $0xFFFF  }
0x131: {  	_ =	shalt  }

</sc_bundles>
